<compile_context>
chip_gen: v7x
topology: tpu7x:2x2x1
jax: 0.10.2.dev20260603
libtpu: 0.0.44.dev20260713+nightly
codegen_flags: <defaults>
</compile_context>

<pallas_src>
import jax
import jax.numpy as jnp
from jax import lax
from jax.experimental import pallas as pl
from jax.experimental.pallas import tpu as pltpu
from jax.experimental.pallas import tpu_sc as plsc

N = 100000
M = 16384
D = 256
NC, NS = 2, 16
NW = NC * NS
NR = 3128
K = 64
POSB = 14
SENT = 1 << 30
NTC = 196
WL = NR + 2 * K

_i32 = jnp.int32


def _take16(x, idx):
    dnums = lax.GatherDimensionNumbers(
        offset_dims=(), collapsed_slice_dims=(0,), start_index_map=(0,))
    return lax.gather(x, idx[:, None], dnums, slice_sizes=(1,),
                      mode=lax.GatherScatterMode.PROMISE_IN_BOUNDS)


def _sca_body(idx_hbm, wsrc_hbm, wdst_hbm,
              ixr, cnts, tbl, wsrc, wdst, isem, osem):
    wid = lax.axis_index("s") * NC + lax.axis_index("c")
    base = wid * NR
    limit = jnp.minimum(base + NR, N)
    nrw = limit - base
    iota = lax.iota(_i32, 16)

    pltpu.async_copy(idx_hbm, ixr, isem)
    pltpu.make_async_copy(idx_hbm, ixr, isem).wait()

    def scan_body(c, _):
        v = ixr[pl.ds(c * 16, 16)]
        m = (v >= base) & (v < limit)
        code = jnp.where(m, (v - base) * (1 << POSB) + (c * 16 + iota), SENT)
        ixr[pl.ds(c * 16, 16)] = code
        f = jnp.where(m, 1, 0)
        for s in (1, 2, 4, 8):
            f = f | _take16(f, iota ^ s)
        cnts[pl.ds(c * 16, 16)] = f
        return _

    lax.fori_loop(0, M // 16, scan_body, jnp.int32(0))

    def init_body(c, _):
        tbl[pl.ds(c * 16, 16)] = jnp.full((16,), -1, _i32)
        return _

    lax.fori_loop(0, NTC, init_body, jnp.int32(0))

    def replay_body(c, _):
        flag = cnts[pl.ds(c * 16, 16)][0]

        @pl.when(flag > 0)
        def _chunk():
            codes = ixr[pl.ds(c * 16, 16)]
            for l in range(16):
                code = codes[l]

                @pl.when(code < SENT)
                def _hit(code=code):
                    r = code >> POSB
                    pos = code & ((1 << POSB) - 1)
                    r_al = pl.multiple_of((r >> 4) * 16, 16)
                    lane = r & 15
                    w = tbl[pl.ds(r_al, 16)]
                    tbl[pl.ds(r_al, 16)] = jnp.where(iota == lane, pos, w)
        return _

    lax.fori_loop(0, M // 16, replay_body, jnp.int32(0))

    def win_body(c, carry):
        tv = tbl[pl.ds(c * 16, 16)]

        def lane_step(l, carry):
            w, lp, ld = carry
            pos = tv[l]
            row = c * 16 + l

            def emit(_):
                w_al = pl.multiple_of((w >> 4) * 16, 16)
                lane = w & 15
                sv = wsrc[pl.ds(w_al, 16)]
                wsrc[pl.ds(w_al, 16)] = jnp.where(iota == lane, pos, sv)
                dv = wdst[pl.ds(w_al, 16)]
                wdst[pl.ds(w_al, 16)] = jnp.where(iota == lane, base + row, dv)
                return (w + 1, pos, base + row)
            return lax.cond((pos >= 0) & (row < nrw), emit,
                            lambda _: carry, 0)

        for l in range(16):
            carry = lane_step(l, carry)
        return carry

    wcnt, lastp, lastd = lax.fori_loop(
        0, NTC, win_body, (jnp.int32(0), jnp.int32(0), jnp.int32(0)))

    @pl.when(wcnt > 0)
    def _pad():
        a0 = pl.multiple_of((wcnt >> 4) * 16, 16)
        ps = jnp.full((16,), 0, _i32) + lastp
        pd = jnp.full((16,), 0, _i32) + lastd
        sv = wsrc[pl.ds(a0, 16)]
        dv = wdst[pl.ds(a0, 16)]
        keep = iota < (wcnt - a0)
        wsrc[pl.ds(a0, 16)] = jnp.where(keep, sv, ps)
        wdst[pl.ds(a0, 16)] = jnp.where(keep, dv, pd)
        for j in range(1, 1 + K // 16):
            wsrc[pl.ds(a0 + j * 16, 16)] = ps
            wdst[pl.ds(a0 + j * 16, 16)] = pd

    wsrc[pl.ds(WL - 16, 16)] = jnp.full((16,), 0, _i32) + wcnt
    wb = pl.multiple_of(wid * WL, 8)
    pltpu.async_copy(wsrc, wsrc_hbm.at[pl.ds(wb, WL)], osem)
    pltpu.make_async_copy(wsrc, wsrc_hbm.at[pl.ds(wb, WL)], osem).wait()
    pltpu.async_copy(wdst, wdst_hbm.at[pl.ds(wb, WL)], osem)
    pltpu.make_async_copy(wdst, wdst_hbm.at[pl.ds(wb, WL)], osem).wait()


def _scb_body(out_hbm, upd_hbm, wsrc_hbm, wdst_hbm,
              gb0, gb1, wsrc, wdst,
              sidx0, sidx1, didx0, didx1,
              g0, g1, s0, s1, isem):
    wid = lax.axis_index("s") * NC + lax.axis_index("c")

    wb = pl.multiple_of(wid * WL, 8)
    pltpu.async_copy(wsrc_hbm.at[pl.ds(wb, WL)], wsrc, isem)
    pltpu.make_async_copy(wsrc_hbm.at[pl.ds(wb, WL)], wsrc, isem).wait()
    pltpu.async_copy(wdst_hbm.at[pl.ds(wb, WL)], wdst, isem)
    pltpu.make_async_copy(wdst_hbm.at[pl.ds(wb, WL)], wdst, isem).wait()
    wcnt = wsrc[pl.ds(WL - 16, 16)][0]

    nbat = (wcnt + K - 1) // K
    sbufs = (gb0, gb1)
    sidx, didx = (sidx0, sidx1), (didx0, didx1)
    gsem, ssem = (g0, g1), (s0, s1)

    def bat_body(g, _):
        for p in range(2):
            bat = g * 2 + p

            @pl.when(bat < nbat)
            def _do(p=p, bat=bat):
                @pl.when(bat >= 2)
                def _wait_prev():
                    pltpu.make_async_copy(sbufs[p], out_hbm.at[didx[p]],
                                          ssem[p]).wait()

                for k2 in range(K // 16):
                    sl = pl.ds(bat * K + k2 * 16, 16)
                    sidx[p][pl.ds(k2 * 16, 16)] = wsrc[sl]
                    didx[p][pl.ds(k2 * 16, 16)] = wdst[sl]
                pltpu.async_copy(upd_hbm.at[sidx[p]], sbufs[p], gsem[p])
                pltpu.make_async_copy(upd_hbm.at[sidx[p]], sbufs[p],
                                      gsem[p]).wait()
                pltpu.async_copy(sbufs[p], out_hbm.at[didx[p]], ssem[p])
        return _

    lax.fori_loop(0, (nbat + 1) // 2, bat_body, jnp.int32(0))

    for p in range(2):
        @pl.when(nbat > p)
        def _drain(p=p):
            pltpu.make_async_copy(sbufs[p], out_hbm.at[didx[p]],
                                  ssem[p]).wait()


@jax.jit
def _scatter_overwrite(input, indices, update):
    mesh = plsc.VectorSubcoreMesh(core_axis_name="c", subcore_axis_name="s")

    sca = pl.kernel(
        _sca_body,
        out_type=(jax.ShapeDtypeStruct((NW * WL,), _i32),
                  jax.ShapeDtypeStruct((NW * WL,), _i32)),
        mesh=mesh,
        scratch_types=[
            pltpu.VMEM((M,), _i32),
            pltpu.VMEM((M,), _i32),
            pltpu.VMEM((NTC * 16,), _i32),
            pltpu.VMEM((WL,), _i32),
            pltpu.VMEM((WL,), _i32),
            pltpu.SemaphoreType.DMA,
            pltpu.SemaphoreType.DMA,
        ],
    )
    wsrc_h, wdst_h = sca(indices)

    copied = input.reshape(N, D)
    upd2d = update.reshape(M, D)

    scb = pl.kernel(
        _scb_body,
        out_type=(),
        mesh=mesh,
        scratch_types=[
            pltpu.VMEM((K, D), jnp.float32),
            pltpu.VMEM((K, D), jnp.float32),
            pltpu.VMEM((WL,), _i32),
            pltpu.VMEM((WL,), _i32),
            pltpu.VMEM((K,), _i32),
            pltpu.VMEM((K,), _i32),
            pltpu.VMEM((K,), _i32),
            pltpu.VMEM((K,), _i32),
        ] + [pltpu.SemaphoreType.DMA] * 5,
    )
    ref = jax.new_ref(copied)
    scb(ref, upd2d, wsrc_h, wdst_h)
    return ref[...].reshape(N, 4, 64)


def kernel(input, indices, update):
    return _scatter_overwrite(input, indices.astype(jnp.int32), update)

# --- scband reference (transcript-rebuilt; emitter-appended) ---
"""Pipeline reference for scband-model-new-17411797418166 (READ-ONLY COPY).

The authoritative reference and input builder live on the scoring server;
editing this copy changes nothing except your own understanding.
"""

import jax, jax.numpy as jnp
import numpy as np


def setup_inputs(seed: int = 0) -> dict:
    key = jax.random.key(seed)
    k1, k2, k3 = jax.random.split(key, 3)
    input = jax.random.normal(k1, (100000, 4, 64), dtype=jnp.float32)
    indices = jax.random.randint(k2, (16384,), 0, 100000, dtype=jnp.int64)
    update = jax.random.normal(k3, (16384, 4, 64), dtype=jnp.float32)
    return {"input": input, "indices": indices, "update": update}


def reference(input, indices, update):
    # scatter block overwrite: output = input.clone(); output[indices] = update
    output = input.at[indices].set(update)
    return output

if __name__ == "__main__":
    import jax
    _d = setup_inputs()
    print(jax.jit(kernel)(*tuple(_d.values())))

</pallas_src>

<mosaic_0001>
#map = affine_map<(d0, d1) -> (0)>
module attributes {stable_mosaic.version = 14 : i64} {
  func.func @_sca_body(%arg0: i32, %arg1: i32, %arg2: memref<16384xi32, #tpu.memory_space<hbm>>, %arg3: memref<104192xi32, #tpu.memory_space<hbm>>, %arg4: memref<104192xi32, #tpu.memory_space<hbm>>, %arg5: memref<16384xi32, #tpu.memory_space<vmem>>, %arg6: memref<16384xi32, #tpu.memory_space<vmem>>, %arg7: memref<3136xi32, #tpu.memory_space<vmem>>, %arg8: memref<3256xi32, #tpu.memory_space<vmem>>, %arg9: memref<3256xi32, #tpu.memory_space<vmem>>, %arg10: memref<!tpu.dma_semaphore, #tpu.memory_space<semaphore_mem>>, %arg11: memref<!tpu.dma_semaphore, #tpu.memory_space<semaphore_mem>>) attributes {dimension_semantics = [#tpu.dimension_semantics<core_parallel>, #tpu.dimension_semantics<subcore_parallel>], iteration_bounds = array<i64: 2, 16>, scalar_prefetch = 0 : i64, scratch_operands = 7 : i64, tpu.core_type = #tpu.core_type<sc_vector_subcore>, window_params = [{transform_indices = #map}, {transform_indices = #map}, {transform_indices = #map}]} {
    %mul3A = arith.constant 2 : i32
    %mul3A_0 = arith.muli %arg1, %mul3A : i32
    %add3A = arith.addi %mul3A_0, %arg0 : i32
    %mul3A_1 = arith.constant 3128 : i32
    %mul3A_2 = arith.muli %add3A, %mul3A_1 : i32
    %add3A_3 = arith.constant 3128 : i32
    %add3A_4 = arith.addi %mul3A_2, %add3A_3 : i32
    %min3A = arith.constant 100000 : i32
    %min3A_5 = arith.minsi %add3A_4, %min3A : i32
    %sub3A = arith.subi %min3A_5, %mul3A_2 : i32
    %iota3A = tpu.iota {dimensions = array<i32: 0>} : vector<16xi32>
    tpu.enqueue_dma source(%arg2 : memref<16384xi32, #tpu.memory_space<hbm>>) target(%arg5 : memref<16384xi32, #tpu.memory_space<vmem>>) target_semaphore(%arg10 : memref<!tpu.dma_semaphore, #tpu.memory_space<semaphore_mem>>)
    tpu.wait_dma2 semaphore(%arg10 : memref<!tpu.dma_semaphore, #tpu.memory_space<semaphore_mem>>) src(%arg2 : memref<16384xi32, #tpu.memory_space<hbm>>) dst(%arg5 : memref<16384xi32, #tpu.memory_space<vmem>>)
    %scan3A = arith.constant 0 : i32
    %scan3A_6 = arith.constant 0 : i32
    %scan3A_7 = arith.constant 1024 : i32
    %scan3A_8 = arith.addi %scan3A_6, %scan3A_7 : i32
    %scan3A_9 = arith.constant 1 : i32
    scf.for %scan3A_48 = %scan3A_6 to %scan3A_8 step %scan3A_9  : i32 {
      %mul3A_49 = arith.constant 16 : i32
      %mul3A_50 = arith.muli %scan3A_48, %mul3A_49 : i32
      %get3A = arith.index_cast %mul3A_50 : i32 to index
      %get3A_51 = tpu.vector_load %arg5[%get3A] {strides = array<i32>} : memref<16384xi32, #tpu.memory_space<vmem>>, vector<16xi32>,
      %get3A_52 = vector.shape_cast %get3A_51 : vector<16xi32> to vector<16xi32>
      %ge3A = vector.broadcast %mul3A_2 : i32 to vector<16xi32>
      %ge3A_53 = arith.cmpi sge, %get3A_52, %ge3A : vector<16xi32>
      %lt3A = vector.broadcast %min3A_5 : i32 to vector<16xi32>
      %lt3A_54 = arith.cmpi slt, %get3A_52, %lt3A : vector<16xi32>
      %and3A = arith.andi %ge3A_53, %lt3A_54 : vector<16xi1>
      %sub3A_55 = vector.broadcast %mul3A_2 : i32 to vector<16xi32>
      %sub3A_56 = arith.subi %get3A_52, %sub3A_55 : vector<16xi32>
      %mul3A_57 = arith.constant 16384 : i32
      %mul3A_58 = vector.broadcast %mul3A_57 : i32 to vector<16xi32>
      %mul3A_59 = arith.muli %sub3A_56, %mul3A_58 : vector<16xi32>
      %mul3A_60 = arith.constant 16 : i32
      %mul3A_61 = arith.muli %scan3A_48, %mul3A_60 : i32
      %add3A_62 = vector.broadcast %mul3A_61 : i32 to vector<16xi32>
      %add3A_63 = arith.addi %add3A_62, %iota3A : vector<16xi32>
      %add3A_64 = arith.addi %mul3A_59, %add3A_63 : vector<16xi32>
      %jit3A = arith.constant 1073741824 : i32
      %broadcast_in_dim3A_65 = vector.broadcast %jit3A : i32 to vector<16xi32>
      %select_n3A = arith.select %and3A, %add3A_64, %broadcast_in_dim3A_65 : vector<16xi1>, vector<16xi32>
      %mul3A_66 = arith.constant 16 : i32
      %mul3A_67 = arith.muli %scan3A_48, %mul3A_66 : i32
      %swap3A_68 = arith.index_cast %mul3A_67 : i32 to index
      %swap3A_69 = tpu.vector_load %arg5[%swap3A_68] {strides = array<i32>} : memref<16384xi32, #tpu.memory_space<vmem>>, vector<16xi32>,
      %swap3A_70 = vector.shape_cast %swap3A_69 : vector<16xi32> to vector<16xi32>
      %swap3A_71 = vector.shape_cast %select_n3A : vector<16xi32> to vector<16xi32>
      tpu.vector_store %arg5[%swap3A_68], %swap3A_71 {strides = array<i32>} : memref<16384xi32, #tpu.memory_space<vmem>>, vector<16xi32>,
      %jit3A_72 = arith.constant 1 : i32
      %jit3A_73 = arith.constant 0 : i32
      %broadcast_in_dim3A_74 = vector.broadcast %jit3A_72 : i32 to vector<16xi32>
      %broadcast_in_dim3A_75 = vector.broadcast %jit3A_73 : i32 to vector<16xi32>
      %select_n3A_76 = arith.select %and3A, %broadcast_in_dim3A_74, %broadcast_in_dim3A_75 : vector<16xi1>, vector<16xi32>
      %xor3A = arith.constant 1 : i32
      %xor3A_77 = vector.broadcast %xor3A : i32 to vector<16xi32>
      %xor3A_78 = arith.xori %iota3A, %xor3A_77 : vector<16xi32>
      %broadcast_in_dim3A_79 = vector.shape_cast %xor3A_78 : vector<16xi32> to vector<16x1xi32>
      %gather3A = vector.shape_cast %broadcast_in_dim3A_79 : vector<16x1xi32> to vector<16xi32>
      %gather3A_80 = tpu.dynamic_gather %select_n3A_76[%gather3A] in [0] : vector<16xi32>, vector<16xi32> -> vector<16xi32>
      %or3A = arith.ori %select_n3A_76, %gather3A_80 : vector<16xi32>
      %xor3A_81 = arith.constant 2 : i32
      %xor3A_82 = vector.broadcast %xor3A_81 : i32 to vector<16xi32>
      %xor3A_83 = arith.xori %iota3A, %xor3A_82 : vector<16xi32>
      %broadcast_in_dim3A_84 = vector.shape_cast %xor3A_83 : vector<16xi32> to vector<16x1xi32>
      %gather3A_85 = vector.shape_cast %broadcast_in_dim3A_84 : vector<16x1xi32> to vector<16xi32>
      %gather3A_86 = tpu.dynamic_gather %or3A[%gather3A_85] in [0] : vector<16xi32>, vector<16xi32> -> vector<16xi32>
      %or3A_87 = arith.ori %or3A, %gather3A_86 : vector<16xi32>
      %xor3A_88 = arith.constant 4 : i32
      %xor3A_89 = vector.broadcast %xor3A_88 : i32 to vector<16xi32>
      %xor3A_90 = arith.xori %iota3A, %xor3A_89 : vector<16xi32>
      %broadcast_in_dim3A_91 = vector.shape_cast %xor3A_90 : vector<16xi32> to vector<16x1xi32>
      %gather3A_92 = vector.shape_cast %broadcast_in_dim3A_91 : vector<16x1xi32> to vector<16xi32>
      %gather3A_93 = tpu.dynamic_gather %or3A_87[%gather3A_92] in [0] : vector<16xi32>, vector<16xi32> -> vector<16xi32>
      %or3A_94 = arith.ori %or3A_87, %gather3A_93 : vector<16xi32>
      %xor3A_95 = arith.constant 8 : i32
      %xor3A_96 = vector.broadcast %xor3A_95 : i32 to vector<16xi32>
      %xor3A_97 = arith.xori %iota3A, %xor3A_96 : vector<16xi32>
      %broadcast_in_dim3A_98 = vector.shape_cast %xor3A_97 : vector<16xi32> to vector<16x1xi32>
      %gather3A_99 = vector.shape_cast %broadcast_in_dim3A_98 : vector<16x1xi32> to vector<16xi32>
      %gather3A_100 = tpu.dynamic_gather %or3A_94[%gather3A_99] in [0] : vector<16xi32>, vector<16xi32> -> vector<16xi32>
      %or3A_101 = arith.ori %or3A_94, %gather3A_100 : vector<16xi32>
      %mul3A_102 = arith.constant 16 : i32
      %mul3A_103 = arith.muli %scan3A_48, %mul3A_102 : i32
      %swap3A_104 = arith.index_cast %mul3A_103 : i32 to index
      %swap3A_105 = tpu.vector_load %arg6[%swap3A_104] {strides = array<i32>} : memref<16384xi32, #tpu.memory_space<vmem>>, vector<16xi32>,
      %swap3A_106 = vector.shape_cast %swap3A_105 : vector<16xi32> to vector<16xi32>
      %swap3A_107 = vector.shape_cast %or3A_101 : vector<16xi32> to vector<16xi32>
      tpu.vector_store %arg6[%swap3A_104], %swap3A_107 {strides = array<i32>} : memref<16384xi32, #tpu.memory_space<vmem>>, vector<16xi32>,
    }
    %scan3A_10 = arith.constant 1024 : i32
    %scan3A_11 = arith.constant 0 : i32
    %scan3A_12 = arith.constant 0 : i32
    %scan3A_13 = arith.constant 196 : i32
    %scan3A_14 = arith.addi %scan3A_12, %scan3A_13 : i32
    %scan3A_15 = arith.constant 1 : i32
    scf.for %scan3A_48 = %scan3A_12 to %scan3A_14 step %scan3A_15  : i32 {
      %broadcast_in_dim3A_49 = arith.constant -1 : i32
      %broadcast_in_dim3A_50 = vector.broadcast %broadcast_in_dim3A_49 : i32 to vector<16xi32>
      %mul3A_51 = arith.constant 16 : i32
      %mul3A_52 = arith.muli %scan3A_48, %mul3A_51 : i32
      %swap3A_53 = arith.index_cast %mul3A_52 : i32 to index
      %swap3A_54 = tpu.vector_load %arg7[%swap3A_53] {strides = array<i32>} : memref<3136xi32, #tpu.memory_space<vmem>>, vector<16xi32>,
      %swap3A_55 = vector.shape_cast %swap3A_54 : vector<16xi32> to vector<16xi32>
      %swap3A_56 = vector.shape_cast %broadcast_in_dim3A_50 : vector<16xi32> to vector<16xi32>
      tpu.vector_store %arg7[%swap3A_53], %swap3A_56 {strides = array<i32>} : memref<3136xi32, #tpu.memory_space<vmem>>, vector<16xi32>,
    }
    %scan3A_16 = arith.constant 196 : i32
    %scan3A_17 = arith.constant 0 : i32
    %scan3A_18 = arith.constant 0 : i32
    %scan3A_19 = arith.constant 1024 : i32
    %scan3A_20 = arith.addi %scan3A_18, %scan3A_19 : i32
    %scan3A_21 = arith.constant 1 : i32
    scf.for %scan3A_48 = %scan3A_18 to %scan3A_20 step %scan3A_21  : i32 {
      %mul3A_49 = arith.constant 16 : i32
      %mul3A_50 = arith.muli %scan3A_48, %mul3A_49 : i32
      %get3A = arith.index_cast %mul3A_50 : i32 to index
      %get3A_51 = tpu.vector_load %arg6[%get3A] {strides = array<i32>} : memref<16384xi32, #tpu.memory_space<vmem>>, vector<16xi32>,
      %get3A_52 = vector.shape_cast %get3A_51 : vector<16xi32> to vector<16xi32>
      %slice3A = vector.extract_strided_slice %get3A_52 {offsets = [0], sizes = [1], strides = [1]} : vector<16xi32> to vector<1xi32>
      %squeeze3A = vector.extract %slice3A[0] : i32 from vector<1xi32>
      %gt3A_53 = arith.constant 0 : i32
      %gt3A_54 = arith.cmpi sgt, %squeeze3A, %gt3A_53 : i32
      %convert_element_type3A_55 = arith.extui %gt3A_54 : i1 to i32
      %cond3A_56 = arith.constant 0 : i32
      %cond3A_57 = arith.cmpi ne, %convert_element_type3A_55, %cond3A_56 : i32
      scf.if %cond3A_57 {
        %mul3A_58 = arith.constant 16 : i32
        %mul3A_59 = arith.muli %scan3A_48, %mul3A_58 : i32
        %get3A_60 = arith.index_cast %mul3A_59 : i32 to index
        %get3A_61 = tpu.vector_load %arg5[%get3A_60] {strides = array<i32>} : memref<16384xi32, #tpu.memory_space<vmem>>, vector<16xi32>,
        %get3A_62 = vector.shape_cast %get3A_61 : vector<16xi32> to vector<16xi32>
        %slice3A_63 = vector.extract_strided_slice %get3A_62 {offsets = [0], sizes = [1], strides = [1]} : vector<16xi32> to vector<1xi32>
        %squeeze3A_64 = vector.extract %slice3A_63[0] : i32 from vector<1xi32>
        %lt3A = arith.constant 1073741824 : i32
        %lt3A_65 = arith.cmpi slt, %squeeze3A_64, %lt3A : i32
        %convert_element_type3A_66 = arith.extui %lt3A_65 : i1 to i32
        %cond3A_67 = arith.constant 0 : i32
        %cond3A_68 = arith.cmpi ne, %convert_element_type3A_66, %cond3A_67 : i32
        scf.if %cond3A_68 {
          %shift_right_arithmetic3A = arith.constant 14 : i32
          %shift_right_arithmetic3A_174 = arith.shrsi %squeeze3A_64, %shift_right_arithmetic3A : i32
          %and3A = arith.constant 16383 : i32
          %and3A_175 = arith.andi %squeeze3A_64, %and3A : i32
          %shift_right_arithmetic3A_176 = arith.constant 4 : i32
          %shift_right_arithmetic3A_177 = arith.shrsi %shift_right_arithmetic3A_174, %shift_right_arithmetic3A_176 : i32
          %mul3A_178 = arith.constant 16 : i32
          %mul3A_179 = arith.muli %shift_right_arithmetic3A_177, %mul3A_178 : i32
          %multiple_of3A_180 = tpu.assume_multiple %mul3A_179, 16 : i32
          %and3A_181 = arith.constant 15 : i32
          %and3A_182 = arith.andi %shift_right_arithmetic3A_174, %and3A_181 : i32
          %get3A_183 = arith.index_cast %multiple_of3A_180 : i32 to index
          %get3A_184 = tpu.vector_load %arg7[%get3A_183] {strides = array<i32>} : memref<3136xi32, #tpu.memory_space<vmem>>, vector<16xi32>,
          %get3A_185 = vector.shape_cast %get3A_184 : vector<16xi32> to vector<16xi32>
          %eq3A = vector.broadcast %and3A_182 : i32 to vector<16xi32>
          %eq3A_186 = arith.cmpi eq, %iota3A, %eq3A : vector<16xi32>
          %broadcast_in_dim3A_187 = vector.broadcast %and3A_175 : i32 to vector<16xi32>
          %select_n3A = arith.select %eq3A_186, %broadcast_in_dim3A_187, %get3A_185 : vector<16xi1>, vector<16xi32>
          %swap3A_188 = arith.index_cast %multiple_of3A_180 : i32 to index
          %swap3A_189 = tpu.vector_load %arg7[%swap3A_188] {strides = array<i32>} : memref<3136xi32, #tpu.memory_space<vmem>>, vector<16xi32>,
          %swap3A_190 = vector.shape_cast %swap3A_189 : vector<16xi32> to vector<16xi32>
          %swap3A_191 = vector.shape_cast %select_n3A : vector<16xi32> to vector<16xi32>
          tpu.vector_store %arg7[%swap3A_188], %swap3A_191 {strides = array<i32>} : memref<3136xi32, #tpu.memory_space<vmem>>, vector<16xi32>,
        } else {
        }
        %slice3A_69 = vector.extract_strided_slice %get3A_62 {offsets = [1], sizes = [1], strides = [1]} : vector<16xi32> to vector<1xi32>
        %squeeze3A_70 = vector.extract %slice3A_69[0] : i32 from vector<1xi32>
        %lt3A_71 = arith.constant 1073741824 : i32
        %lt3A_72 = arith.cmpi slt, %squeeze3A_70, %lt3A_71 : i32
        %convert_element_type3A_73 = arith.extui %lt3A_72 : i1 to i32
        %cond3A_74 = arith.constant 0 : i32
        %cond3A_75 = arith.cmpi ne, %convert_element_type3A_73, %cond3A_74 : i32
        scf.if %cond3A_75 {
          %shift_right_arithmetic3A = arith.constant 14 : i32
          %shift_right_arithmetic3A_174 = arith.shrsi %squeeze3A_70, %shift_right_arithmetic3A : i32
          %and3A = arith.constant 16383 : i32
          %and3A_175 = arith.andi %squeeze3A_70, %and3A : i32
          %shift_right_arithmetic3A_176 = arith.constant 4 : i32
          %shift_right_arithmetic3A_177 = arith.shrsi %shift_right_arithmetic3A_174, %shift_right_arithmetic3A_176 : i32
          %mul3A_178 = arith.constant 16 : i32
          %mul3A_179 = arith.muli %shift_right_arithmetic3A_177, %mul3A_178 : i32
          %multiple_of3A_180 = tpu.assume_multiple %mul3A_179, 16 : i32
          %and3A_181 = arith.constant 15 : i32
          %and3A_182 = arith.andi %shift_right_arithmetic3A_174, %and3A_181 : i32
          %get3A_183 = arith.index_cast %multiple_of3A_180 : i32 to index
          %get3A_184 = tpu.vector_load %arg7[%get3A_183] {strides = array<i32>} : memref<3136xi32, #tpu.memory_space<vmem>>, vector<16xi32>,
          %get3A_185 = vector.shape_cast %get3A_184 : vector<16xi32> to vector<16xi32>
          %eq3A = vector.broadcast %and3A_182 : i32 to vector<16xi32>
          %eq3A_186 = arith.cmpi eq, %iota3A, %eq3A : vector<16xi32>
          %broadcast_in_dim3A_187 = vector.broadcast %and3A_175 : i32 to vector<16xi32>
          %select_n3A = arith.select %eq3A_186, %broadcast_in_dim3A_187, %get3A_185 : vector<16xi1>, vector<16xi32>
          %swap3A_188 = arith.index_cast %multiple_of3A_180 : i32 to index
          %swap3A_189 = tpu.vector_load %arg7[%swap3A_188] {strides = array<i32>} : memref<3136xi32, #tpu.memory_space<vmem>>, vector<16xi32>,
          %swap3A_190 = vector.shape_cast %swap3A_189 : vector<16xi32> to vector<16xi32>
          %swap3A_191 = vector.shape_cast %select_n3A : vector<16xi32> to vector<16xi32>
          tpu.vector_store %arg7[%swap3A_188], %swap3A_191 {strides = array<i32>} : memref<3136xi32, #tpu.memory_space<vmem>>, vector<16xi32>,
        } else {
        }
        %slice3A_76 = vector.extract_strided_slice %get3A_62 {offsets = [2], sizes = [1], strides = [1]} : vector<16xi32> to vector<1xi32>
        %squeeze3A_77 = vector.extract %slice3A_76[0] : i32 from vector<1xi32>
        %lt3A_78 = arith.constant 1073741824 : i32
        %lt3A_79 = arith.cmpi slt, %squeeze3A_77, %lt3A_78 : i32
        %convert_element_type3A_80 = arith.extui %lt3A_79 : i1 to i32
        %cond3A_81 = arith.constant 0 : i32
        %cond3A_82 = arith.cmpi ne, %convert_element_type3A_80, %cond3A_81 : i32
        scf.if %cond3A_82 {
          %shift_right_arithmetic3A = arith.constant 14 : i32
          %shift_right_arithmetic3A_174 = arith.shrsi %squeeze3A_77, %shift_right_arithmetic3A : i32
          %and3A = arith.constant 16383 : i32
          %and3A_175 = arith.andi %squeeze3A_77, %and3A : i32
          %shift_right_arithmetic3A_176 = arith.constant 4 : i32
          %shift_right_arithmetic3A_177 = arith.shrsi %shift_right_arithmetic3A_174, %shift_right_arithmetic3A_176 : i32
          %mul3A_178 = arith.constant 16 : i32
          %mul3A_179 = arith.muli %shift_right_arithmetic3A_177, %mul3A_178 : i32
          %multiple_of3A_180 = tpu.assume_multiple %mul3A_179, 16 : i32
          %and3A_181 = arith.constant 15 : i32
          %and3A_182 = arith.andi %shift_right_arithmetic3A_174, %and3A_181 : i32
          %get3A_183 = arith.index_cast %multiple_of3A_180 : i32 to index
          %get3A_184 = tpu.vector_load %arg7[%get3A_183] {strides = array<i32>} : memref<3136xi32, #tpu.memory_space<vmem>>, vector<16xi32>,
          %get3A_185 = vector.shape_cast %get3A_184 : vector<16xi32> to vector<16xi32>
          %eq3A = vector.broadcast %and3A_182 : i32 to vector<16xi32>
          %eq3A_186 = arith.cmpi eq, %iota3A, %eq3A : vector<16xi32>
          %broadcast_in_dim3A_187 = vector.broadcast %and3A_175 : i32 to vector<16xi32>
          %select_n3A = arith.select %eq3A_186, %broadcast_in_dim3A_187, %get3A_185 : vector<16xi1>, vector<16xi32>
          %swap3A_188 = arith.index_cast %multiple_of3A_180 : i32 to index
          %swap3A_189 = tpu.vector_load %arg7[%swap3A_188] {strides = array<i32>} : memref<3136xi32, #tpu.memory_space<vmem>>, vector<16xi32>,
          %swap3A_190 = vector.shape_cast %swap3A_189 : vector<16xi32> to vector<16xi32>
          %swap3A_191 = vector.shape_cast %select_n3A : vector<16xi32> to vector<16xi32>
          tpu.vector_store %arg7[%swap3A_188], %swap3A_191 {strides = array<i32>} : memref<3136xi32, #tpu.memory_space<vmem>>, vector<16xi32>,
        } else {
        }
        %slice3A_83 = vector.extract_strided_slice %get3A_62 {offsets = [3], sizes = [1], strides = [1]} : vector<16xi32> to vector<1xi32>
        %squeeze3A_84 = vector.extract %slice3A_83[0] : i32 from vector<1xi32>
        %lt3A_85 = arith.constant 1073741824 : i32
        %lt3A_86 = arith.cmpi slt, %squeeze3A_84, %lt3A_85 : i32
        %convert_element_type3A_87 = arith.extui %lt3A_86 : i1 to i32
        %cond3A_88 = arith.constant 0 : i32
        %cond3A_89 = arith.cmpi ne, %convert_element_type3A_87, %cond3A_88 : i32
        scf.if %cond3A_89 {
          %shift_right_arithmetic3A = arith.constant 14 : i32
          %shift_right_arithmetic3A_174 = arith.shrsi %squeeze3A_84, %shift_right_arithmetic3A : i32
          %and3A = arith.constant 16383 : i32
          %and3A_175 = arith.andi %squeeze3A_84, %and3A : i32
          %shift_right_arithmetic3A_176 = arith.constant 4 : i32
          %shift_right_arithmetic3A_177 = arith.shrsi %shift_right_arithmetic3A_174, %shift_right_arithmetic3A_176 : i32
          %mul3A_178 = arith.constant 16 : i32
          %mul3A_179 = arith.muli %shift_right_arithmetic3A_177, %mul3A_178 : i32
          %multiple_of3A_180 = tpu.assume_multiple %mul3A_179, 16 : i32
          %and3A_181 = arith.constant 15 : i32
          %and3A_182 = arith.andi %shift_right_arithmetic3A_174, %and3A_181 : i32
          %get3A_183 = arith.index_cast %multiple_of3A_180 : i32 to index
          %get3A_184 = tpu.vector_load %arg7[%get3A_183] {strides = array<i32>} : memref<3136xi32, #tpu.memory_space<vmem>>, vector<16xi32>,
          %get3A_185 = vector.shape_cast %get3A_184 : vector<16xi32> to vector<16xi32>
          %eq3A = vector.broadcast %and3A_182 : i32 to vector<16xi32>
          %eq3A_186 = arith.cmpi eq, %iota3A, %eq3A : vector<16xi32>
          %broadcast_in_dim3A_187 = vector.broadcast %and3A_175 : i32 to vector<16xi32>
          %select_n3A = arith.select %eq3A_186, %broadcast_in_dim3A_187, %get3A_185 : vector<16xi1>, vector<16xi32>
          %swap3A_188 = arith.index_cast %multiple_of3A_180 : i32 to index
          %swap3A_189 = tpu.vector_load %arg7[%swap3A_188] {strides = array<i32>} : memref<3136xi32, #tpu.memory_space<vmem>>, vector<16xi32>,
          %swap3A_190 = vector.shape_cast %swap3A_189 : vector<16xi32> to vector<16xi32>
          %swap3A_191 = vector.shape_cast %select_n3A : vector<16xi32> to vector<16xi32>
          tpu.vector_store %arg7[%swap3A_188], %swap3A_191 {strides = array<i32>} : memref<3136xi32, #tpu.memory_space<vmem>>, vector<16xi32>,
        } else {
        }
        %slice3A_90 = vector.extract_strided_slice %get3A_62 {offsets = [4], sizes = [1], strides = [1]} : vector<16xi32> to vector<1xi32>
        %squeeze3A_91 = vector.extract %slice3A_90[0] : i32 from vector<1xi32>
        %lt3A_92 = arith.constant 1073741824 : i32
        %lt3A_93 = arith.cmpi slt, %squeeze3A_91, %lt3A_92 : i32
        %convert_element_type3A_94 = arith.extui %lt3A_93 : i1 to i32
        %cond3A_95 = arith.constant 0 : i32
        %cond3A_96 = arith.cmpi ne, %convert_element_type3A_94, %cond3A_95 : i32
        scf.if %cond3A_96 {
          %shift_right_arithmetic3A = arith.constant 14 : i32
          %shift_right_arithmetic3A_174 = arith.shrsi %squeeze3A_91, %shift_right_arithmetic3A : i32
          %and3A = arith.constant 16383 : i32
          %and3A_175 = arith.andi %squeeze3A_91, %and3A : i32
          %shift_right_arithmetic3A_176 = arith.constant 4 : i32
          %shift_right_arithmetic3A_177 = arith.shrsi %shift_right_arithmetic3A_174, %shift_right_arithmetic3A_176 : i32
          %mul3A_178 = arith.constant 16 : i32
          %mul3A_179 = arith.muli %shift_right_arithmetic3A_177, %mul3A_178 : i32
          %multiple_of3A_180 = tpu.assume_multiple %mul3A_179, 16 : i32
          %and3A_181 = arith.constant 15 : i32
          %and3A_182 = arith.andi %shift_right_arithmetic3A_174, %and3A_181 : i32
          %get3A_183 = arith.index_cast %multiple_of3A_180 : i32 to index
          %get3A_184 = tpu.vector_load %arg7[%get3A_183] {strides = array<i32>} : memref<3136xi32, #tpu.memory_space<vmem>>, vector<16xi32>,
          %get3A_185 = vector.shape_cast %get3A_184 : vector<16xi32> to vector<16xi32>
          %eq3A = vector.broadcast %and3A_182 : i32 to vector<16xi32>
          %eq3A_186 = arith.cmpi eq, %iota3A, %eq3A : vector<16xi32>
          %broadcast_in_dim3A_187 = vector.broadcast %and3A_175 : i32 to vector<16xi32>
          %select_n3A = arith.select %eq3A_186, %broadcast_in_dim3A_187, %get3A_185 : vector<16xi1>, vector<16xi32>
          %swap3A_188 = arith.index_cast %multiple_of3A_180 : i32 to index
          %swap3A_189 = tpu.vector_load %arg7[%swap3A_188] {strides = array<i32>} : memref<3136xi32, #tpu.memory_space<vmem>>, vector<16xi32>,
          %swap3A_190 = vector.shape_cast %swap3A_189 : vector<16xi32> to vector<16xi32>
          %swap3A_191 = vector.shape_cast %select_n3A : vector<16xi32> to vector<16xi32>
          tpu.vector_store %arg7[%swap3A_188], %swap3A_191 {strides = array<i32>} : memref<3136xi32, #tpu.memory_space<vmem>>, vector<16xi32>,
        } else {
        }
        %slice3A_97 = vector.extract_strided_slice %get3A_62 {offsets = [5], sizes = [1], strides = [1]} : vector<16xi32> to vector<1xi32>
        %squeeze3A_98 = vector.extract %slice3A_97[0] : i32 from vector<1xi32>
        %lt3A_99 = arith.constant 1073741824 : i32
        %lt3A_100 = arith.cmpi slt, %squeeze3A_98, %lt3A_99 : i32
        %convert_element_type3A_101 = arith.extui %lt3A_100 : i1 to i32
        %cond3A_102 = arith.constant 0 : i32
        %cond3A_103 = arith.cmpi ne, %convert_element_type3A_101, %cond3A_102 : i32
        scf.if %cond3A_103 {
          %shift_right_arithmetic3A = arith.constant 14 : i32
          %shift_right_arithmetic3A_174 = arith.shrsi %squeeze3A_98, %shift_right_arithmetic3A : i32
          %and3A = arith.constant 16383 : i32
          %and3A_175 = arith.andi %squeeze3A_98, %and3A : i32
          %shift_right_arithmetic3A_176 = arith.constant 4 : i32
          %shift_right_arithmetic3A_177 = arith.shrsi %shift_right_arithmetic3A_174, %shift_right_arithmetic3A_176 : i32
          %mul3A_178 = arith.constant 16 : i32
          %mul3A_179 = arith.muli %shift_right_arithmetic3A_177, %mul3A_178 : i32
          %multiple_of3A_180 = tpu.assume_multiple %mul3A_179, 16 : i32
          %and3A_181 = arith.constant 15 : i32
          %and3A_182 = arith.andi %shift_right_arithmetic3A_174, %and3A_181 : i32
          %get3A_183 = arith.index_cast %multiple_of3A_180 : i32 to index
          %get3A_184 = tpu.vector_load %arg7[%get3A_183] {strides = array<i32>} : memref<3136xi32, #tpu.memory_space<vmem>>, vector<16xi32>,
          %get3A_185 = vector.shape_cast %get3A_184 : vector<16xi32> to vector<16xi32>
          %eq3A = vector.broadcast %and3A_182 : i32 to vector<16xi32>
          %eq3A_186 = arith.cmpi eq, %iota3A, %eq3A : vector<16xi32>
          %broadcast_in_dim3A_187 = vector.broadcast %and3A_175 : i32 to vector<16xi32>
          %select_n3A = arith.select %eq3A_186, %broadcast_in_dim3A_187, %get3A_185 : vector<16xi1>, vector<16xi32>
          %swap3A_188 = arith.index_cast %multiple_of3A_180 : i32 to index
          %swap3A_189 = tpu.vector_load %arg7[%swap3A_188] {strides = array<i32>} : memref<3136xi32, #tpu.memory_space<vmem>>, vector<16xi32>,
          %swap3A_190 = vector.shape_cast %swap3A_189 : vector<16xi32> to vector<16xi32>
          %swap3A_191 = vector.shape_cast %select_n3A : vector<16xi32> to vector<16xi32>
          tpu.vector_store %arg7[%swap3A_188], %swap3A_191 {strides = array<i32>} : memref<3136xi32, #tpu.memory_space<vmem>>, vector<16xi32>,
        } else {
        }
        %slice3A_104 = vector.extract_strided_slice %get3A_62 {offsets = [6], sizes = [1], strides = [1]} : vector<16xi32> to vector<1xi32>
        %squeeze3A_105 = vector.extract %slice3A_104[0] : i32 from vector<1xi32>
        %lt3A_106 = arith.constant 1073741824 : i32
        %lt3A_107 = arith.cmpi slt, %squeeze3A_105, %lt3A_106 : i32
        %convert_element_type3A_108 = arith.extui %lt3A_107 : i1 to i32
        %cond3A_109 = arith.constant 0 : i32
        %cond3A_110 = arith.cmpi ne, %convert_element_type3A_108, %cond3A_109 : i32
        scf.if %cond3A_110 {
          %shift_right_arithmetic3A = arith.constant 14 : i32
          %shift_right_arithmetic3A_174 = arith.shrsi %squeeze3A_105, %shift_right_arithmetic3A : i32
          %and3A = arith.constant 16383 : i32
          %and3A_175 = arith.andi %squeeze3A_105, %and3A : i32
          %shift_right_arithmetic3A_176 = arith.constant 4 : i32
          %shift_right_arithmetic3A_177 = arith.shrsi %shift_right_arithmetic3A_174, %shift_right_arithmetic3A_176 : i32
          %mul3A_178 = arith.constant 16 : i32
          %mul3A_179 = arith.muli %shift_right_arithmetic3A_177, %mul3A_178 : i32
          %multiple_of3A_180 = tpu.assume_multiple %mul3A_179, 16 : i32
          %and3A_181 = arith.constant 15 : i32
          %and3A_182 = arith.andi %shift_right_arithmetic3A_174, %and3A_181 : i32
          %get3A_183 = arith.index_cast %multiple_of3A_180 : i32 to index
          %get3A_184 = tpu.vector_load %arg7[%get3A_183] {strides = array<i32>} : memref<3136xi32, #tpu.memory_space<vmem>>, vector<16xi32>,
          %get3A_185 = vector.shape_cast %get3A_184 : vector<16xi32> to vector<16xi32>
          %eq3A = vector.broadcast %and3A_182 : i32 to vector<16xi32>
          %eq3A_186 = arith.cmpi eq, %iota3A, %eq3A : vector<16xi32>
          %broadcast_in_dim3A_187 = vector.broadcast %and3A_175 : i32 to vector<16xi32>
          %select_n3A = arith.select %eq3A_186, %broadcast_in_dim3A_187, %get3A_185 : vector<16xi1>, vector<16xi32>
          %swap3A_188 = arith.index_cast %multiple_of3A_180 : i32 to index
          %swap3A_189 = tpu.vector_load %arg7[%swap3A_188] {strides = array<i32>} : memref<3136xi32, #tpu.memory_space<vmem>>, vector<16xi32>,
          %swap3A_190 = vector.shape_cast %swap3A_189 : vector<16xi32> to vector<16xi32>
          %swap3A_191 = vector.shape_cast %select_n3A : vector<16xi32> to vector<16xi32>
          tpu.vector_store %arg7[%swap3A_188], %swap3A_191 {strides = array<i32>} : memref<3136xi32, #tpu.memory_space<vmem>>, vector<16xi32>,
        } else {
        }
        %slice3A_111 = vector.extract_strided_slice %get3A_62 {offsets = [7], sizes = [1], strides = [1]} : vector<16xi32> to vector<1xi32>
        %squeeze3A_112 = vector.extract %slice3A_111[0] : i32 from vector<1xi32>
        %lt3A_113 = arith.constant 1073741824 : i32
        %lt3A_114 = arith.cmpi slt, %squeeze3A_112, %lt3A_113 : i32
        %convert_element_type3A_115 = arith.extui %lt3A_114 : i1 to i32
        %cond3A_116 = arith.constant 0 : i32
        %cond3A_117 = arith.cmpi ne, %convert_element_type3A_115, %cond3A_116 : i32
        scf.if %cond3A_117 {
          %shift_right_arithmetic3A = arith.constant 14 : i32
          %shift_right_arithmetic3A_174 = arith.shrsi %squeeze3A_112, %shift_right_arithmetic3A : i32
          %and3A = arith.constant 16383 : i32
          %and3A_175 = arith.andi %squeeze3A_112, %and3A : i32
          %shift_right_arithmetic3A_176 = arith.constant 4 : i32
          %shift_right_arithmetic3A_177 = arith.shrsi %shift_right_arithmetic3A_174, %shift_right_arithmetic3A_176 : i32
          %mul3A_178 = arith.constant 16 : i32
          %mul3A_179 = arith.muli %shift_right_arithmetic3A_177, %mul3A_178 : i32
          %multiple_of3A_180 = tpu.assume_multiple %mul3A_179, 16 : i32
          %and3A_181 = arith.constant 15 : i32
          %and3A_182 = arith.andi %shift_right_arithmetic3A_174, %and3A_181 : i32
          %get3A_183 = arith.index_cast %multiple_of3A_180 : i32 to index
          %get3A_184 = tpu.vector_load %arg7[%get3A_183] {strides = array<i32>} : memref<3136xi32, #tpu.memory_space<vmem>>, vector<16xi32>,
          %get3A_185 = vector.shape_cast %get3A_184 : vector<16xi32> to vector<16xi32>
          %eq3A = vector.broadcast %and3A_182 : i32 to vector<16xi32>
          %eq3A_186 = arith.cmpi eq, %iota3A, %eq3A : vector<16xi32>
          %broadcast_in_dim3A_187 = vector.broadcast %and3A_175 : i32 to vector<16xi32>
          %select_n3A = arith.select %eq3A_186, %broadcast_in_dim3A_187, %get3A_185 : vector<16xi1>, vector<16xi32>
          %swap3A_188 = arith.index_cast %multiple_of3A_180 : i32 to index
          %swap3A_189 = tpu.vector_load %arg7[%swap3A_188] {strides = array<i32>} : memref<3136xi32, #tpu.memory_space<vmem>>, vector<16xi32>,
          %swap3A_190 = vector.shape_cast %swap3A_189 : vector<16xi32> to vector<16xi32>
          %swap3A_191 = vector.shape_cast %select_n3A : vector<16xi32> to vector<16xi32>
          tpu.vector_store %arg7[%swap3A_188], %swap3A_191 {strides = array<i32>} : memref<3136xi32, #tpu.memory_space<vmem>>, vector<16xi32>,
        } else {
        }
        %slice3A_118 = vector.extract_strided_slice %get3A_62 {offsets = [8], sizes = [1], strides = [1]} : vector<16xi32> to vector<1xi32>
        %squeeze3A_119 = vector.extract %slice3A_118[0] : i32 from vector<1xi32>
        %lt3A_120 = arith.constant 1073741824 : i32
        %lt3A_121 = arith.cmpi slt, %squeeze3A_119, %lt3A_120 : i32
        %convert_element_type3A_122 = arith.extui %lt3A_121 : i1 to i32
        %cond3A_123 = arith.constant 0 : i32
        %cond3A_124 = arith.cmpi ne, %convert_element_type3A_122, %cond3A_123 : i32
        scf.if %cond3A_124 {
          %shift_right_arithmetic3A = arith.constant 14 : i32
          %shift_right_arithmetic3A_174 = arith.shrsi %squeeze3A_119, %shift_right_arithmetic3A : i32
          %and3A = arith.constant 16383 : i32
          %and3A_175 = arith.andi %squeeze3A_119, %and3A : i32
          %shift_right_arithmetic3A_176 = arith.constant 4 : i32
          %shift_right_arithmetic3A_177 = arith.shrsi %shift_right_arithmetic3A_174, %shift_right_arithmetic3A_176 : i32
          %mul3A_178 = arith.constant 16 : i32
          %mul3A_179 = arith.muli %shift_right_arithmetic3A_177, %mul3A_178 : i32
          %multiple_of3A_180 = tpu.assume_multiple %mul3A_179, 16 : i32
          %and3A_181 = arith.constant 15 : i32
          %and3A_182 = arith.andi %shift_right_arithmetic3A_174, %and3A_181 : i32
          %get3A_183 = arith.index_cast %multiple_of3A_180 : i32 to index
          %get3A_184 = tpu.vector_load %arg7[%get3A_183] {strides = array<i32>} : memref<3136xi32, #tpu.memory_space<vmem>>, vector<16xi32>,
          %get3A_185 = vector.shape_cast %get3A_184 : vector<16xi32> to vector<16xi32>
          %eq3A = vector.broadcast %and3A_182 : i32 to vector<16xi32>
          %eq3A_186 = arith.cmpi eq, %iota3A, %eq3A : vector<16xi32>
          %broadcast_in_dim3A_187 = vector.broadcast %and3A_175 : i32 to vector<16xi32>
          %select_n3A = arith.select %eq3A_186, %broadcast_in_dim3A_187, %get3A_185 : vector<16xi1>, vector<16xi32>
          %swap3A_188 = arith.index_cast %multiple_of3A_180 : i32 to index
          %swap3A_189 = tpu.vector_load %arg7[%swap3A_188] {strides = array<i32>} : memref<3136xi32, #tpu.memory_space<vmem>>, vector<16xi32>,
          %swap3A_190 = vector.shape_cast %swap3A_189 : vector<16xi32> to vector<16xi32>
          %swap3A_191 = vector.shape_cast %select_n3A : vector<16xi32> to vector<16xi32>
          tpu.vector_store %arg7[%swap3A_188], %swap3A_191 {strides = array<i32>} : memref<3136xi32, #tpu.memory_space<vmem>>, vector<16xi32>,
        } else {
        }
        %slice3A_125 = vector.extract_strided_slice %get3A_62 {offsets = [9], sizes = [1], strides = [1]} : vector<16xi32> to vector<1xi32>
        %squeeze3A_126 = vector.extract %slice3A_125[0] : i32 from vector<1xi32>
        %lt3A_127 = arith.constant 1073741824 : i32
        %lt3A_128 = arith.cmpi slt, %squeeze3A_126, %lt3A_127 : i32
        %convert_element_type3A_129 = arith.extui %lt3A_128 : i1 to i32
        %cond3A_130 = arith.constant 0 : i32
        %cond3A_131 = arith.cmpi ne, %convert_element_type3A_129, %cond3A_130 : i32
        scf.if %cond3A_131 {
          %shift_right_arithmetic3A = arith.constant 14 : i32
          %shift_right_arithmetic3A_174 = arith.shrsi %squeeze3A_126, %shift_right_arithmetic3A : i32
          %and3A = arith.constant 16383 : i32
          %and3A_175 = arith.andi %squeeze3A_126, %and3A : i32
          %shift_right_arithmetic3A_176 = arith.constant 4 : i32
          %shift_right_arithmetic3A_177 = arith.shrsi %shift_right_arithmetic3A_174, %shift_right_arithmetic3A_176 : i32
          %mul3A_178 = arith.constant 16 : i32
          %mul3A_179 = arith.muli %shift_right_arithmetic3A_177, %mul3A_178 : i32
          %multiple_of3A_180 = tpu.assume_multiple %mul3A_179, 16 : i32
          %and3A_181 = arith.constant 15 : i32
          %and3A_182 = arith.andi %shift_right_arithmetic3A_174, %and3A_181 : i32
          %get3A_183 = arith.index_cast %multiple_of3A_180 : i32 to index
          %get3A_184 = tpu.vector_load %arg7[%get3A_183] {strides = array<i32>} : memref<3136xi32, #tpu.memory_space<vmem>>, vector<16xi32>,
          %get3A_185 = vector.shape_cast %get3A_184 : vector<16xi32> to vector<16xi32>
          %eq3A = vector.broadcast %and3A_182 : i32 to vector<16xi32>
          %eq3A_186 = arith.cmpi eq, %iota3A, %eq3A : vector<16xi32>
          %broadcast_in_dim3A_187 = vector.broadcast %and3A_175 : i32 to vector<16xi32>
          %select_n3A = arith.select %eq3A_186, %broadcast_in_dim3A_187, %get3A_185 : vector<16xi1>, vector<16xi32>
          %swap3A_188 = arith.index_cast %multiple_of3A_180 : i32 to index
          %swap3A_189 = tpu.vector_load %arg7[%swap3A_188] {strides = array<i32>} : memref<3136xi32, #tpu.memory_space<vmem>>, vector<16xi32>,
          %swap3A_190 = vector.shape_cast %swap3A_189 : vector<16xi32> to vector<16xi32>
          %swap3A_191 = vector.shape_cast %select_n3A : vector<16xi32> to vector<16xi32>
          tpu.vector_store %arg7[%swap3A_188], %swap3A_191 {strides = array<i32>} : memref<3136xi32, #tpu.memory_space<vmem>>, vector<16xi32>,
        } else {
        }
        %slice3A_132 = vector.extract_strided_slice %get3A_62 {offsets = [10], sizes = [1], strides = [1]} : vector<16xi32> to vector<1xi32>
        %squeeze3A_133 = vector.extract %slice3A_132[0] : i32 from vector<1xi32>
        %lt3A_134 = arith.constant 1073741824 : i32
        %lt3A_135 = arith.cmpi slt, %squeeze3A_133, %lt3A_134 : i32
        %convert_element_type3A_136 = arith.extui %lt3A_135 : i1 to i32
        %cond3A_137 = arith.constant 0 : i32
        %cond3A_138 = arith.cmpi ne, %convert_element_type3A_136, %cond3A_137 : i32
        scf.if %cond3A_138 {
          %shift_right_arithmetic3A = arith.constant 14 : i32
          %shift_right_arithmetic3A_174 = arith.shrsi %squeeze3A_133, %shift_right_arithmetic3A : i32
          %and3A = arith.constant 16383 : i32
          %and3A_175 = arith.andi %squeeze3A_133, %and3A : i32
          %shift_right_arithmetic3A_176 = arith.constant 4 : i32
          %shift_right_arithmetic3A_177 = arith.shrsi %shift_right_arithmetic3A_174, %shift_right_arithmetic3A_176 : i32
          %mul3A_178 = arith.constant 16 : i32
          %mul3A_179 = arith.muli %shift_right_arithmetic3A_177, %mul3A_178 : i32
          %multiple_of3A_180 = tpu.assume_multiple %mul3A_179, 16 : i32
          %and3A_181 = arith.constant 15 : i32
          %and3A_182 = arith.andi %shift_right_arithmetic3A_174, %and3A_181 : i32
          %get3A_183 = arith.index_cast %multiple_of3A_180 : i32 to index
          %get3A_184 = tpu.vector_load %arg7[%get3A_183] {strides = array<i32>} : memref<3136xi32, #tpu.memory_space<vmem>>, vector<16xi32>,
          %get3A_185 = vector.shape_cast %get3A_184 : vector<16xi32> to vector<16xi32>
          %eq3A = vector.broadcast %and3A_182 : i32 to vector<16xi32>
          %eq3A_186 = arith.cmpi eq, %iota3A, %eq3A : vector<16xi32>
          %broadcast_in_dim3A_187 = vector.broadcast %and3A_175 : i32 to vector<16xi32>
          %select_n3A = arith.select %eq3A_186, %broadcast_in_dim3A_187, %get3A_185 : vector<16xi1>, vector<16xi32>
          %swap3A_188 = arith.index_cast %multiple_of3A_180 : i32 to index
          %swap3A_189 = tpu.vector_load %arg7[%swap3A_188] {strides = array<i32>} : memref<3136xi32, #tpu.memory_space<vmem>>, vector<16xi32>,
          %swap3A_190 = vector.shape_cast %swap3A_189 : vector<16xi32> to vector<16xi32>
          %swap3A_191 = vector.shape_cast %select_n3A : vector<16xi32> to vector<16xi32>
          tpu.vector_store %arg7[%swap3A_188], %swap3A_191 {strides = array<i32>} : memref<3136xi32, #tpu.memory_space<vmem>>, vector<16xi32>,
        } else {
        }
        %slice3A_139 = vector.extract_strided_slice %get3A_62 {offsets = [11], sizes = [1], strides = [1]} : vector<16xi32> to vector<1xi32>
        %squeeze3A_140 = vector.extract %slice3A_139[0] : i32 from vector<1xi32>
        %lt3A_141 = arith.constant 1073741824 : i32
        %lt3A_142 = arith.cmpi slt, %squeeze3A_140, %lt3A_141 : i32
        %convert_element_type3A_143 = arith.extui %lt3A_142 : i1 to i32
        %cond3A_144 = arith.constant 0 : i32
        %cond3A_145 = arith.cmpi ne, %convert_element_type3A_143, %cond3A_144 : i32
        scf.if %cond3A_145 {
          %shift_right_arithmetic3A = arith.constant 14 : i32
          %shift_right_arithmetic3A_174 = arith.shrsi %squeeze3A_140, %shift_right_arithmetic3A : i32
          %and3A = arith.constant 16383 : i32
          %and3A_175 = arith.andi %squeeze3A_140, %and3A : i32
          %shift_right_arithmetic3A_176 = arith.constant 4 : i32
          %shift_right_arithmetic3A_177 = arith.shrsi %shift_right_arithmetic3A_174, %shift_right_arithmetic3A_176 : i32
          %mul3A_178 = arith.constant 16 : i32
          %mul3A_179 = arith.muli %shift_right_arithmetic3A_177, %mul3A_178 : i32
          %multiple_of3A_180 = tpu.assume_multiple %mul3A_179, 16 : i32
          %and3A_181 = arith.constant 15 : i32
          %and3A_182 = arith.andi %shift_right_arithmetic3A_174, %and3A_181 : i32
          %get3A_183 = arith.index_cast %multiple_of3A_180 : i32 to index
          %get3A_184 = tpu.vector_load %arg7[%get3A_183] {strides = array<i32>} : memref<3136xi32, #tpu.memory_space<vmem>>, vector<16xi32>,
          %get3A_185 = vector.shape_cast %get3A_184 : vector<16xi32> to vector<16xi32>
          %eq3A = vector.broadcast %and3A_182 : i32 to vector<16xi32>
          %eq3A_186 = arith.cmpi eq, %iota3A, %eq3A : vector<16xi32>
          %broadcast_in_dim3A_187 = vector.broadcast %and3A_175 : i32 to vector<16xi32>
          %select_n3A = arith.select %eq3A_186, %broadcast_in_dim3A_187, %get3A_185 : vector<16xi1>, vector<16xi32>
          %swap3A_188 = arith.index_cast %multiple_of3A_180 : i32 to index
          %swap3A_189 = tpu.vector_load %arg7[%swap3A_188] {strides = array<i32>} : memref<3136xi32, #tpu.memory_space<vmem>>, vector<16xi32>,
          %swap3A_190 = vector.shape_cast %swap3A_189 : vector<16xi32> to vector<16xi32>
          %swap3A_191 = vector.shape_cast %select_n3A : vector<16xi32> to vector<16xi32>
          tpu.vector_store %arg7[%swap3A_188], %swap3A_191 {strides = array<i32>} : memref<3136xi32, #tpu.memory_space<vmem>>, vector<16xi32>,
        } else {
        }
        %slice3A_146 = vector.extract_strided_slice %get3A_62 {offsets = [12], sizes = [1], strides = [1]} : vector<16xi32> to vector<1xi32>
        %squeeze3A_147 = vector.extract %slice3A_146[0] : i32 from vector<1xi32>
        %lt3A_148 = arith.constant 1073741824 : i32
        %lt3A_149 = arith.cmpi slt, %squeeze3A_147, %lt3A_148 : i32
        %convert_element_type3A_150 = arith.extui %lt3A_149 : i1 to i32
        %cond3A_151 = arith.constant 0 : i32
        %cond3A_152 = arith.cmpi ne, %convert_element_type3A_150, %cond3A_151 : i32
        scf.if %cond3A_152 {
          %shift_right_arithmetic3A = arith.constant 14 : i32
          %shift_right_arithmetic3A_174 = arith.shrsi %squeeze3A_147, %shift_right_arithmetic3A : i32
          %and3A = arith.constant 16383 : i32
          %and3A_175 = arith.andi %squeeze3A_147, %and3A : i32
          %shift_right_arithmetic3A_176 = arith.constant 4 : i32
          %shift_right_arithmetic3A_177 = arith.shrsi %shift_right_arithmetic3A_174, %shift_right_arithmetic3A_176 : i32
          %mul3A_178 = arith.constant 16 : i32
          %mul3A_179 = arith.muli %shift_right_arithmetic3A_177, %mul3A_178 : i32
          %multiple_of3A_180 = tpu.assume_multiple %mul3A_179, 16 : i32
          %and3A_181 = arith.constant 15 : i32
          %and3A_182 = arith.andi %shift_right_arithmetic3A_174, %and3A_181 : i32
          %get3A_183 = arith.index_cast %multiple_of3A_180 : i32 to index
          %get3A_184 = tpu.vector_load %arg7[%get3A_183] {strides = array<i32>} : memref<3136xi32, #tpu.memory_space<vmem>>, vector<16xi32>,
          %get3A_185 = vector.shape_cast %get3A_184 : vector<16xi32> to vector<16xi32>
          %eq3A = vector.broadcast %and3A_182 : i32 to vector<16xi32>
          %eq3A_186 = arith.cmpi eq, %iota3A, %eq3A : vector<16xi32>
          %broadcast_in_dim3A_187 = vector.broadcast %and3A_175 : i32 to vector<16xi32>
          %select_n3A = arith.select %eq3A_186, %broadcast_in_dim3A_187, %get3A_185 : vector<16xi1>, vector<16xi32>
          %swap3A_188 = arith.index_cast %multiple_of3A_180 : i32 to index
          %swap3A_189 = tpu.vector_load %arg7[%swap3A_188] {strides = array<i32>} : memref<3136xi32, #tpu.memory_space<vmem>>, vector<16xi32>,
          %swap3A_190 = vector.shape_cast %swap3A_189 : vector<16xi32> to vector<16xi32>
          %swap3A_191 = vector.shape_cast %select_n3A : vector<16xi32> to vector<16xi32>
          tpu.vector_store %arg7[%swap3A_188], %swap3A_191 {strides = array<i32>} : memref<3136xi32, #tpu.memory_space<vmem>>, vector<16xi32>,
        } else {
        }
        %slice3A_153 = vector.extract_strided_slice %get3A_62 {offsets = [13], sizes = [1], strides = [1]} : vector<16xi32> to vector<1xi32>
        %squeeze3A_154 = vector.extract %slice3A_153[0] : i32 from vector<1xi32>
        %lt3A_155 = arith.constant 1073741824 : i32
        %lt3A_156 = arith.cmpi slt, %squeeze3A_154, %lt3A_155 : i32
        %convert_element_type3A_157 = arith.extui %lt3A_156 : i1 to i32
        %cond3A_158 = arith.constant 0 : i32
        %cond3A_159 = arith.cmpi ne, %convert_element_type3A_157, %cond3A_158 : i32
        scf.if %cond3A_159 {
          %shift_right_arithmetic3A = arith.constant 14 : i32
          %shift_right_arithmetic3A_174 = arith.shrsi %squeeze3A_154, %shift_right_arithmetic3A : i32
          %and3A = arith.constant 16383 : i32
          %and3A_175 = arith.andi %squeeze3A_154, %and3A : i32
          %shift_right_arithmetic3A_176 = arith.constant 4 : i32
          %shift_right_arithmetic3A_177 = arith.shrsi %shift_right_arithmetic3A_174, %shift_right_arithmetic3A_176 : i32
          %mul3A_178 = arith.constant 16 : i32
          %mul3A_179 = arith.muli %shift_right_arithmetic3A_177, %mul3A_178 : i32
          %multiple_of3A_180 = tpu.assume_multiple %mul3A_179, 16 : i32
          %and3A_181 = arith.constant 15 : i32
          %and3A_182 = arith.andi %shift_right_arithmetic3A_174, %and3A_181 : i32
          %get3A_183 = arith.index_cast %multiple_of3A_180 : i32 to index
          %get3A_184 = tpu.vector_load %arg7[%get3A_183] {strides = array<i32>} : memref<3136xi32, #tpu.memory_space<vmem>>, vector<16xi32>,
          %get3A_185 = vector.shape_cast %get3A_184 : vector<16xi32> to vector<16xi32>
          %eq3A = vector.broadcast %and3A_182 : i32 to vector<16xi32>
          %eq3A_186 = arith.cmpi eq, %iota3A, %eq3A : vector<16xi32>
          %broadcast_in_dim3A_187 = vector.broadcast %and3A_175 : i32 to vector<16xi32>
          %select_n3A = arith.select %eq3A_186, %broadcast_in_dim3A_187, %get3A_185 : vector<16xi1>, vector<16xi32>
          %swap3A_188 = arith.index_cast %multiple_of3A_180 : i32 to index
          %swap3A_189 = tpu.vector_load %arg7[%swap3A_188] {strides = array<i32>} : memref<3136xi32, #tpu.memory_space<vmem>>, vector<16xi32>,
          %swap3A_190 = vector.shape_cast %swap3A_189 : vector<16xi32> to vector<16xi32>
          %swap3A_191 = vector.shape_cast %select_n3A : vector<16xi32> to vector<16xi32>
          tpu.vector_store %arg7[%swap3A_188], %swap3A_191 {strides = array<i32>} : memref<3136xi32, #tpu.memory_space<vmem>>, vector<16xi32>,
        } else {
        }
        %slice3A_160 = vector.extract_strided_slice %get3A_62 {offsets = [14], sizes = [1], strides = [1]} : vector<16xi32> to vector<1xi32>
        %squeeze3A_161 = vector.extract %slice3A_160[0] : i32 from vector<1xi32>
        %lt3A_162 = arith.constant 1073741824 : i32
        %lt3A_163 = arith.cmpi slt, %squeeze3A_161, %lt3A_162 : i32
        %convert_element_type3A_164 = arith.extui %lt3A_163 : i1 to i32
        %cond3A_165 = arith.constant 0 : i32
        %cond3A_166 = arith.cmpi ne, %convert_element_type3A_164, %cond3A_165 : i32
        scf.if %cond3A_166 {
          %shift_right_arithmetic3A = arith.constant 14 : i32
          %shift_right_arithmetic3A_174 = arith.shrsi %squeeze3A_161, %shift_right_arithmetic3A : i32
          %and3A = arith.constant 16383 : i32
          %and3A_175 = arith.andi %squeeze3A_161, %and3A : i32
          %shift_right_arithmetic3A_176 = arith.constant 4 : i32
          %shift_right_arithmetic3A_177 = arith.shrsi %shift_right_arithmetic3A_174, %shift_right_arithmetic3A_176 : i32
          %mul3A_178 = arith.constant 16 : i32
          %mul3A_179 = arith.muli %shift_right_arithmetic3A_177, %mul3A_178 : i32
          %multiple_of3A_180 = tpu.assume_multiple %mul3A_179, 16 : i32
          %and3A_181 = arith.constant 15 : i32
          %and3A_182 = arith.andi %shift_right_arithmetic3A_174, %and3A_181 : i32
          %get3A_183 = arith.index_cast %multiple_of3A_180 : i32 to index
          %get3A_184 = tpu.vector_load %arg7[%get3A_183] {strides = array<i32>} : memref<3136xi32, #tpu.memory_space<vmem>>, vector<16xi32>,
          %get3A_185 = vector.shape_cast %get3A_184 : vector<16xi32> to vector<16xi32>
          %eq3A = vector.broadcast %and3A_182 : i32 to vector<16xi32>
          %eq3A_186 = arith.cmpi eq, %iota3A, %eq3A : vector<16xi32>
          %broadcast_in_dim3A_187 = vector.broadcast %and3A_175 : i32 to vector<16xi32>
          %select_n3A = arith.select %eq3A_186, %broadcast_in_dim3A_187, %get3A_185 : vector<16xi1>, vector<16xi32>
          %swap3A_188 = arith.index_cast %multiple_of3A_180 : i32 to index
          %swap3A_189 = tpu.vector_load %arg7[%swap3A_188] {strides = array<i32>} : memref<3136xi32, #tpu.memory_space<vmem>>, vector<16xi32>,
          %swap3A_190 = vector.shape_cast %swap3A_189 : vector<16xi32> to vector<16xi32>
          %swap3A_191 = vector.shape_cast %select_n3A : vector<16xi32> to vector<16xi32>
          tpu.vector_store %arg7[%swap3A_188], %swap3A_191 {strides = array<i32>} : memref<3136xi32, #tpu.memory_space<vmem>>, vector<16xi32>,
        } else {
        }
        %slice3A_167 = vector.extract_strided_slice %get3A_62 {offsets = [15], sizes = [1], strides = [1]} : vector<16xi32> to vector<1xi32>
        %squeeze3A_168 = vector.extract %slice3A_167[0] : i32 from vector<1xi32>
        %lt3A_169 = arith.constant 1073741824 : i32
        %lt3A_170 = arith.cmpi slt, %squeeze3A_168, %lt3A_169 : i32
        %convert_element_type3A_171 = arith.extui %lt3A_170 : i1 to i32
        %cond3A_172 = arith.constant 0 : i32
        %cond3A_173 = arith.cmpi ne, %convert_element_type3A_171, %cond3A_172 : i32
        scf.if %cond3A_173 {
          %shift_right_arithmetic3A = arith.constant 14 : i32
          %shift_right_arithmetic3A_174 = arith.shrsi %squeeze3A_168, %shift_right_arithmetic3A : i32
          %and3A = arith.constant 16383 : i32
          %and3A_175 = arith.andi %squeeze3A_168, %and3A : i32
          %shift_right_arithmetic3A_176 = arith.constant 4 : i32
          %shift_right_arithmetic3A_177 = arith.shrsi %shift_right_arithmetic3A_174, %shift_right_arithmetic3A_176 : i32
          %mul3A_178 = arith.constant 16 : i32
          %mul3A_179 = arith.muli %shift_right_arithmetic3A_177, %mul3A_178 : i32
          %multiple_of3A_180 = tpu.assume_multiple %mul3A_179, 16 : i32
          %and3A_181 = arith.constant 15 : i32
          %and3A_182 = arith.andi %shift_right_arithmetic3A_174, %and3A_181 : i32
          %get3A_183 = arith.index_cast %multiple_of3A_180 : i32 to index
          %get3A_184 = tpu.vector_load %arg7[%get3A_183] {strides = array<i32>} : memref<3136xi32, #tpu.memory_space<vmem>>, vector<16xi32>,
          %get3A_185 = vector.shape_cast %get3A_184 : vector<16xi32> to vector<16xi32>
          %eq3A = vector.broadcast %and3A_182 : i32 to vector<16xi32>
          %eq3A_186 = arith.cmpi eq, %iota3A, %eq3A : vector<16xi32>
          %broadcast_in_dim3A_187 = vector.broadcast %and3A_175 : i32 to vector<16xi32>
          %select_n3A = arith.select %eq3A_186, %broadcast_in_dim3A_187, %get3A_185 : vector<16xi1>, vector<16xi32>
          %swap3A_188 = arith.index_cast %multiple_of3A_180 : i32 to index
          %swap3A_189 = tpu.vector_load %arg7[%swap3A_188] {strides = array<i32>} : memref<3136xi32, #tpu.memory_space<vmem>>, vector<16xi32>,
          %swap3A_190 = vector.shape_cast %swap3A_189 : vector<16xi32> to vector<16xi32>
          %swap3A_191 = vector.shape_cast %select_n3A : vector<16xi32> to vector<16xi32>
          tpu.vector_store %arg7[%swap3A_188], %swap3A_191 {strides = array<i32>} : memref<3136xi32, #tpu.memory_space<vmem>>, vector<16xi32>,
        } else {
        }
      } else {
      }
    }
    %scan3A_22 = arith.constant 1024 : i32
    %scan3A_23 = arith.constant 0 : i32
    %scan3A_24 = arith.constant 0 : i32
    %scan3A_25 = arith.constant 0 : i32
    %scan3A_26 = arith.constant 0 : i32
    %scan3A_27 = arith.constant 196 : i32
    %scan3A_28 = arith.addi %scan3A_26, %scan3A_27 : i32
    %scan3A_29 = arith.constant 1 : i32
    %scan3A_30:3 = scf.for %scan3A_48 = %scan3A_26 to %scan3A_28 step %scan3A_29 iter_args(%scan3A_49 = %scan3A_23, %scan3A_50 = %scan3A_24, %scan3A_51 = %scan3A_25) -> (i32, i32, i32)  : i32 {
      %mul3A_52 = arith.constant 16 : i32
      %mul3A_53 = arith.muli %scan3A_48, %mul3A_52 : i32
      %get3A = arith.index_cast %mul3A_53 : i32 to index
      %get3A_54 = tpu.vector_load %arg7[%get3A] {strides = array<i32>} : memref<3136xi32, #tpu.memory_space<vmem>>, vector<16xi32>,
      %get3A_55 = vector.shape_cast %get3A_54 : vector<16xi32> to vector<16xi32>
      %slice3A = vector.extract_strided_slice %get3A_55 {offsets = [0], sizes = [1], strides = [1]} : vector<16xi32> to vector<1xi32>
      %squeeze3A = vector.extract %slice3A[0] : i32 from vector<1xi32>
      %mul3A_56 = arith.constant 16 : i32
      %mul3A_57 = arith.muli %scan3A_48, %mul3A_56 : i32
      %add3A_58 = arith.constant 0 : i32
      %add3A_59 = arith.addi %mul3A_57, %add3A_58 : i32
      %ge3A = arith.constant 0 : i32
      %ge3A_60 = arith.cmpi sge, %squeeze3A, %ge3A : i32
      %lt3A = arith.cmpi slt, %add3A_59, %sub3A : i32
      %and3A = arith.andi %ge3A_60, %lt3A : i1
      %convert_element_type3A_61 = arith.extui %and3A : i1 to i32
      %cond3A_62 = arith.constant 0 : i32
      %cond3A_63 = arith.constant 0 : i32
      %cond3A_64 = arith.cmpi ne, %convert_element_type3A_61, %cond3A_63 : i32
      %cond3A_65:3 = scf.if %cond3A_64 -> (i32, i32, i32) {
        %shift_right_arithmetic3A = arith.constant 4 : i32
        %shift_right_arithmetic3A_291 = arith.shrsi %scan3A_49, %shift_right_arithmetic3A : i32
        %mul3A_292 = arith.constant 16 : i32
        %mul3A_293 = arith.muli %shift_right_arithmetic3A_291, %mul3A_292 : i32
        %multiple_of3A_294 = tpu.assume_multiple %mul3A_293, 16 : i32
        %and3A_295 = arith.constant 15 : i32
        %and3A_296 = arith.andi %scan3A_49, %and3A_295 : i32
        %get3A_297 = arith.index_cast %multiple_of3A_294 : i32 to index
        %get3A_298 = tpu.vector_load %arg8[%get3A_297] {strides = array<i32>} : memref<3256xi32, #tpu.memory_space<vmem>>, vector<16xi32>,
        %get3A_299 = vector.shape_cast %get3A_298 : vector<16xi32> to vector<16xi32>
        %eq3A = vector.broadcast %and3A_296 : i32 to vector<16xi32>
        %eq3A_300 = arith.cmpi eq, %iota3A, %eq3A : vector<16xi32>
        %broadcast_in_dim3A_301 = vector.broadcast %squeeze3A : i32 to vector<16xi32>
        %select_n3A = arith.select %eq3A_300, %broadcast_in_dim3A_301, %get3A_299 : vector<16xi1>, vector<16xi32>
        %swap3A_302 = arith.index_cast %multiple_of3A_294 : i32 to index
        %swap3A_303 = tpu.vector_load %arg8[%swap3A_302] {strides = array<i32>} : memref<3256xi32, #tpu.memory_space<vmem>>, vector<16xi32>,
        %swap3A_304 = vector.shape_cast %swap3A_303 : vector<16xi32> to vector<16xi32>
        %swap3A_305 = vector.shape_cast %select_n3A : vector<16xi32> to vector<16xi32>
        tpu.vector_store %arg8[%swap3A_302], %swap3A_305 {strides = array<i32>} : memref<3256xi32, #tpu.memory_space<vmem>>, vector<16xi32>,
        %get3A_306 = arith.index_cast %multiple_of3A_294 : i32 to index
        %get3A_307 = tpu.vector_load %arg9[%get3A_306] {strides = array<i32>} : memref<3256xi32, #tpu.memory_space<vmem>>, vector<16xi32>,
        %get3A_308 = vector.shape_cast %get3A_307 : vector<16xi32> to vector<16xi32>
        %eq3A_309 = vector.broadcast %and3A_296 : i32 to vector<16xi32>
        %eq3A_310 = arith.cmpi eq, %iota3A, %eq3A_309 : vector<16xi32>
        %add3A_311 = arith.addi %mul3A_2, %add3A_59 : i32
        %broadcast_in_dim3A_312 = vector.broadcast %add3A_311 : i32 to vector<16xi32>
        %select_n3A_313 = arith.select %eq3A_310, %broadcast_in_dim3A_312, %get3A_308 : vector<16xi1>, vector<16xi32>
        %swap3A_314 = arith.index_cast %multiple_of3A_294 : i32 to index
        %swap3A_315 = tpu.vector_load %arg9[%swap3A_314] {strides = array<i32>} : memref<3256xi32, #tpu.memory_space<vmem>>, vector<16xi32>,
        %swap3A_316 = vector.shape_cast %swap3A_315 : vector<16xi32> to vector<16xi32>
        %swap3A_317 = vector.shape_cast %select_n3A_313 : vector<16xi32> to vector<16xi32>
        tpu.vector_store %arg9[%swap3A_314], %swap3A_317 {strides = array<i32>} : memref<3256xi32, #tpu.memory_space<vmem>>, vector<16xi32>,
        %add3A_318 = arith.constant 1 : i32
        %add3A_319 = arith.addi %scan3A_49, %add3A_318 : i32
        %add3A_320 = arith.addi %mul3A_2, %add3A_59 : i32
        scf.yield %add3A_319, %squeeze3A, %add3A_320 : i32, i32, i32
      } else {
        scf.yield %scan3A_49, %scan3A_50, %scan3A_51 : i32, i32, i32
      }
      %slice3A_66 = vector.extract_strided_slice %get3A_55 {offsets = [1], sizes = [1], strides = [1]} : vector<16xi32> to vector<1xi32>
      %squeeze3A_67 = vector.extract %slice3A_66[0] : i32 from vector<1xi32>
      %mul3A_68 = arith.constant 16 : i32
      %mul3A_69 = arith.muli %scan3A_48, %mul3A_68 : i32
      %add3A_70 = arith.constant 1 : i32
      %add3A_71 = arith.addi %mul3A_69, %add3A_70 : i32
      %ge3A_72 = arith.constant 0 : i32
      %ge3A_73 = arith.cmpi sge, %squeeze3A_67, %ge3A_72 : i32
      %lt3A_74 = arith.cmpi slt, %add3A_71, %sub3A : i32
      %and3A_75 = arith.andi %ge3A_73, %lt3A_74 : i1
      %convert_element_type3A_76 = arith.extui %and3A_75 : i1 to i32
      %cond3A_77 = arith.constant 0 : i32
      %cond3A_78 = arith.constant 0 : i32
      %cond3A_79 = arith.cmpi ne, %convert_element_type3A_76, %cond3A_78 : i32
      %cond3A_80:3 = scf.if %cond3A_79 -> (i32, i32, i32) {
        %shift_right_arithmetic3A = arith.constant 4 : i32
        %shift_right_arithmetic3A_291 = arith.shrsi %cond3A_65#0, %shift_right_arithmetic3A : i32
        %mul3A_292 = arith.constant 16 : i32
        %mul3A_293 = arith.muli %shift_right_arithmetic3A_291, %mul3A_292 : i32
        %multiple_of3A_294 = tpu.assume_multiple %mul3A_293, 16 : i32
        %and3A_295 = arith.constant 15 : i32
        %and3A_296 = arith.andi %cond3A_65#0, %and3A_295 : i32
        %get3A_297 = arith.index_cast %multiple_of3A_294 : i32 to index
        %get3A_298 = tpu.vector_load %arg8[%get3A_297] {strides = array<i32>} : memref<3256xi32, #tpu.memory_space<vmem>>, vector<16xi32>,
        %get3A_299 = vector.shape_cast %get3A_298 : vector<16xi32> to vector<16xi32>
        %eq3A = vector.broadcast %and3A_296 : i32 to vector<16xi32>
        %eq3A_300 = arith.cmpi eq, %iota3A, %eq3A : vector<16xi32>
        %broadcast_in_dim3A_301 = vector.broadcast %squeeze3A_67 : i32 to vector<16xi32>
        %select_n3A = arith.select %eq3A_300, %broadcast_in_dim3A_301, %get3A_299 : vector<16xi1>, vector<16xi32>
        %swap3A_302 = arith.index_cast %multiple_of3A_294 : i32 to index
        %swap3A_303 = tpu.vector_load %arg8[%swap3A_302] {strides = array<i32>} : memref<3256xi32, #tpu.memory_space<vmem>>, vector<16xi32>,
        %swap3A_304 = vector.shape_cast %swap3A_303 : vector<16xi32> to vector<16xi32>
        %swap3A_305 = vector.shape_cast %select_n3A : vector<16xi32> to vector<16xi32>
        tpu.vector_store %arg8[%swap3A_302], %swap3A_305 {strides = array<i32>} : memref<3256xi32, #tpu.memory_space<vmem>>, vector<16xi32>,
        %get3A_306 = arith.index_cast %multiple_of3A_294 : i32 to index
        %get3A_307 = tpu.vector_load %arg9[%get3A_306] {strides = array<i32>} : memref<3256xi32, #tpu.memory_space<vmem>>, vector<16xi32>,
        %get3A_308 = vector.shape_cast %get3A_307 : vector<16xi32> to vector<16xi32>
        %eq3A_309 = vector.broadcast %and3A_296 : i32 to vector<16xi32>
        %eq3A_310 = arith.cmpi eq, %iota3A, %eq3A_309 : vector<16xi32>
        %add3A_311 = arith.addi %mul3A_2, %add3A_71 : i32
        %broadcast_in_dim3A_312 = vector.broadcast %add3A_311 : i32 to vector<16xi32>
        %select_n3A_313 = arith.select %eq3A_310, %broadcast_in_dim3A_312, %get3A_308 : vector<16xi1>, vector<16xi32>
        %swap3A_314 = arith.index_cast %multiple_of3A_294 : i32 to index
        %swap3A_315 = tpu.vector_load %arg9[%swap3A_314] {strides = array<i32>} : memref<3256xi32, #tpu.memory_space<vmem>>, vector<16xi32>,
        %swap3A_316 = vector.shape_cast %swap3A_315 : vector<16xi32> to vector<16xi32>
        %swap3A_317 = vector.shape_cast %select_n3A_313 : vector<16xi32> to vector<16xi32>
        tpu.vector_store %arg9[%swap3A_314], %swap3A_317 {strides = array<i32>} : memref<3256xi32, #tpu.memory_space<vmem>>, vector<16xi32>,
        %add3A_318 = arith.constant 1 : i32
        %add3A_319 = arith.addi %cond3A_65#0, %add3A_318 : i32
        %add3A_320 = arith.addi %mul3A_2, %add3A_71 : i32
        scf.yield %add3A_319, %squeeze3A_67, %add3A_320 : i32, i32, i32
      } else {
        scf.yield %cond3A_65#0, %cond3A_65#1, %cond3A_65#2 : i32, i32, i32
      }
      %slice3A_81 = vector.extract_strided_slice %get3A_55 {offsets = [2], sizes = [1], strides = [1]} : vector<16xi32> to vector<1xi32>
      %squeeze3A_82 = vector.extract %slice3A_81[0] : i32 from vector<1xi32>
      %mul3A_83 = arith.constant 16 : i32
      %mul3A_84 = arith.muli %scan3A_48, %mul3A_83 : i32
      %add3A_85 = arith.constant 2 : i32
      %add3A_86 = arith.addi %mul3A_84, %add3A_85 : i32
      %ge3A_87 = arith.constant 0 : i32
      %ge3A_88 = arith.cmpi sge, %squeeze3A_82, %ge3A_87 : i32
      %lt3A_89 = arith.cmpi slt, %add3A_86, %sub3A : i32
      %and3A_90 = arith.andi %ge3A_88, %lt3A_89 : i1
      %convert_element_type3A_91 = arith.extui %and3A_90 : i1 to i32
      %cond3A_92 = arith.constant 0 : i32
      %cond3A_93 = arith.constant 0 : i32
      %cond3A_94 = arith.cmpi ne, %convert_element_type3A_91, %cond3A_93 : i32
      %cond3A_95:3 = scf.if %cond3A_94 -> (i32, i32, i32) {
        %shift_right_arithmetic3A = arith.constant 4 : i32
        %shift_right_arithmetic3A_291 = arith.shrsi %cond3A_80#0, %shift_right_arithmetic3A : i32
        %mul3A_292 = arith.constant 16 : i32
        %mul3A_293 = arith.muli %shift_right_arithmetic3A_291, %mul3A_292 : i32
        %multiple_of3A_294 = tpu.assume_multiple %mul3A_293, 16 : i32
        %and3A_295 = arith.constant 15 : i32
        %and3A_296 = arith.andi %cond3A_80#0, %and3A_295 : i32
        %get3A_297 = arith.index_cast %multiple_of3A_294 : i32 to index
        %get3A_298 = tpu.vector_load %arg8[%get3A_297] {strides = array<i32>} : memref<3256xi32, #tpu.memory_space<vmem>>, vector<16xi32>,
        %get3A_299 = vector.shape_cast %get3A_298 : vector<16xi32> to vector<16xi32>
        %eq3A = vector.broadcast %and3A_296 : i32 to vector<16xi32>
        %eq3A_300 = arith.cmpi eq, %iota3A, %eq3A : vector<16xi32>
        %broadcast_in_dim3A_301 = vector.broadcast %squeeze3A_82 : i32 to vector<16xi32>
        %select_n3A = arith.select %eq3A_300, %broadcast_in_dim3A_301, %get3A_299 : vector<16xi1>, vector<16xi32>
        %swap3A_302 = arith.index_cast %multiple_of3A_294 : i32 to index
        %swap3A_303 = tpu.vector_load %arg8[%swap3A_302] {strides = array<i32>} : memref<3256xi32, #tpu.memory_space<vmem>>, vector<16xi32>,
        %swap3A_304 = vector.shape_cast %swap3A_303 : vector<16xi32> to vector<16xi32>
        %swap3A_305 = vector.shape_cast %select_n3A : vector<16xi32> to vector<16xi32>
        tpu.vector_store %arg8[%swap3A_302], %swap3A_305 {strides = array<i32>} : memref<3256xi32, #tpu.memory_space<vmem>>, vector<16xi32>,
        %get3A_306 = arith.index_cast %multiple_of3A_294 : i32 to index
        %get3A_307 = tpu.vector_load %arg9[%get3A_306] {strides = array<i32>} : memref<3256xi32, #tpu.memory_space<vmem>>, vector<16xi32>,
        %get3A_308 = vector.shape_cast %get3A_307 : vector<16xi32> to vector<16xi32>
        %eq3A_309 = vector.broadcast %and3A_296 : i32 to vector<16xi32>
        %eq3A_310 = arith.cmpi eq, %iota3A, %eq3A_309 : vector<16xi32>
        %add3A_311 = arith.addi %mul3A_2, %add3A_86 : i32
        %broadcast_in_dim3A_312 = vector.broadcast %add3A_311 : i32 to vector<16xi32>
        %select_n3A_313 = arith.select %eq3A_310, %broadcast_in_dim3A_312, %get3A_308 : vector<16xi1>, vector<16xi32>
        %swap3A_314 = arith.index_cast %multiple_of3A_294 : i32 to index
        %swap3A_315 = tpu.vector_load %arg9[%swap3A_314] {strides = array<i32>} : memref<3256xi32, #tpu.memory_space<vmem>>, vector<16xi32>,
        %swap3A_316 = vector.shape_cast %swap3A_315 : vector<16xi32> to vector<16xi32>
        %swap3A_317 = vector.shape_cast %select_n3A_313 : vector<16xi32> to vector<16xi32>
        tpu.vector_store %arg9[%swap3A_314], %swap3A_317 {strides = array<i32>} : memref<3256xi32, #tpu.memory_space<vmem>>, vector<16xi32>,
        %add3A_318 = arith.constant 1 : i32
        %add3A_319 = arith.addi %cond3A_80#0, %add3A_318 : i32
        %add3A_320 = arith.addi %mul3A_2, %add3A_86 : i32
        scf.yield %add3A_319, %squeeze3A_82, %add3A_320 : i32, i32, i32
      } else {
        scf.yield %cond3A_80#0, %cond3A_80#1, %cond3A_80#2 : i32, i32, i32
      }
      %slice3A_96 = vector.extract_strided_slice %get3A_55 {offsets = [3], sizes = [1], strides = [1]} : vector<16xi32> to vector<1xi32>
      %squeeze3A_97 = vector.extract %slice3A_96[0] : i32 from vector<1xi32>
      %mul3A_98 = arith.constant 16 : i32
      %mul3A_99 = arith.muli %scan3A_48, %mul3A_98 : i32
      %add3A_100 = arith.constant 3 : i32
      %add3A_101 = arith.addi %mul3A_99, %add3A_100 : i32
      %ge3A_102 = arith.constant 0 : i32
      %ge3A_103 = arith.cmpi sge, %squeeze3A_97, %ge3A_102 : i32
      %lt3A_104 = arith.cmpi slt, %add3A_101, %sub3A : i32
      %and3A_105 = arith.andi %ge3A_103, %lt3A_104 : i1
      %convert_element_type3A_106 = arith.extui %and3A_105 : i1 to i32
      %cond3A_107 = arith.constant 0 : i32
      %cond3A_108 = arith.constant 0 : i32
      %cond3A_109 = arith.cmpi ne, %convert_element_type3A_106, %cond3A_108 : i32
      %cond3A_110:3 = scf.if %cond3A_109 -> (i32, i32, i32) {
        %shift_right_arithmetic3A = arith.constant 4 : i32
        %shift_right_arithmetic3A_291 = arith.shrsi %cond3A_95#0, %shift_right_arithmetic3A : i32
        %mul3A_292 = arith.constant 16 : i32
        %mul3A_293 = arith.muli %shift_right_arithmetic3A_291, %mul3A_292 : i32
        %multiple_of3A_294 = tpu.assume_multiple %mul3A_293, 16 : i32
        %and3A_295 = arith.constant 15 : i32
        %and3A_296 = arith.andi %cond3A_95#0, %and3A_295 : i32
        %get3A_297 = arith.index_cast %multiple_of3A_294 : i32 to index
        %get3A_298 = tpu.vector_load %arg8[%get3A_297] {strides = array<i32>} : memref<3256xi32, #tpu.memory_space<vmem>>, vector<16xi32>,
        %get3A_299 = vector.shape_cast %get3A_298 : vector<16xi32> to vector<16xi32>
        %eq3A = vector.broadcast %and3A_296 : i32 to vector<16xi32>
        %eq3A_300 = arith.cmpi eq, %iota3A, %eq3A : vector<16xi32>
        %broadcast_in_dim3A_301 = vector.broadcast %squeeze3A_97 : i32 to vector<16xi32>
        %select_n3A = arith.select %eq3A_300, %broadcast_in_dim3A_301, %get3A_299 : vector<16xi1>, vector<16xi32>
        %swap3A_302 = arith.index_cast %multiple_of3A_294 : i32 to index
        %swap3A_303 = tpu.vector_load %arg8[%swap3A_302] {strides = array<i32>} : memref<3256xi32, #tpu.memory_space<vmem>>, vector<16xi32>,
        %swap3A_304 = vector.shape_cast %swap3A_303 : vector<16xi32> to vector<16xi32>
        %swap3A_305 = vector.shape_cast %select_n3A : vector<16xi32> to vector<16xi32>
        tpu.vector_store %arg8[%swap3A_302], %swap3A_305 {strides = array<i32>} : memref<3256xi32, #tpu.memory_space<vmem>>, vector<16xi32>,
        %get3A_306 = arith.index_cast %multiple_of3A_294 : i32 to index
        %get3A_307 = tpu.vector_load %arg9[%get3A_306] {strides = array<i32>} : memref<3256xi32, #tpu.memory_space<vmem>>, vector<16xi32>,
        %get3A_308 = vector.shape_cast %get3A_307 : vector<16xi32> to vector<16xi32>
        %eq3A_309 = vector.broadcast %and3A_296 : i32 to vector<16xi32>
        %eq3A_310 = arith.cmpi eq, %iota3A, %eq3A_309 : vector<16xi32>
        %add3A_311 = arith.addi %mul3A_2, %add3A_101 : i32
        %broadcast_in_dim3A_312 = vector.broadcast %add3A_311 : i32 to vector<16xi32>
        %select_n3A_313 = arith.select %eq3A_310, %broadcast_in_dim3A_312, %get3A_308 : vector<16xi1>, vector<16xi32>
        %swap3A_314 = arith.index_cast %multiple_of3A_294 : i32 to index
        %swap3A_315 = tpu.vector_load %arg9[%swap3A_314] {strides = array<i32>} : memref<3256xi32, #tpu.memory_space<vmem>>, vector<16xi32>,
        %swap3A_316 = vector.shape_cast %swap3A_315 : vector<16xi32> to vector<16xi32>
        %swap3A_317 = vector.shape_cast %select_n3A_313 : vector<16xi32> to vector<16xi32>
        tpu.vector_store %arg9[%swap3A_314], %swap3A_317 {strides = array<i32>} : memref<3256xi32, #tpu.memory_space<vmem>>, vector<16xi32>,
        %add3A_318 = arith.constant 1 : i32
        %add3A_319 = arith.addi %cond3A_95#0, %add3A_318 : i32
        %add3A_320 = arith.addi %mul3A_2, %add3A_101 : i32
        scf.yield %add3A_319, %squeeze3A_97, %add3A_320 : i32, i32, i32
      } else {
        scf.yield %cond3A_95#0, %cond3A_95#1, %cond3A_95#2 : i32, i32, i32
      }
      %slice3A_111 = vector.extract_strided_slice %get3A_55 {offsets = [4], sizes = [1], strides = [1]} : vector<16xi32> to vector<1xi32>
      %squeeze3A_112 = vector.extract %slice3A_111[0] : i32 from vector<1xi32>
      %mul3A_113 = arith.constant 16 : i32
      %mul3A_114 = arith.muli %scan3A_48, %mul3A_113 : i32
      %add3A_115 = arith.constant 4 : i32
      %add3A_116 = arith.addi %mul3A_114, %add3A_115 : i32
      %ge3A_117 = arith.constant 0 : i32
      %ge3A_118 = arith.cmpi sge, %squeeze3A_112, %ge3A_117 : i32
      %lt3A_119 = arith.cmpi slt, %add3A_116, %sub3A : i32
      %and3A_120 = arith.andi %ge3A_118, %lt3A_119 : i1
      %convert_element_type3A_121 = arith.extui %and3A_120 : i1 to i32
      %cond3A_122 = arith.constant 0 : i32
      %cond3A_123 = arith.constant 0 : i32
      %cond3A_124 = arith.cmpi ne, %convert_element_type3A_121, %cond3A_123 : i32
      %cond3A_125:3 = scf.if %cond3A_124 -> (i32, i32, i32) {
        %shift_right_arithmetic3A = arith.constant 4 : i32
        %shift_right_arithmetic3A_291 = arith.shrsi %cond3A_110#0, %shift_right_arithmetic3A : i32
        %mul3A_292 = arith.constant 16 : i32
        %mul3A_293 = arith.muli %shift_right_arithmetic3A_291, %mul3A_292 : i32
        %multiple_of3A_294 = tpu.assume_multiple %mul3A_293, 16 : i32
        %and3A_295 = arith.constant 15 : i32
        %and3A_296 = arith.andi %cond3A_110#0, %and3A_295 : i32
        %get3A_297 = arith.index_cast %multiple_of3A_294 : i32 to index
        %get3A_298 = tpu.vector_load %arg8[%get3A_297] {strides = array<i32>} : memref<3256xi32, #tpu.memory_space<vmem>>, vector<16xi32>,
        %get3A_299 = vector.shape_cast %get3A_298 : vector<16xi32> to vector<16xi32>
        %eq3A = vector.broadcast %and3A_296 : i32 to vector<16xi32>
        %eq3A_300 = arith.cmpi eq, %iota3A, %eq3A : vector<16xi32>
        %broadcast_in_dim3A_301 = vector.broadcast %squeeze3A_112 : i32 to vector<16xi32>
        %select_n3A = arith.select %eq3A_300, %broadcast_in_dim3A_301, %get3A_299 : vector<16xi1>, vector<16xi32>
        %swap3A_302 = arith.index_cast %multiple_of3A_294 : i32 to index
        %swap3A_303 = tpu.vector_load %arg8[%swap3A_302] {strides = array<i32>} : memref<3256xi32, #tpu.memory_space<vmem>>, vector<16xi32>,
        %swap3A_304 = vector.shape_cast %swap3A_303 : vector<16xi32> to vector<16xi32>
        %swap3A_305 = vector.shape_cast %select_n3A : vector<16xi32> to vector<16xi32>
        tpu.vector_store %arg8[%swap3A_302], %swap3A_305 {strides = array<i32>} : memref<3256xi32, #tpu.memory_space<vmem>>, vector<16xi32>,
        %get3A_306 = arith.index_cast %multiple_of3A_294 : i32 to index
        %get3A_307 = tpu.vector_load %arg9[%get3A_306] {strides = array<i32>} : memref<3256xi32, #tpu.memory_space<vmem>>, vector<16xi32>,
        %get3A_308 = vector.shape_cast %get3A_307 : vector<16xi32> to vector<16xi32>
        %eq3A_309 = vector.broadcast %and3A_296 : i32 to vector<16xi32>
        %eq3A_310 = arith.cmpi eq, %iota3A, %eq3A_309 : vector<16xi32>
        %add3A_311 = arith.addi %mul3A_2, %add3A_116 : i32
        %broadcast_in_dim3A_312 = vector.broadcast %add3A_311 : i32 to vector<16xi32>
        %select_n3A_313 = arith.select %eq3A_310, %broadcast_in_dim3A_312, %get3A_308 : vector<16xi1>, vector<16xi32>
        %swap3A_314 = arith.index_cast %multiple_of3A_294 : i32 to index
        %swap3A_315 = tpu.vector_load %arg9[%swap3A_314] {strides = array<i32>} : memref<3256xi32, #tpu.memory_space<vmem>>, vector<16xi32>,
        %swap3A_316 = vector.shape_cast %swap3A_315 : vector<16xi32> to vector<16xi32>
        %swap3A_317 = vector.shape_cast %select_n3A_313 : vector<16xi32> to vector<16xi32>
        tpu.vector_store %arg9[%swap3A_314], %swap3A_317 {strides = array<i32>} : memref<3256xi32, #tpu.memory_space<vmem>>, vector<16xi32>,
        %add3A_318 = arith.constant 1 : i32
        %add3A_319 = arith.addi %cond3A_110#0, %add3A_318 : i32
        %add3A_320 = arith.addi %mul3A_2, %add3A_116 : i32
        scf.yield %add3A_319, %squeeze3A_112, %add3A_320 : i32, i32, i32
      } else {
        scf.yield %cond3A_110#0, %cond3A_110#1, %cond3A_110#2 : i32, i32, i32
      }
      %slice3A_126 = vector.extract_strided_slice %get3A_55 {offsets = [5], sizes = [1], strides = [1]} : vector<16xi32> to vector<1xi32>
      %squeeze3A_127 = vector.extract %slice3A_126[0] : i32 from vector<1xi32>
      %mul3A_128 = arith.constant 16 : i32
      %mul3A_129 = arith.muli %scan3A_48, %mul3A_128 : i32
      %add3A_130 = arith.constant 5 : i32
      %add3A_131 = arith.addi %mul3A_129, %add3A_130 : i32
      %ge3A_132 = arith.constant 0 : i32
      %ge3A_133 = arith.cmpi sge, %squeeze3A_127, %ge3A_132 : i32
      %lt3A_134 = arith.cmpi slt, %add3A_131, %sub3A : i32
      %and3A_135 = arith.andi %ge3A_133, %lt3A_134 : i1
      %convert_element_type3A_136 = arith.extui %and3A_135 : i1 to i32
      %cond3A_137 = arith.constant 0 : i32
      %cond3A_138 = arith.constant 0 : i32
      %cond3A_139 = arith.cmpi ne, %convert_element_type3A_136, %cond3A_138 : i32
      %cond3A_140:3 = scf.if %cond3A_139 -> (i32, i32, i32) {
        %shift_right_arithmetic3A = arith.constant 4 : i32
        %shift_right_arithmetic3A_291 = arith.shrsi %cond3A_125#0, %shift_right_arithmetic3A : i32
        %mul3A_292 = arith.constant 16 : i32
        %mul3A_293 = arith.muli %shift_right_arithmetic3A_291, %mul3A_292 : i32
        %multiple_of3A_294 = tpu.assume_multiple %mul3A_293, 16 : i32
        %and3A_295 = arith.constant 15 : i32
        %and3A_296 = arith.andi %cond3A_125#0, %and3A_295 : i32
        %get3A_297 = arith.index_cast %multiple_of3A_294 : i32 to index
        %get3A_298 = tpu.vector_load %arg8[%get3A_297] {strides = array<i32>} : memref<3256xi32, #tpu.memory_space<vmem>>, vector<16xi32>,
        %get3A_299 = vector.shape_cast %get3A_298 : vector<16xi32> to vector<16xi32>
        %eq3A = vector.broadcast %and3A_296 : i32 to vector<16xi32>
        %eq3A_300 = arith.cmpi eq, %iota3A, %eq3A : vector<16xi32>
        %broadcast_in_dim3A_301 = vector.broadcast %squeeze3A_127 : i32 to vector<16xi32>
        %select_n3A = arith.select %eq3A_300, %broadcast_in_dim3A_301, %get3A_299 : vector<16xi1>, vector<16xi32>
        %swap3A_302 = arith.index_cast %multiple_of3A_294 : i32 to index
        %swap3A_303 = tpu.vector_load %arg8[%swap3A_302] {strides = array<i32>} : memref<3256xi32, #tpu.memory_space<vmem>>, vector<16xi32>,
        %swap3A_304 = vector.shape_cast %swap3A_303 : vector<16xi32> to vector<16xi32>
        %swap3A_305 = vector.shape_cast %select_n3A : vector<16xi32> to vector<16xi32>
        tpu.vector_store %arg8[%swap3A_302], %swap3A_305 {strides = array<i32>} : memref<3256xi32, #tpu.memory_space<vmem>>, vector<16xi32>,
        %get3A_306 = arith.index_cast %multiple_of3A_294 : i32 to index
        %get3A_307 = tpu.vector_load %arg9[%get3A_306] {strides = array<i32>} : memref<3256xi32, #tpu.memory_space<vmem>>, vector<16xi32>,
        %get3A_308 = vector.shape_cast %get3A_307 : vector<16xi32> to vector<16xi32>
        %eq3A_309 = vector.broadcast %and3A_296 : i32 to vector<16xi32>
        %eq3A_310 = arith.cmpi eq, %iota3A, %eq3A_309 : vector<16xi32>
        %add3A_311 = arith.addi %mul3A_2, %add3A_131 : i32
        %broadcast_in_dim3A_312 = vector.broadcast %add3A_311 : i32 to vector<16xi32>
        %select_n3A_313 = arith.select %eq3A_310, %broadcast_in_dim3A_312, %get3A_308 : vector<16xi1>, vector<16xi32>
        %swap3A_314 = arith.index_cast %multiple_of3A_294 : i32 to index
        %swap3A_315 = tpu.vector_load %arg9[%swap3A_314] {strides = array<i32>} : memref<3256xi32, #tpu.memory_space<vmem>>, vector<16xi32>,
        %swap3A_316 = vector.shape_cast %swap3A_315 : vector<16xi32> to vector<16xi32>
        %swap3A_317 = vector.shape_cast %select_n3A_313 : vector<16xi32> to vector<16xi32>
        tpu.vector_store %arg9[%swap3A_314], %swap3A_317 {strides = array<i32>} : memref<3256xi32, #tpu.memory_space<vmem>>, vector<16xi32>,
        %add3A_318 = arith.constant 1 : i32
        %add3A_319 = arith.addi %cond3A_125#0, %add3A_318 : i32
        %add3A_320 = arith.addi %mul3A_2, %add3A_131 : i32
        scf.yield %add3A_319, %squeeze3A_127, %add3A_320 : i32, i32, i32
      } else {
        scf.yield %cond3A_125#0, %cond3A_125#1, %cond3A_125#2 : i32, i32, i32
      }
      %slice3A_141 = vector.extract_strided_slice %get3A_55 {offsets = [6], sizes = [1], strides = [1]} : vector<16xi32> to vector<1xi32>
      %squeeze3A_142 = vector.extract %slice3A_141[0] : i32 from vector<1xi32>
      %mul3A_143 = arith.constant 16 : i32
      %mul3A_144 = arith.muli %scan3A_48, %mul3A_143 : i32
      %add3A_145 = arith.constant 6 : i32
      %add3A_146 = arith.addi %mul3A_144, %add3A_145 : i32
      %ge3A_147 = arith.constant 0 : i32
      %ge3A_148 = arith.cmpi sge, %squeeze3A_142, %ge3A_147 : i32
      %lt3A_149 = arith.cmpi slt, %add3A_146, %sub3A : i32
      %and3A_150 = arith.andi %ge3A_148, %lt3A_149 : i1
      %convert_element_type3A_151 = arith.extui %and3A_150 : i1 to i32
      %cond3A_152 = arith.constant 0 : i32
      %cond3A_153 = arith.constant 0 : i32
      %cond3A_154 = arith.cmpi ne, %convert_element_type3A_151, %cond3A_153 : i32
      %cond3A_155:3 = scf.if %cond3A_154 -> (i32, i32, i32) {
        %shift_right_arithmetic3A = arith.constant 4 : i32
        %shift_right_arithmetic3A_291 = arith.shrsi %cond3A_140#0, %shift_right_arithmetic3A : i32
        %mul3A_292 = arith.constant 16 : i32
        %mul3A_293 = arith.muli %shift_right_arithmetic3A_291, %mul3A_292 : i32
        %multiple_of3A_294 = tpu.assume_multiple %mul3A_293, 16 : i32
        %and3A_295 = arith.constant 15 : i32
        %and3A_296 = arith.andi %cond3A_140#0, %and3A_295 : i32
        %get3A_297 = arith.index_cast %multiple_of3A_294 : i32 to index
        %get3A_298 = tpu.vector_load %arg8[%get3A_297] {strides = array<i32>} : memref<3256xi32, #tpu.memory_space<vmem>>, vector<16xi32>,
        %get3A_299 = vector.shape_cast %get3A_298 : vector<16xi32> to vector<16xi32>
        %eq3A = vector.broadcast %and3A_296 : i32 to vector<16xi32>
        %eq3A_300 = arith.cmpi eq, %iota3A, %eq3A : vector<16xi32>
        %broadcast_in_dim3A_301 = vector.broadcast %squeeze3A_142 : i32 to vector<16xi32>
        %select_n3A = arith.select %eq3A_300, %broadcast_in_dim3A_301, %get3A_299 : vector<16xi1>, vector<16xi32>
        %swap3A_302 = arith.index_cast %multiple_of3A_294 : i32 to index
        %swap3A_303 = tpu.vector_load %arg8[%swap3A_302] {strides = array<i32>} : memref<3256xi32, #tpu.memory_space<vmem>>, vector<16xi32>,
        %swap3A_304 = vector.shape_cast %swap3A_303 : vector<16xi32> to vector<16xi32>
        %swap3A_305 = vector.shape_cast %select_n3A : vector<16xi32> to vector<16xi32>
        tpu.vector_store %arg8[%swap3A_302], %swap3A_305 {strides = array<i32>} : memref<3256xi32, #tpu.memory_space<vmem>>, vector<16xi32>,
        %get3A_306 = arith.index_cast %multiple_of3A_294 : i32 to index
        %get3A_307 = tpu.vector_load %arg9[%get3A_306] {strides = array<i32>} : memref<3256xi32, #tpu.memory_space<vmem>>, vector<16xi32>,
        %get3A_308 = vector.shape_cast %get3A_307 : vector<16xi32> to vector<16xi32>
        %eq3A_309 = vector.broadcast %and3A_296 : i32 to vector<16xi32>
        %eq3A_310 = arith.cmpi eq, %iota3A, %eq3A_309 : vector<16xi32>
        %add3A_311 = arith.addi %mul3A_2, %add3A_146 : i32
        %broadcast_in_dim3A_312 = vector.broadcast %add3A_311 : i32 to vector<16xi32>
        %select_n3A_313 = arith.select %eq3A_310, %broadcast_in_dim3A_312, %get3A_308 : vector<16xi1>, vector<16xi32>
        %swap3A_314 = arith.index_cast %multiple_of3A_294 : i32 to index
        %swap3A_315 = tpu.vector_load %arg9[%swap3A_314] {strides = array<i32>} : memref<3256xi32, #tpu.memory_space<vmem>>, vector<16xi32>,
        %swap3A_316 = vector.shape_cast %swap3A_315 : vector<16xi32> to vector<16xi32>
        %swap3A_317 = vector.shape_cast %select_n3A_313 : vector<16xi32> to vector<16xi32>
        tpu.vector_store %arg9[%swap3A_314], %swap3A_317 {strides = array<i32>} : memref<3256xi32, #tpu.memory_space<vmem>>, vector<16xi32>,
        %add3A_318 = arith.constant 1 : i32
        %add3A_319 = arith.addi %cond3A_140#0, %add3A_318 : i32
        %add3A_320 = arith.addi %mul3A_2, %add3A_146 : i32
        scf.yield %add3A_319, %squeeze3A_142, %add3A_320 : i32, i32, i32
      } else {
        scf.yield %cond3A_140#0, %cond3A_140#1, %cond3A_140#2 : i32, i32, i32
      }
      %slice3A_156 = vector.extract_strided_slice %get3A_55 {offsets = [7], sizes = [1], strides = [1]} : vector<16xi32> to vector<1xi32>
      %squeeze3A_157 = vector.extract %slice3A_156[0] : i32 from vector<1xi32>
      %mul3A_158 = arith.constant 16 : i32
      %mul3A_159 = arith.muli %scan3A_48, %mul3A_158 : i32
      %add3A_160 = arith.constant 7 : i32
      %add3A_161 = arith.addi %mul3A_159, %add3A_160 : i32
      %ge3A_162 = arith.constant 0 : i32
      %ge3A_163 = arith.cmpi sge, %squeeze3A_157, %ge3A_162 : i32
      %lt3A_164 = arith.cmpi slt, %add3A_161, %sub3A : i32
      %and3A_165 = arith.andi %ge3A_163, %lt3A_164 : i1
      %convert_element_type3A_166 = arith.extui %and3A_165 : i1 to i32
      %cond3A_167 = arith.constant 0 : i32
      %cond3A_168 = arith.constant 0 : i32
      %cond3A_169 = arith.cmpi ne, %convert_element_type3A_166, %cond3A_168 : i32
      %cond3A_170:3 = scf.if %cond3A_169 -> (i32, i32, i32) {
        %shift_right_arithmetic3A = arith.constant 4 : i32
        %shift_right_arithmetic3A_291 = arith.shrsi %cond3A_155#0, %shift_right_arithmetic3A : i32
        %mul3A_292 = arith.constant 16 : i32
        %mul3A_293 = arith.muli %shift_right_arithmetic3A_291, %mul3A_292 : i32
        %multiple_of3A_294 = tpu.assume_multiple %mul3A_293, 16 : i32
        %and3A_295 = arith.constant 15 : i32
        %and3A_296 = arith.andi %cond3A_155#0, %and3A_295 : i32
        %get3A_297 = arith.index_cast %multiple_of3A_294 : i32 to index
        %get3A_298 = tpu.vector_load %arg8[%get3A_297] {strides = array<i32>} : memref<3256xi32, #tpu.memory_space<vmem>>, vector<16xi32>,
        %get3A_299 = vector.shape_cast %get3A_298 : vector<16xi32> to vector<16xi32>
        %eq3A = vector.broadcast %and3A_296 : i32 to vector<16xi32>
        %eq3A_300 = arith.cmpi eq, %iota3A, %eq3A : vector<16xi32>
        %broadcast_in_dim3A_301 = vector.broadcast %squeeze3A_157 : i32 to vector<16xi32>
        %select_n3A = arith.select %eq3A_300, %broadcast_in_dim3A_301, %get3A_299 : vector<16xi1>, vector<16xi32>
        %swap3A_302 = arith.index_cast %multiple_of3A_294 : i32 to index
        %swap3A_303 = tpu.vector_load %arg8[%swap3A_302] {strides = array<i32>} : memref<3256xi32, #tpu.memory_space<vmem>>, vector<16xi32>,
        %swap3A_304 = vector.shape_cast %swap3A_303 : vector<16xi32> to vector<16xi32>
        %swap3A_305 = vector.shape_cast %select_n3A : vector<16xi32> to vector<16xi32>
        tpu.vector_store %arg8[%swap3A_302], %swap3A_305 {strides = array<i32>} : memref<3256xi32, #tpu.memory_space<vmem>>, vector<16xi32>,
        %get3A_306 = arith.index_cast %multiple_of3A_294 : i32 to index
        %get3A_307 = tpu.vector_load %arg9[%get3A_306] {strides = array<i32>} : memref<3256xi32, #tpu.memory_space<vmem>>, vector<16xi32>,
        %get3A_308 = vector.shape_cast %get3A_307 : vector<16xi32> to vector<16xi32>
        %eq3A_309 = vector.broadcast %and3A_296 : i32 to vector<16xi32>
        %eq3A_310 = arith.cmpi eq, %iota3A, %eq3A_309 : vector<16xi32>
        %add3A_311 = arith.addi %mul3A_2, %add3A_161 : i32
        %broadcast_in_dim3A_312 = vector.broadcast %add3A_311 : i32 to vector<16xi32>
        %select_n3A_313 = arith.select %eq3A_310, %broadcast_in_dim3A_312, %get3A_308 : vector<16xi1>, vector<16xi32>
        %swap3A_314 = arith.index_cast %multiple_of3A_294 : i32 to index
        %swap3A_315 = tpu.vector_load %arg9[%swap3A_314] {strides = array<i32>} : memref<3256xi32, #tpu.memory_space<vmem>>, vector<16xi32>,
        %swap3A_316 = vector.shape_cast %swap3A_315 : vector<16xi32> to vector<16xi32>
        %swap3A_317 = vector.shape_cast %select_n3A_313 : vector<16xi32> to vector<16xi32>
        tpu.vector_store %arg9[%swap3A_314], %swap3A_317 {strides = array<i32>} : memref<3256xi32, #tpu.memory_space<vmem>>, vector<16xi32>,
        %add3A_318 = arith.constant 1 : i32
        %add3A_319 = arith.addi %cond3A_155#0, %add3A_318 : i32
        %add3A_320 = arith.addi %mul3A_2, %add3A_161 : i32
        scf.yield %add3A_319, %squeeze3A_157, %add3A_320 : i32, i32, i32
      } else {
        scf.yield %cond3A_155#0, %cond3A_155#1, %cond3A_155#2 : i32, i32, i32
      }
      %slice3A_171 = vector.extract_strided_slice %get3A_55 {offsets = [8], sizes = [1], strides = [1]} : vector<16xi32> to vector<1xi32>
      %squeeze3A_172 = vector.extract %slice3A_171[0] : i32 from vector<1xi32>
      %mul3A_173 = arith.constant 16 : i32
      %mul3A_174 = arith.muli %scan3A_48, %mul3A_173 : i32
      %add3A_175 = arith.constant 8 : i32
      %add3A_176 = arith.addi %mul3A_174, %add3A_175 : i32
      %ge3A_177 = arith.constant 0 : i32
      %ge3A_178 = arith.cmpi sge, %squeeze3A_172, %ge3A_177 : i32
      %lt3A_179 = arith.cmpi slt, %add3A_176, %sub3A : i32
      %and3A_180 = arith.andi %ge3A_178, %lt3A_179 : i1
      %convert_element_type3A_181 = arith.extui %and3A_180 : i1 to i32
      %cond3A_182 = arith.constant 0 : i32
      %cond3A_183 = arith.constant 0 : i32
      %cond3A_184 = arith.cmpi ne, %convert_element_type3A_181, %cond3A_183 : i32
      %cond3A_185:3 = scf.if %cond3A_184 -> (i32, i32, i32) {
        %shift_right_arithmetic3A = arith.constant 4 : i32
        %shift_right_arithmetic3A_291 = arith.shrsi %cond3A_170#0, %shift_right_arithmetic3A : i32
        %mul3A_292 = arith.constant 16 : i32
        %mul3A_293 = arith.muli %shift_right_arithmetic3A_291, %mul3A_292 : i32
        %multiple_of3A_294 = tpu.assume_multiple %mul3A_293, 16 : i32
        %and3A_295 = arith.constant 15 : i32
        %and3A_296 = arith.andi %cond3A_170#0, %and3A_295 : i32
        %get3A_297 = arith.index_cast %multiple_of3A_294 : i32 to index
        %get3A_298 = tpu.vector_load %arg8[%get3A_297] {strides = array<i32>} : memref<3256xi32, #tpu.memory_space<vmem>>, vector<16xi32>,
        %get3A_299 = vector.shape_cast %get3A_298 : vector<16xi32> to vector<16xi32>
        %eq3A = vector.broadcast %and3A_296 : i32 to vector<16xi32>
        %eq3A_300 = arith.cmpi eq, %iota3A, %eq3A : vector<16xi32>
        %broadcast_in_dim3A_301 = vector.broadcast %squeeze3A_172 : i32 to vector<16xi32>
        %select_n3A = arith.select %eq3A_300, %broadcast_in_dim3A_301, %get3A_299 : vector<16xi1>, vector<16xi32>
        %swap3A_302 = arith.index_cast %multiple_of3A_294 : i32 to index
        %swap3A_303 = tpu.vector_load %arg8[%swap3A_302] {strides = array<i32>} : memref<3256xi32, #tpu.memory_space<vmem>>, vector<16xi32>,
        %swap3A_304 = vector.shape_cast %swap3A_303 : vector<16xi32> to vector<16xi32>
        %swap3A_305 = vector.shape_cast %select_n3A : vector<16xi32> to vector<16xi32>
        tpu.vector_store %arg8[%swap3A_302], %swap3A_305 {strides = array<i32>} : memref<3256xi32, #tpu.memory_space<vmem>>, vector<16xi32>,
        %get3A_306 = arith.index_cast %multiple_of3A_294 : i32 to index
        %get3A_307 = tpu.vector_load %arg9[%get3A_306] {strides = array<i32>} : memref<3256xi32, #tpu.memory_space<vmem>>, vector<16xi32>,
        %get3A_308 = vector.shape_cast %get3A_307 : vector<16xi32> to vector<16xi32>
        %eq3A_309 = vector.broadcast %and3A_296 : i32 to vector<16xi32>
        %eq3A_310 = arith.cmpi eq, %iota3A, %eq3A_309 : vector<16xi32>
        %add3A_311 = arith.addi %mul3A_2, %add3A_176 : i32
        %broadcast_in_dim3A_312 = vector.broadcast %add3A_311 : i32 to vector<16xi32>
        %select_n3A_313 = arith.select %eq3A_310, %broadcast_in_dim3A_312, %get3A_308 : vector<16xi1>, vector<16xi32>
        %swap3A_314 = arith.index_cast %multiple_of3A_294 : i32 to index
        %swap3A_315 = tpu.vector_load %arg9[%swap3A_314] {strides = array<i32>} : memref<3256xi32, #tpu.memory_space<vmem>>, vector<16xi32>,
        %swap3A_316 = vector.shape_cast %swap3A_315 : vector<16xi32> to vector<16xi32>
        %swap3A_317 = vector.shape_cast %select_n3A_313 : vector<16xi32> to vector<16xi32>
        tpu.vector_store %arg9[%swap3A_314], %swap3A_317 {strides = array<i32>} : memref<3256xi32, #tpu.memory_space<vmem>>, vector<16xi32>,
        %add3A_318 = arith.constant 1 : i32
        %add3A_319 = arith.addi %cond3A_170#0, %add3A_318 : i32
        %add3A_320 = arith.addi %mul3A_2, %add3A_176 : i32
        scf.yield %add3A_319, %squeeze3A_172, %add3A_320 : i32, i32, i32
      } else {
        scf.yield %cond3A_170#0, %cond3A_170#1, %cond3A_170#2 : i32, i32, i32
      }
      %slice3A_186 = vector.extract_strided_slice %get3A_55 {offsets = [9], sizes = [1], strides = [1]} : vector<16xi32> to vector<1xi32>
      %squeeze3A_187 = vector.extract %slice3A_186[0] : i32 from vector<1xi32>
      %mul3A_188 = arith.constant 16 : i32
      %mul3A_189 = arith.muli %scan3A_48, %mul3A_188 : i32
      %add3A_190 = arith.constant 9 : i32
      %add3A_191 = arith.addi %mul3A_189, %add3A_190 : i32
      %ge3A_192 = arith.constant 0 : i32
      %ge3A_193 = arith.cmpi sge, %squeeze3A_187, %ge3A_192 : i32
      %lt3A_194 = arith.cmpi slt, %add3A_191, %sub3A : i32
      %and3A_195 = arith.andi %ge3A_193, %lt3A_194 : i1
      %convert_element_type3A_196 = arith.extui %and3A_195 : i1 to i32
      %cond3A_197 = arith.constant 0 : i32
      %cond3A_198 = arith.constant 0 : i32
      %cond3A_199 = arith.cmpi ne, %convert_element_type3A_196, %cond3A_198 : i32
      %cond3A_200:3 = scf.if %cond3A_199 -> (i32, i32, i32) {
        %shift_right_arithmetic3A = arith.constant 4 : i32
        %shift_right_arithmetic3A_291 = arith.shrsi %cond3A_185#0, %shift_right_arithmetic3A : i32
        %mul3A_292 = arith.constant 16 : i32
        %mul3A_293 = arith.muli %shift_right_arithmetic3A_291, %mul3A_292 : i32
        %multiple_of3A_294 = tpu.assume_multiple %mul3A_293, 16 : i32
        %and3A_295 = arith.constant 15 : i32
        %and3A_296 = arith.andi %cond3A_185#0, %and3A_295 : i32
        %get3A_297 = arith.index_cast %multiple_of3A_294 : i32 to index
        %get3A_298 = tpu.vector_load %arg8[%get3A_297] {strides = array<i32>} : memref<3256xi32, #tpu.memory_space<vmem>>, vector<16xi32>,
        %get3A_299 = vector.shape_cast %get3A_298 : vector<16xi32> to vector<16xi32>
        %eq3A = vector.broadcast %and3A_296 : i32 to vector<16xi32>
        %eq3A_300 = arith.cmpi eq, %iota3A, %eq3A : vector<16xi32>
        %broadcast_in_dim3A_301 = vector.broadcast %squeeze3A_187 : i32 to vector<16xi32>
        %select_n3A = arith.select %eq3A_300, %broadcast_in_dim3A_301, %get3A_299 : vector<16xi1>, vector<16xi32>
        %swap3A_302 = arith.index_cast %multiple_of3A_294 : i32 to index
        %swap3A_303 = tpu.vector_load %arg8[%swap3A_302] {strides = array<i32>} : memref<3256xi32, #tpu.memory_space<vmem>>, vector<16xi32>,
        %swap3A_304 = vector.shape_cast %swap3A_303 : vector<16xi32> to vector<16xi32>
        %swap3A_305 = vector.shape_cast %select_n3A : vector<16xi32> to vector<16xi32>
        tpu.vector_store %arg8[%swap3A_302], %swap3A_305 {strides = array<i32>} : memref<3256xi32, #tpu.memory_space<vmem>>, vector<16xi32>,
        %get3A_306 = arith.index_cast %multiple_of3A_294 : i32 to index
        %get3A_307 = tpu.vector_load %arg9[%get3A_306] {strides = array<i32>} : memref<3256xi32, #tpu.memory_space<vmem>>, vector<16xi32>,
        %get3A_308 = vector.shape_cast %get3A_307 : vector<16xi32> to vector<16xi32>
        %eq3A_309 = vector.broadcast %and3A_296 : i32 to vector<16xi32>
        %eq3A_310 = arith.cmpi eq, %iota3A, %eq3A_309 : vector<16xi32>
        %add3A_311 = arith.addi %mul3A_2, %add3A_191 : i32
        %broadcast_in_dim3A_312 = vector.broadcast %add3A_311 : i32 to vector<16xi32>
        %select_n3A_313 = arith.select %eq3A_310, %broadcast_in_dim3A_312, %get3A_308 : vector<16xi1>, vector<16xi32>
        %swap3A_314 = arith.index_cast %multiple_of3A_294 : i32 to index
        %swap3A_315 = tpu.vector_load %arg9[%swap3A_314] {strides = array<i32>} : memref<3256xi32, #tpu.memory_space<vmem>>, vector<16xi32>,
        %swap3A_316 = vector.shape_cast %swap3A_315 : vector<16xi32> to vector<16xi32>
        %swap3A_317 = vector.shape_cast %select_n3A_313 : vector<16xi32> to vector<16xi32>
        tpu.vector_store %arg9[%swap3A_314], %swap3A_317 {strides = array<i32>} : memref<3256xi32, #tpu.memory_space<vmem>>, vector<16xi32>,
        %add3A_318 = arith.constant 1 : i32
        %add3A_319 = arith.addi %cond3A_185#0, %add3A_318 : i32
        %add3A_320 = arith.addi %mul3A_2, %add3A_191 : i32
        scf.yield %add3A_319, %squeeze3A_187, %add3A_320 : i32, i32, i32
      } else {
        scf.yield %cond3A_185#0, %cond3A_185#1, %cond3A_185#2 : i32, i32, i32
      }
      %slice3A_201 = vector.extract_strided_slice %get3A_55 {offsets = [10], sizes = [1], strides = [1]} : vector<16xi32> to vector<1xi32>
      %squeeze3A_202 = vector.extract %slice3A_201[0] : i32 from vector<1xi32>
      %mul3A_203 = arith.constant 16 : i32
      %mul3A_204 = arith.muli %scan3A_48, %mul3A_203 : i32
      %add3A_205 = arith.constant 10 : i32
      %add3A_206 = arith.addi %mul3A_204, %add3A_205 : i32
      %ge3A_207 = arith.constant 0 : i32
      %ge3A_208 = arith.cmpi sge, %squeeze3A_202, %ge3A_207 : i32
      %lt3A_209 = arith.cmpi slt, %add3A_206, %sub3A : i32
      %and3A_210 = arith.andi %ge3A_208, %lt3A_209 : i1
      %convert_element_type3A_211 = arith.extui %and3A_210 : i1 to i32
      %cond3A_212 = arith.constant 0 : i32
      %cond3A_213 = arith.constant 0 : i32
      %cond3A_214 = arith.cmpi ne, %convert_element_type3A_211, %cond3A_213 : i32
      %cond3A_215:3 = scf.if %cond3A_214 -> (i32, i32, i32) {
        %shift_right_arithmetic3A = arith.constant 4 : i32
        %shift_right_arithmetic3A_291 = arith.shrsi %cond3A_200#0, %shift_right_arithmetic3A : i32
        %mul3A_292 = arith.constant 16 : i32
        %mul3A_293 = arith.muli %shift_right_arithmetic3A_291, %mul3A_292 : i32
        %multiple_of3A_294 = tpu.assume_multiple %mul3A_293, 16 : i32
        %and3A_295 = arith.constant 15 : i32
        %and3A_296 = arith.andi %cond3A_200#0, %and3A_295 : i32
        %get3A_297 = arith.index_cast %multiple_of3A_294 : i32 to index
        %get3A_298 = tpu.vector_load %arg8[%get3A_297] {strides = array<i32>} : memref<3256xi32, #tpu.memory_space<vmem>>, vector<16xi32>,
        %get3A_299 = vector.shape_cast %get3A_298 : vector<16xi32> to vector<16xi32>
        %eq3A = vector.broadcast %and3A_296 : i32 to vector<16xi32>
        %eq3A_300 = arith.cmpi eq, %iota3A, %eq3A : vector<16xi32>
        %broadcast_in_dim3A_301 = vector.broadcast %squeeze3A_202 : i32 to vector<16xi32>
        %select_n3A = arith.select %eq3A_300, %broadcast_in_dim3A_301, %get3A_299 : vector<16xi1>, vector<16xi32>
        %swap3A_302 = arith.index_cast %multiple_of3A_294 : i32 to index
        %swap3A_303 = tpu.vector_load %arg8[%swap3A_302] {strides = array<i32>} : memref<3256xi32, #tpu.memory_space<vmem>>, vector<16xi32>,
        %swap3A_304 = vector.shape_cast %swap3A_303 : vector<16xi32> to vector<16xi32>
        %swap3A_305 = vector.shape_cast %select_n3A : vector<16xi32> to vector<16xi32>
        tpu.vector_store %arg8[%swap3A_302], %swap3A_305 {strides = array<i32>} : memref<3256xi32, #tpu.memory_space<vmem>>, vector<16xi32>,
        %get3A_306 = arith.index_cast %multiple_of3A_294 : i32 to index
        %get3A_307 = tpu.vector_load %arg9[%get3A_306] {strides = array<i32>} : memref<3256xi32, #tpu.memory_space<vmem>>, vector<16xi32>,
        %get3A_308 = vector.shape_cast %get3A_307 : vector<16xi32> to vector<16xi32>
        %eq3A_309 = vector.broadcast %and3A_296 : i32 to vector<16xi32>
        %eq3A_310 = arith.cmpi eq, %iota3A, %eq3A_309 : vector<16xi32>
        %add3A_311 = arith.addi %mul3A_2, %add3A_206 : i32
        %broadcast_in_dim3A_312 = vector.broadcast %add3A_311 : i32 to vector<16xi32>
        %select_n3A_313 = arith.select %eq3A_310, %broadcast_in_dim3A_312, %get3A_308 : vector<16xi1>, vector<16xi32>
        %swap3A_314 = arith.index_cast %multiple_of3A_294 : i32 to index
        %swap3A_315 = tpu.vector_load %arg9[%swap3A_314] {strides = array<i32>} : memref<3256xi32, #tpu.memory_space<vmem>>, vector<16xi32>,
        %swap3A_316 = vector.shape_cast %swap3A_315 : vector<16xi32> to vector<16xi32>
        %swap3A_317 = vector.shape_cast %select_n3A_313 : vector<16xi32> to vector<16xi32>
        tpu.vector_store %arg9[%swap3A_314], %swap3A_317 {strides = array<i32>} : memref<3256xi32, #tpu.memory_space<vmem>>, vector<16xi32>,
        %add3A_318 = arith.constant 1 : i32
        %add3A_319 = arith.addi %cond3A_200#0, %add3A_318 : i32
        %add3A_320 = arith.addi %mul3A_2, %add3A_206 : i32
        scf.yield %add3A_319, %squeeze3A_202, %add3A_320 : i32, i32, i32
      } else {
        scf.yield %cond3A_200#0, %cond3A_200#1, %cond3A_200#2 : i32, i32, i32
      }
      %slice3A_216 = vector.extract_strided_slice %get3A_55 {offsets = [11], sizes = [1], strides = [1]} : vector<16xi32> to vector<1xi32>
      %squeeze3A_217 = vector.extract %slice3A_216[0] : i32 from vector<1xi32>
      %mul3A_218 = arith.constant 16 : i32
      %mul3A_219 = arith.muli %scan3A_48, %mul3A_218 : i32
      %add3A_220 = arith.constant 11 : i32
      %add3A_221 = arith.addi %mul3A_219, %add3A_220 : i32
      %ge3A_222 = arith.constant 0 : i32
      %ge3A_223 = arith.cmpi sge, %squeeze3A_217, %ge3A_222 : i32
      %lt3A_224 = arith.cmpi slt, %add3A_221, %sub3A : i32
      %and3A_225 = arith.andi %ge3A_223, %lt3A_224 : i1
      %convert_element_type3A_226 = arith.extui %and3A_225 : i1 to i32
      %cond3A_227 = arith.constant 0 : i32
      %cond3A_228 = arith.constant 0 : i32
      %cond3A_229 = arith.cmpi ne, %convert_element_type3A_226, %cond3A_228 : i32
      %cond3A_230:3 = scf.if %cond3A_229 -> (i32, i32, i32) {
        %shift_right_arithmetic3A = arith.constant 4 : i32
        %shift_right_arithmetic3A_291 = arith.shrsi %cond3A_215#0, %shift_right_arithmetic3A : i32
        %mul3A_292 = arith.constant 16 : i32
        %mul3A_293 = arith.muli %shift_right_arithmetic3A_291, %mul3A_292 : i32
        %multiple_of3A_294 = tpu.assume_multiple %mul3A_293, 16 : i32
        %and3A_295 = arith.constant 15 : i32
        %and3A_296 = arith.andi %cond3A_215#0, %and3A_295 : i32
        %get3A_297 = arith.index_cast %multiple_of3A_294 : i32 to index
        %get3A_298 = tpu.vector_load %arg8[%get3A_297] {strides = array<i32>} : memref<3256xi32, #tpu.memory_space<vmem>>, vector<16xi32>,
        %get3A_299 = vector.shape_cast %get3A_298 : vector<16xi32> to vector<16xi32>
        %eq3A = vector.broadcast %and3A_296 : i32 to vector<16xi32>
        %eq3A_300 = arith.cmpi eq, %iota3A, %eq3A : vector<16xi32>
        %broadcast_in_dim3A_301 = vector.broadcast %squeeze3A_217 : i32 to vector<16xi32>
        %select_n3A = arith.select %eq3A_300, %broadcast_in_dim3A_301, %get3A_299 : vector<16xi1>, vector<16xi32>
        %swap3A_302 = arith.index_cast %multiple_of3A_294 : i32 to index
        %swap3A_303 = tpu.vector_load %arg8[%swap3A_302] {strides = array<i32>} : memref<3256xi32, #tpu.memory_space<vmem>>, vector<16xi32>,
        %swap3A_304 = vector.shape_cast %swap3A_303 : vector<16xi32> to vector<16xi32>
        %swap3A_305 = vector.shape_cast %select_n3A : vector<16xi32> to vector<16xi32>
        tpu.vector_store %arg8[%swap3A_302], %swap3A_305 {strides = array<i32>} : memref<3256xi32, #tpu.memory_space<vmem>>, vector<16xi32>,
        %get3A_306 = arith.index_cast %multiple_of3A_294 : i32 to index
        %get3A_307 = tpu.vector_load %arg9[%get3A_306] {strides = array<i32>} : memref<3256xi32, #tpu.memory_space<vmem>>, vector<16xi32>,
        %get3A_308 = vector.shape_cast %get3A_307 : vector<16xi32> to vector<16xi32>
        %eq3A_309 = vector.broadcast %and3A_296 : i32 to vector<16xi32>
        %eq3A_310 = arith.cmpi eq, %iota3A, %eq3A_309 : vector<16xi32>
        %add3A_311 = arith.addi %mul3A_2, %add3A_221 : i32
        %broadcast_in_dim3A_312 = vector.broadcast %add3A_311 : i32 to vector<16xi32>
        %select_n3A_313 = arith.select %eq3A_310, %broadcast_in_dim3A_312, %get3A_308 : vector<16xi1>, vector<16xi32>
        %swap3A_314 = arith.index_cast %multiple_of3A_294 : i32 to index
        %swap3A_315 = tpu.vector_load %arg9[%swap3A_314] {strides = array<i32>} : memref<3256xi32, #tpu.memory_space<vmem>>, vector<16xi32>,
        %swap3A_316 = vector.shape_cast %swap3A_315 : vector<16xi32> to vector<16xi32>
        %swap3A_317 = vector.shape_cast %select_n3A_313 : vector<16xi32> to vector<16xi32>
        tpu.vector_store %arg9[%swap3A_314], %swap3A_317 {strides = array<i32>} : memref<3256xi32, #tpu.memory_space<vmem>>, vector<16xi32>,
        %add3A_318 = arith.constant 1 : i32
        %add3A_319 = arith.addi %cond3A_215#0, %add3A_318 : i32
        %add3A_320 = arith.addi %mul3A_2, %add3A_221 : i32
        scf.yield %add3A_319, %squeeze3A_217, %add3A_320 : i32, i32, i32
      } else {
        scf.yield %cond3A_215#0, %cond3A_215#1, %cond3A_215#2 : i32, i32, i32
      }
      %slice3A_231 = vector.extract_strided_slice %get3A_55 {offsets = [12], sizes = [1], strides = [1]} : vector<16xi32> to vector<1xi32>
      %squeeze3A_232 = vector.extract %slice3A_231[0] : i32 from vector<1xi32>
      %mul3A_233 = arith.constant 16 : i32
      %mul3A_234 = arith.muli %scan3A_48, %mul3A_233 : i32
      %add3A_235 = arith.constant 12 : i32
      %add3A_236 = arith.addi %mul3A_234, %add3A_235 : i32
      %ge3A_237 = arith.constant 0 : i32
      %ge3A_238 = arith.cmpi sge, %squeeze3A_232, %ge3A_237 : i32
      %lt3A_239 = arith.cmpi slt, %add3A_236, %sub3A : i32
      %and3A_240 = arith.andi %ge3A_238, %lt3A_239 : i1
      %convert_element_type3A_241 = arith.extui %and3A_240 : i1 to i32
      %cond3A_242 = arith.constant 0 : i32
      %cond3A_243 = arith.constant 0 : i32
      %cond3A_244 = arith.cmpi ne, %convert_element_type3A_241, %cond3A_243 : i32
      %cond3A_245:3 = scf.if %cond3A_244 -> (i32, i32, i32) {
        %shift_right_arithmetic3A = arith.constant 4 : i32
        %shift_right_arithmetic3A_291 = arith.shrsi %cond3A_230#0, %shift_right_arithmetic3A : i32
        %mul3A_292 = arith.constant 16 : i32
        %mul3A_293 = arith.muli %shift_right_arithmetic3A_291, %mul3A_292 : i32
        %multiple_of3A_294 = tpu.assume_multiple %mul3A_293, 16 : i32
        %and3A_295 = arith.constant 15 : i32
        %and3A_296 = arith.andi %cond3A_230#0, %and3A_295 : i32
        %get3A_297 = arith.index_cast %multiple_of3A_294 : i32 to index
        %get3A_298 = tpu.vector_load %arg8[%get3A_297] {strides = array<i32>} : memref<3256xi32, #tpu.memory_space<vmem>>, vector<16xi32>,
        %get3A_299 = vector.shape_cast %get3A_298 : vector<16xi32> to vector<16xi32>
        %eq3A = vector.broadcast %and3A_296 : i32 to vector<16xi32>
        %eq3A_300 = arith.cmpi eq, %iota3A, %eq3A : vector<16xi32>
        %broadcast_in_dim3A_301 = vector.broadcast %squeeze3A_232 : i32 to vector<16xi32>
        %select_n3A = arith.select %eq3A_300, %broadcast_in_dim3A_301, %get3A_299 : vector<16xi1>, vector<16xi32>
        %swap3A_302 = arith.index_cast %multiple_of3A_294 : i32 to index
        %swap3A_303 = tpu.vector_load %arg8[%swap3A_302] {strides = array<i32>} : memref<3256xi32, #tpu.memory_space<vmem>>, vector<16xi32>,
        %swap3A_304 = vector.shape_cast %swap3A_303 : vector<16xi32> to vector<16xi32>
        %swap3A_305 = vector.shape_cast %select_n3A : vector<16xi32> to vector<16xi32>
        tpu.vector_store %arg8[%swap3A_302], %swap3A_305 {strides = array<i32>} : memref<3256xi32, #tpu.memory_space<vmem>>, vector<16xi32>,
        %get3A_306 = arith.index_cast %multiple_of3A_294 : i32 to index
        %get3A_307 = tpu.vector_load %arg9[%get3A_306] {strides = array<i32>} : memref<3256xi32, #tpu.memory_space<vmem>>, vector<16xi32>,
        %get3A_308 = vector.shape_cast %get3A_307 : vector<16xi32> to vector<16xi32>
        %eq3A_309 = vector.broadcast %and3A_296 : i32 to vector<16xi32>
        %eq3A_310 = arith.cmpi eq, %iota3A, %eq3A_309 : vector<16xi32>
        %add3A_311 = arith.addi %mul3A_2, %add3A_236 : i32
        %broadcast_in_dim3A_312 = vector.broadcast %add3A_311 : i32 to vector<16xi32>
        %select_n3A_313 = arith.select %eq3A_310, %broadcast_in_dim3A_312, %get3A_308 : vector<16xi1>, vector<16xi32>
        %swap3A_314 = arith.index_cast %multiple_of3A_294 : i32 to index
        %swap3A_315 = tpu.vector_load %arg9[%swap3A_314] {strides = array<i32>} : memref<3256xi32, #tpu.memory_space<vmem>>, vector<16xi32>,
        %swap3A_316 = vector.shape_cast %swap3A_315 : vector<16xi32> to vector<16xi32>
        %swap3A_317 = vector.shape_cast %select_n3A_313 : vector<16xi32> to vector<16xi32>
        tpu.vector_store %arg9[%swap3A_314], %swap3A_317 {strides = array<i32>} : memref<3256xi32, #tpu.memory_space<vmem>>, vector<16xi32>,
        %add3A_318 = arith.constant 1 : i32
        %add3A_319 = arith.addi %cond3A_230#0, %add3A_318 : i32
        %add3A_320 = arith.addi %mul3A_2, %add3A_236 : i32
        scf.yield %add3A_319, %squeeze3A_232, %add3A_320 : i32, i32, i32
      } else {
        scf.yield %cond3A_230#0, %cond3A_230#1, %cond3A_230#2 : i32, i32, i32
      }
      %slice3A_246 = vector.extract_strided_slice %get3A_55 {offsets = [13], sizes = [1], strides = [1]} : vector<16xi32> to vector<1xi32>
      %squeeze3A_247 = vector.extract %slice3A_246[0] : i32 from vector<1xi32>
      %mul3A_248 = arith.constant 16 : i32
      %mul3A_249 = arith.muli %scan3A_48, %mul3A_248 : i32
      %add3A_250 = arith.constant 13 : i32
      %add3A_251 = arith.addi %mul3A_249, %add3A_250 : i32
      %ge3A_252 = arith.constant 0 : i32
      %ge3A_253 = arith.cmpi sge, %squeeze3A_247, %ge3A_252 : i32
      %lt3A_254 = arith.cmpi slt, %add3A_251, %sub3A : i32
      %and3A_255 = arith.andi %ge3A_253, %lt3A_254 : i1
      %convert_element_type3A_256 = arith.extui %and3A_255 : i1 to i32
      %cond3A_257 = arith.constant 0 : i32
      %cond3A_258 = arith.constant 0 : i32
      %cond3A_259 = arith.cmpi ne, %convert_element_type3A_256, %cond3A_258 : i32
      %cond3A_260:3 = scf.if %cond3A_259 -> (i32, i32, i32) {
        %shift_right_arithmetic3A = arith.constant 4 : i32
        %shift_right_arithmetic3A_291 = arith.shrsi %cond3A_245#0, %shift_right_arithmetic3A : i32
        %mul3A_292 = arith.constant 16 : i32
        %mul3A_293 = arith.muli %shift_right_arithmetic3A_291, %mul3A_292 : i32
        %multiple_of3A_294 = tpu.assume_multiple %mul3A_293, 16 : i32
        %and3A_295 = arith.constant 15 : i32
        %and3A_296 = arith.andi %cond3A_245#0, %and3A_295 : i32
        %get3A_297 = arith.index_cast %multiple_of3A_294 : i32 to index
        %get3A_298 = tpu.vector_load %arg8[%get3A_297] {strides = array<i32>} : memref<3256xi32, #tpu.memory_space<vmem>>, vector<16xi32>,
        %get3A_299 = vector.shape_cast %get3A_298 : vector<16xi32> to vector<16xi32>
        %eq3A = vector.broadcast %and3A_296 : i32 to vector<16xi32>
        %eq3A_300 = arith.cmpi eq, %iota3A, %eq3A : vector<16xi32>
        %broadcast_in_dim3A_301 = vector.broadcast %squeeze3A_247 : i32 to vector<16xi32>
        %select_n3A = arith.select %eq3A_300, %broadcast_in_dim3A_301, %get3A_299 : vector<16xi1>, vector<16xi32>
        %swap3A_302 = arith.index_cast %multiple_of3A_294 : i32 to index
        %swap3A_303 = tpu.vector_load %arg8[%swap3A_302] {strides = array<i32>} : memref<3256xi32, #tpu.memory_space<vmem>>, vector<16xi32>,
        %swap3A_304 = vector.shape_cast %swap3A_303 : vector<16xi32> to vector<16xi32>
        %swap3A_305 = vector.shape_cast %select_n3A : vector<16xi32> to vector<16xi32>
        tpu.vector_store %arg8[%swap3A_302], %swap3A_305 {strides = array<i32>} : memref<3256xi32, #tpu.memory_space<vmem>>, vector<16xi32>,
        %get3A_306 = arith.index_cast %multiple_of3A_294 : i32 to index
        %get3A_307 = tpu.vector_load %arg9[%get3A_306] {strides = array<i32>} : memref<3256xi32, #tpu.memory_space<vmem>>, vector<16xi32>,
        %get3A_308 = vector.shape_cast %get3A_307 : vector<16xi32> to vector<16xi32>
        %eq3A_309 = vector.broadcast %and3A_296 : i32 to vector<16xi32>
        %eq3A_310 = arith.cmpi eq, %iota3A, %eq3A_309 : vector<16xi32>
        %add3A_311 = arith.addi %mul3A_2, %add3A_251 : i32
        %broadcast_in_dim3A_312 = vector.broadcast %add3A_311 : i32 to vector<16xi32>
        %select_n3A_313 = arith.select %eq3A_310, %broadcast_in_dim3A_312, %get3A_308 : vector<16xi1>, vector<16xi32>
        %swap3A_314 = arith.index_cast %multiple_of3A_294 : i32 to index
        %swap3A_315 = tpu.vector_load %arg9[%swap3A_314] {strides = array<i32>} : memref<3256xi32, #tpu.memory_space<vmem>>, vector<16xi32>,
        %swap3A_316 = vector.shape_cast %swap3A_315 : vector<16xi32> to vector<16xi32>
        %swap3A_317 = vector.shape_cast %select_n3A_313 : vector<16xi32> to vector<16xi32>
        tpu.vector_store %arg9[%swap3A_314], %swap3A_317 {strides = array<i32>} : memref<3256xi32, #tpu.memory_space<vmem>>, vector<16xi32>,
        %add3A_318 = arith.constant 1 : i32
        %add3A_319 = arith.addi %cond3A_245#0, %add3A_318 : i32
        %add3A_320 = arith.addi %mul3A_2, %add3A_251 : i32
        scf.yield %add3A_319, %squeeze3A_247, %add3A_320 : i32, i32, i32
      } else {
        scf.yield %cond3A_245#0, %cond3A_245#1, %cond3A_245#2 : i32, i32, i32
      }
      %slice3A_261 = vector.extract_strided_slice %get3A_55 {offsets = [14], sizes = [1], strides = [1]} : vector<16xi32> to vector<1xi32>
      %squeeze3A_262 = vector.extract %slice3A_261[0] : i32 from vector<1xi32>
      %mul3A_263 = arith.constant 16 : i32
      %mul3A_264 = arith.muli %scan3A_48, %mul3A_263 : i32
      %add3A_265 = arith.constant 14 : i32
      %add3A_266 = arith.addi %mul3A_264, %add3A_265 : i32
      %ge3A_267 = arith.constant 0 : i32
      %ge3A_268 = arith.cmpi sge, %squeeze3A_262, %ge3A_267 : i32
      %lt3A_269 = arith.cmpi slt, %add3A_266, %sub3A : i32
      %and3A_270 = arith.andi %ge3A_268, %lt3A_269 : i1
      %convert_element_type3A_271 = arith.extui %and3A_270 : i1 to i32
      %cond3A_272 = arith.constant 0 : i32
      %cond3A_273 = arith.constant 0 : i32
      %cond3A_274 = arith.cmpi ne, %convert_element_type3A_271, %cond3A_273 : i32
      %cond3A_275:3 = scf.if %cond3A_274 -> (i32, i32, i32) {
        %shift_right_arithmetic3A = arith.constant 4 : i32
        %shift_right_arithmetic3A_291 = arith.shrsi %cond3A_260#0, %shift_right_arithmetic3A : i32
        %mul3A_292 = arith.constant 16 : i32
        %mul3A_293 = arith.muli %shift_right_arithmetic3A_291, %mul3A_292 : i32
        %multiple_of3A_294 = tpu.assume_multiple %mul3A_293, 16 : i32
        %and3A_295 = arith.constant 15 : i32
        %and3A_296 = arith.andi %cond3A_260#0, %and3A_295 : i32
        %get3A_297 = arith.index_cast %multiple_of3A_294 : i32 to index
        %get3A_298 = tpu.vector_load %arg8[%get3A_297] {strides = array<i32>} : memref<3256xi32, #tpu.memory_space<vmem>>, vector<16xi32>,
        %get3A_299 = vector.shape_cast %get3A_298 : vector<16xi32> to vector<16xi32>
        %eq3A = vector.broadcast %and3A_296 : i32 to vector<16xi32>
        %eq3A_300 = arith.cmpi eq, %iota3A, %eq3A : vector<16xi32>
        %broadcast_in_dim3A_301 = vector.broadcast %squeeze3A_262 : i32 to vector<16xi32>
        %select_n3A = arith.select %eq3A_300, %broadcast_in_dim3A_301, %get3A_299 : vector<16xi1>, vector<16xi32>
        %swap3A_302 = arith.index_cast %multiple_of3A_294 : i32 to index
        %swap3A_303 = tpu.vector_load %arg8[%swap3A_302] {strides = array<i32>} : memref<3256xi32, #tpu.memory_space<vmem>>, vector<16xi32>,
        %swap3A_304 = vector.shape_cast %swap3A_303 : vector<16xi32> to vector<16xi32>
        %swap3A_305 = vector.shape_cast %select_n3A : vector<16xi32> to vector<16xi32>
        tpu.vector_store %arg8[%swap3A_302], %swap3A_305 {strides = array<i32>} : memref<3256xi32, #tpu.memory_space<vmem>>, vector<16xi32>,
        %get3A_306 = arith.index_cast %multiple_of3A_294 : i32 to index
        %get3A_307 = tpu.vector_load %arg9[%get3A_306] {strides = array<i32>} : memref<3256xi32, #tpu.memory_space<vmem>>, vector<16xi32>,
        %get3A_308 = vector.shape_cast %get3A_307 : vector<16xi32> to vector<16xi32>
        %eq3A_309 = vector.broadcast %and3A_296 : i32 to vector<16xi32>
        %eq3A_310 = arith.cmpi eq, %iota3A, %eq3A_309 : vector<16xi32>
        %add3A_311 = arith.addi %mul3A_2, %add3A_266 : i32
        %broadcast_in_dim3A_312 = vector.broadcast %add3A_311 : i32 to vector<16xi32>
        %select_n3A_313 = arith.select %eq3A_310, %broadcast_in_dim3A_312, %get3A_308 : vector<16xi1>, vector<16xi32>
        %swap3A_314 = arith.index_cast %multiple_of3A_294 : i32 to index
        %swap3A_315 = tpu.vector_load %arg9[%swap3A_314] {strides = array<i32>} : memref<3256xi32, #tpu.memory_space<vmem>>, vector<16xi32>,
        %swap3A_316 = vector.shape_cast %swap3A_315 : vector<16xi32> to vector<16xi32>
        %swap3A_317 = vector.shape_cast %select_n3A_313 : vector<16xi32> to vector<16xi32>
        tpu.vector_store %arg9[%swap3A_314], %swap3A_317 {strides = array<i32>} : memref<3256xi32, #tpu.memory_space<vmem>>, vector<16xi32>,
        %add3A_318 = arith.constant 1 : i32
        %add3A_319 = arith.addi %cond3A_260#0, %add3A_318 : i32
        %add3A_320 = arith.addi %mul3A_2, %add3A_266 : i32
        scf.yield %add3A_319, %squeeze3A_262, %add3A_320 : i32, i32, i32
      } else {
        scf.yield %cond3A_260#0, %cond3A_260#1, %cond3A_260#2 : i32, i32, i32
      }
      %slice3A_276 = vector.extract_strided_slice %get3A_55 {offsets = [15], sizes = [1], strides = [1]} : vector<16xi32> to vector<1xi32>
      %squeeze3A_277 = vector.extract %slice3A_276[0] : i32 from vector<1xi32>
      %mul3A_278 = arith.constant 16 : i32
      %mul3A_279 = arith.muli %scan3A_48, %mul3A_278 : i32
      %add3A_280 = arith.constant 15 : i32
      %add3A_281 = arith.addi %mul3A_279, %add3A_280 : i32
      %ge3A_282 = arith.constant 0 : i32
      %ge3A_283 = arith.cmpi sge, %squeeze3A_277, %ge3A_282 : i32
      %lt3A_284 = arith.cmpi slt, %add3A_281, %sub3A : i32
      %and3A_285 = arith.andi %ge3A_283, %lt3A_284 : i1
      %convert_element_type3A_286 = arith.extui %and3A_285 : i1 to i32
      %cond3A_287 = arith.constant 0 : i32
      %cond3A_288 = arith.constant 0 : i32
      %cond3A_289 = arith.cmpi ne, %convert_element_type3A_286, %cond3A_288 : i32
      %cond3A_290:3 = scf.if %cond3A_289 -> (i32, i32, i32) {
        %shift_right_arithmetic3A = arith.constant 4 : i32
        %shift_right_arithmetic3A_291 = arith.shrsi %cond3A_275#0, %shift_right_arithmetic3A : i32
        %mul3A_292 = arith.constant 16 : i32
        %mul3A_293 = arith.muli %shift_right_arithmetic3A_291, %mul3A_292 : i32
        %multiple_of3A_294 = tpu.assume_multiple %mul3A_293, 16 : i32
        %and3A_295 = arith.constant 15 : i32
        %and3A_296 = arith.andi %cond3A_275#0, %and3A_295 : i32
        %get3A_297 = arith.index_cast %multiple_of3A_294 : i32 to index
        %get3A_298 = tpu.vector_load %arg8[%get3A_297] {strides = array<i32>} : memref<3256xi32, #tpu.memory_space<vmem>>, vector<16xi32>,
        %get3A_299 = vector.shape_cast %get3A_298 : vector<16xi32> to vector<16xi32>
        %eq3A = vector.broadcast %and3A_296 : i32 to vector<16xi32>
        %eq3A_300 = arith.cmpi eq, %iota3A, %eq3A : vector<16xi32>
        %broadcast_in_dim3A_301 = vector.broadcast %squeeze3A_277 : i32 to vector<16xi32>
        %select_n3A = arith.select %eq3A_300, %broadcast_in_dim3A_301, %get3A_299 : vector<16xi1>, vector<16xi32>
        %swap3A_302 = arith.index_cast %multiple_of3A_294 : i32 to index
        %swap3A_303 = tpu.vector_load %arg8[%swap3A_302] {strides = array<i32>} : memref<3256xi32, #tpu.memory_space<vmem>>, vector<16xi32>,
        %swap3A_304 = vector.shape_cast %swap3A_303 : vector<16xi32> to vector<16xi32>
        %swap3A_305 = vector.shape_cast %select_n3A : vector<16xi32> to vector<16xi32>
        tpu.vector_store %arg8[%swap3A_302], %swap3A_305 {strides = array<i32>} : memref<3256xi32, #tpu.memory_space<vmem>>, vector<16xi32>,
        %get3A_306 = arith.index_cast %multiple_of3A_294 : i32 to index
        %get3A_307 = tpu.vector_load %arg9[%get3A_306] {strides = array<i32>} : memref<3256xi32, #tpu.memory_space<vmem>>, vector<16xi32>,
        %get3A_308 = vector.shape_cast %get3A_307 : vector<16xi32> to vector<16xi32>
        %eq3A_309 = vector.broadcast %and3A_296 : i32 to vector<16xi32>
        %eq3A_310 = arith.cmpi eq, %iota3A, %eq3A_309 : vector<16xi32>
        %add3A_311 = arith.addi %mul3A_2, %add3A_281 : i32
        %broadcast_in_dim3A_312 = vector.broadcast %add3A_311 : i32 to vector<16xi32>
        %select_n3A_313 = arith.select %eq3A_310, %broadcast_in_dim3A_312, %get3A_308 : vector<16xi1>, vector<16xi32>
        %swap3A_314 = arith.index_cast %multiple_of3A_294 : i32 to index
        %swap3A_315 = tpu.vector_load %arg9[%swap3A_314] {strides = array<i32>} : memref<3256xi32, #tpu.memory_space<vmem>>, vector<16xi32>,
        %swap3A_316 = vector.shape_cast %swap3A_315 : vector<16xi32> to vector<16xi32>
        %swap3A_317 = vector.shape_cast %select_n3A_313 : vector<16xi32> to vector<16xi32>
        tpu.vector_store %arg9[%swap3A_314], %swap3A_317 {strides = array<i32>} : memref<3256xi32, #tpu.memory_space<vmem>>, vector<16xi32>,
        %add3A_318 = arith.constant 1 : i32
        %add3A_319 = arith.addi %cond3A_275#0, %add3A_318 : i32
        %add3A_320 = arith.addi %mul3A_2, %add3A_281 : i32
        scf.yield %add3A_319, %squeeze3A_277, %add3A_320 : i32, i32, i32
      } else {
        scf.yield %cond3A_275#0, %cond3A_275#1, %cond3A_275#2 : i32, i32, i32
      }
      scf.yield %cond3A_290#0, %cond3A_290#1, %cond3A_290#2 : i32, i32, i32
    }
    %scan3A_31 = arith.constant 196 : i32
    %gt3A = arith.constant 0 : i32
    %gt3A_32 = arith.cmpi sgt, %scan3A_30#0, %gt3A : i32
    %convert_element_type3A = arith.extui %gt3A_32 : i1 to i32
    %cond3A = arith.constant 0 : i32
    %cond3A_33 = arith.cmpi ne, %convert_element_type3A, %cond3A : i32
    scf.if %cond3A_33 {
      %shift_right_arithmetic3A = arith.constant 4 : i32
      %shift_right_arithmetic3A_48 = arith.shrsi %scan3A_30#0, %shift_right_arithmetic3A : i32
      %mul3A_49 = arith.constant 16 : i32
      %mul3A_50 = arith.muli %shift_right_arithmetic3A_48, %mul3A_49 : i32
      %multiple_of3A_51 = tpu.assume_multiple %mul3A_50, 16 : i32
      %broadcast_in_dim3A_52 = arith.constant 0 : i32
      %broadcast_in_dim3A_53 = vector.broadcast %broadcast_in_dim3A_52 : i32 to vector<16xi32>
      %add3A_54 = vector.broadcast %scan3A_30#1 : i32 to vector<16xi32>
      %add3A_55 = arith.addi %broadcast_in_dim3A_53, %add3A_54 : vector<16xi32>
      %broadcast_in_dim3A_56 = arith.constant 0 : i32
      %broadcast_in_dim3A_57 = vector.broadcast %broadcast_in_dim3A_56 : i32 to vector<16xi32>
      %add3A_58 = vector.broadcast %scan3A_30#2 : i32 to vector<16xi32>
      %add3A_59 = arith.addi %broadcast_in_dim3A_57, %add3A_58 : vector<16xi32>
      %get3A = arith.index_cast %multiple_of3A_51 : i32 to index
      %get3A_60 = tpu.vector_load %arg8[%get3A] {strides = array<i32>} : memref<3256xi32, #tpu.memory_space<vmem>>, vector<16xi32>,
      %get3A_61 = vector.shape_cast %get3A_60 : vector<16xi32> to vector<16xi32>
      %get3A_62 = arith.index_cast %multiple_of3A_51 : i32 to index
      %get3A_63 = tpu.vector_load %arg9[%get3A_62] {strides = array<i32>} : memref<3256xi32, #tpu.memory_space<vmem>>, vector<16xi32>,
      %get3A_64 = vector.shape_cast %get3A_63 : vector<16xi32> to vector<16xi32>
      %sub3A_65 = arith.subi %scan3A_30#0, %multiple_of3A_51 : i32
      %lt3A = vector.broadcast %sub3A_65 : i32 to vector<16xi32>
      %lt3A_66 = arith.cmpi slt, %iota3A, %lt3A : vector<16xi32>
      %select_n3A = arith.select %lt3A_66, %get3A_61, %add3A_55 : vector<16xi1>, vector<16xi32>
      %swap3A_67 = arith.index_cast %multiple_of3A_51 : i32 to index
      %swap3A_68 = tpu.vector_load %arg8[%swap3A_67] {strides = array<i32>} : memref<3256xi32, #tpu.memory_space<vmem>>, vector<16xi32>,
      %swap3A_69 = vector.shape_cast %swap3A_68 : vector<16xi32> to vector<16xi32>
      %swap3A_70 = vector.shape_cast %select_n3A : vector<16xi32> to vector<16xi32>
      tpu.vector_store %arg8[%swap3A_67], %swap3A_70 {strides = array<i32>} : memref<3256xi32, #tpu.memory_space<vmem>>, vector<16xi32>,
      %select_n3A_71 = arith.select %lt3A_66, %get3A_64, %add3A_59 : vector<16xi1>, vector<16xi32>
      %swap3A_72 = arith.index_cast %multiple_of3A_51 : i32 to index
      %swap3A_73 = tpu.vector_load %arg9[%swap3A_72] {strides = array<i32>} : memref<3256xi32, #tpu.memory_space<vmem>>, vector<16xi32>,
      %swap3A_74 = vector.shape_cast %swap3A_73 : vector<16xi32> to vector<16xi32>
      %swap3A_75 = vector.shape_cast %select_n3A_71 : vector<16xi32> to vector<16xi32>
      tpu.vector_store %arg9[%swap3A_72], %swap3A_75 {strides = array<i32>} : memref<3256xi32, #tpu.memory_space<vmem>>, vector<16xi32>,
      %add3A_76 = arith.constant 16 : i32
      %add3A_77 = arith.addi %multiple_of3A_51, %add3A_76 : i32
      %swap3A_78 = arith.index_cast %add3A_77 : i32 to index
      %swap3A_79 = tpu.vector_load %arg8[%swap3A_78] {strides = array<i32>} : memref<3256xi32, #tpu.memory_space<vmem>>, vector<16xi32>,
      %swap3A_80 = vector.shape_cast %swap3A_79 : vector<16xi32> to vector<16xi32>
      %swap3A_81 = vector.shape_cast %add3A_55 : vector<16xi32> to vector<16xi32>
      tpu.vector_store %arg8[%swap3A_78], %swap3A_81 {strides = array<i32>} : memref<3256xi32, #tpu.memory_space<vmem>>, vector<16xi32>,
      %add3A_82 = arith.constant 16 : i32
      %add3A_83 = arith.addi %multiple_of3A_51, %add3A_82 : i32
      %swap3A_84 = arith.index_cast %add3A_83 : i32 to index
      %swap3A_85 = tpu.vector_load %arg9[%swap3A_84] {strides = array<i32>} : memref<3256xi32, #tpu.memory_space<vmem>>, vector<16xi32>,
      %swap3A_86 = vector.shape_cast %swap3A_85 : vector<16xi32> to vector<16xi32>
      %swap3A_87 = vector.shape_cast %add3A_59 : vector<16xi32> to vector<16xi32>
      tpu.vector_store %arg9[%swap3A_84], %swap3A_87 {strides = array<i32>} : memref<3256xi32, #tpu.memory_space<vmem>>, vector<16xi32>,
      %add3A_88 = arith.constant 32 : i32
      %add3A_89 = arith.addi %multiple_of3A_51, %add3A_88 : i32
      %swap3A_90 = arith.index_cast %add3A_89 : i32 to index
      %swap3A_91 = tpu.vector_load %arg8[%swap3A_90] {strides = array<i32>} : memref<3256xi32, #tpu.memory_space<vmem>>, vector<16xi32>,
      %swap3A_92 = vector.shape_cast %swap3A_91 : vector<16xi32> to vector<16xi32>
      %swap3A_93 = vector.shape_cast %add3A_55 : vector<16xi32> to vector<16xi32>
      tpu.vector_store %arg8[%swap3A_90], %swap3A_93 {strides = array<i32>} : memref<3256xi32, #tpu.memory_space<vmem>>, vector<16xi32>,
      %add3A_94 = arith.constant 32 : i32
      %add3A_95 = arith.addi %multiple_of3A_51, %add3A_94 : i32
      %swap3A_96 = arith.index_cast %add3A_95 : i32 to index
      %swap3A_97 = tpu.vector_load %arg9[%swap3A_96] {strides = array<i32>} : memref<3256xi32, #tpu.memory_space<vmem>>, vector<16xi32>,
      %swap3A_98 = vector.shape_cast %swap3A_97 : vector<16xi32> to vector<16xi32>
      %swap3A_99 = vector.shape_cast %add3A_59 : vector<16xi32> to vector<16xi32>
      tpu.vector_store %arg9[%swap3A_96], %swap3A_99 {strides = array<i32>} : memref<3256xi32, #tpu.memory_space<vmem>>, vector<16xi32>,
      %add3A_100 = arith.constant 48 : i32
      %add3A_101 = arith.addi %multiple_of3A_51, %add3A_100 : i32
      %swap3A_102 = arith.index_cast %add3A_101 : i32 to index
      %swap3A_103 = tpu.vector_load %arg8[%swap3A_102] {strides = array<i32>} : memref<3256xi32, #tpu.memory_space<vmem>>, vector<16xi32>,
      %swap3A_104 = vector.shape_cast %swap3A_103 : vector<16xi32> to vector<16xi32>
      %swap3A_105 = vector.shape_cast %add3A_55 : vector<16xi32> to vector<16xi32>
      tpu.vector_store %arg8[%swap3A_102], %swap3A_105 {strides = array<i32>} : memref<3256xi32, #tpu.memory_space<vmem>>, vector<16xi32>,
      %add3A_106 = arith.constant 48 : i32
      %add3A_107 = arith.addi %multiple_of3A_51, %add3A_106 : i32
      %swap3A_108 = arith.index_cast %add3A_107 : i32 to index
      %swap3A_109 = tpu.vector_load %arg9[%swap3A_108] {strides = array<i32>} : memref<3256xi32, #tpu.memory_space<vmem>>, vector<16xi32>,
      %swap3A_110 = vector.shape_cast %swap3A_109 : vector<16xi32> to vector<16xi32>
      %swap3A_111 = vector.shape_cast %add3A_59 : vector<16xi32> to vector<16xi32>
      tpu.vector_store %arg9[%swap3A_108], %swap3A_111 {strides = array<i32>} : memref<3256xi32, #tpu.memory_space<vmem>>, vector<16xi32>,
      %add3A_112 = arith.constant 64 : i32
      %add3A_113 = arith.addi %multiple_of3A_51, %add3A_112 : i32
      %swap3A_114 = arith.index_cast %add3A_113 : i32 to index
      %swap3A_115 = tpu.vector_load %arg8[%swap3A_114] {strides = array<i32>} : memref<3256xi32, #tpu.memory_space<vmem>>, vector<16xi32>,
      %swap3A_116 = vector.shape_cast %swap3A_115 : vector<16xi32> to vector<16xi32>
      %swap3A_117 = vector.shape_cast %add3A_55 : vector<16xi32> to vector<16xi32>
      tpu.vector_store %arg8[%swap3A_114], %swap3A_117 {strides = array<i32>} : memref<3256xi32, #tpu.memory_space<vmem>>, vector<16xi32>,
      %add3A_118 = arith.constant 64 : i32
      %add3A_119 = arith.addi %multiple_of3A_51, %add3A_118 : i32
      %swap3A_120 = arith.index_cast %add3A_119 : i32 to index
      %swap3A_121 = tpu.vector_load %arg9[%swap3A_120] {strides = array<i32>} : memref<3256xi32, #tpu.memory_space<vmem>>, vector<16xi32>,
      %swap3A_122 = vector.shape_cast %swap3A_121 : vector<16xi32> to vector<16xi32>
      %swap3A_123 = vector.shape_cast %add3A_59 : vector<16xi32> to vector<16xi32>
      tpu.vector_store %arg9[%swap3A_120], %swap3A_123 {strides = array<i32>} : memref<3256xi32, #tpu.memory_space<vmem>>, vector<16xi32>,
    } else {
    }
    %broadcast_in_dim3A = arith.constant 0 : i32
    %broadcast_in_dim3A_34 = vector.broadcast %broadcast_in_dim3A : i32 to vector<16xi32>
    %add3A_35 = vector.broadcast %scan3A_30#0 : i32 to vector<16xi32>
    %add3A_36 = arith.addi %broadcast_in_dim3A_34, %add3A_35 : vector<16xi32>
    %swap3A = arith.constant 3240 : index
    %swap3A_37 = tpu.vector_load %arg8[%swap3A] {strides = array<i32>} : memref<3256xi32, #tpu.memory_space<vmem>>, vector<16xi32>,
    %swap3A_38 = vector.shape_cast %swap3A_37 : vector<16xi32> to vector<16xi32>
    %swap3A_39 = vector.shape_cast %add3A_36 : vector<16xi32> to vector<16xi32>
    tpu.vector_store %arg8[%swap3A], %swap3A_39 {strides = array<i32>} : memref<3256xi32, #tpu.memory_space<vmem>>, vector<16xi32>,
    %mul3A_40 = arith.constant 3256 : i32
    %mul3A_41 = arith.muli %add3A, %mul3A_40 : i32
    %multiple_of3A = tpu.assume_multiple %mul3A_41, 8 : i32
    %dma_start3A = tpu.memref_slice %arg3[%multiple_of3A] : memref<104192xi32, #tpu.memory_space<hbm>> -> memref<3256xi32, #tpu.memory_space<hbm>>
    %dma_start3A_42 = tpu.memref_slice %arg3[%multiple_of3A] : memref<104192xi32, #tpu.memory_space<hbm>> -> memref<3256xi32, #tpu.memory_space<hbm>>
    tpu.enqueue_dma source(%arg8 : memref<3256xi32, #tpu.memory_space<vmem>>) target(%dma_start3A_42 : memref<3256xi32, #tpu.memory_space<hbm>>) target_semaphore(%arg11 : memref<!tpu.dma_semaphore, #tpu.memory_space<semaphore_mem>>)
    %dma_wait3A = tpu.memref_slice %arg3[%multiple_of3A] : memref<104192xi32, #tpu.memory_space<hbm>> -> memref<3256xi32, #tpu.memory_space<hbm>>
    %dma_wait3A_43 = tpu.memref_slice %arg3[%multiple_of3A] : memref<104192xi32, #tpu.memory_space<hbm>> -> memref<3256xi32, #tpu.memory_space<hbm>>
    tpu.wait_dma2 semaphore(%arg11 : memref<!tpu.dma_semaphore, #tpu.memory_space<semaphore_mem>>) src(%arg8 : memref<3256xi32, #tpu.memory_space<vmem>>) dst(%dma_wait3A_43 : memref<3256xi32, #tpu.memory_space<hbm>>)
    %dma_start3A_44 = tpu.memref_slice %arg4[%multiple_of3A] : memref<104192xi32, #tpu.memory_space<hbm>> -> memref<3256xi32, #tpu.memory_space<hbm>>
    %dma_start3A_45 = tpu.memref_slice %arg4[%multiple_of3A] : memref<104192xi32, #tpu.memory_space<hbm>> -> memref<3256xi32, #tpu.memory_space<hbm>>
    tpu.enqueue_dma source(%arg9 : memref<3256xi32, #tpu.memory_space<vmem>>) target(%dma_start3A_45 : memref<3256xi32, #tpu.memory_space<hbm>>) target_semaphore(%arg11 : memref<!tpu.dma_semaphore, #tpu.memory_space<semaphore_mem>>)
    %dma_wait3A_46 = tpu.memref_slice %arg4[%multiple_of3A] : memref<104192xi32, #tpu.memory_space<hbm>> -> memref<3256xi32, #tpu.memory_space<hbm>>
    %dma_wait3A_47 = tpu.memref_slice %arg4[%multiple_of3A] : memref<104192xi32, #tpu.memory_space<hbm>> -> memref<3256xi32, #tpu.memory_space<hbm>>
    tpu.wait_dma2 semaphore(%arg11 : memref<!tpu.dma_semaphore, #tpu.memory_space<semaphore_mem>>) src(%arg9 : memref<3256xi32, #tpu.memory_space<vmem>>) dst(%dma_wait3A_47 : memref<3256xi32, #tpu.memory_space<hbm>>)
    return
  }
}

#map = affine_map<(d0, d1) -> (0, 0)>
#map1 = affine_map<(d0, d1) -> (0)>
module attributes {stable_mosaic.version = 14 : i64} {
  func.func @new_body(%arg0: i32, %arg1: i32, %arg2: memref<100000x256xf32, #tpu.memory_space<hbm>>, %arg3: memref<16384x256xf32, #tpu.memory_space<hbm>>, %arg4: memref<104192xi32, #tpu.memory_space<hbm>>, %arg5: memref<104192xi32, #tpu.memory_space<hbm>>, %arg6: memref<100000x256xf32, #tpu.memory_space<hbm>>, %arg7: memref<64x256xf32, #tpu.memory_space<vmem>>, %arg8: memref<64x256xf32, #tpu.memory_space<vmem>>, %arg9: memref<3256xi32, #tpu.memory_space<vmem>>, %arg10: memref<3256xi32, #tpu.memory_space<vmem>>, %arg11: memref<64xi32, #tpu.memory_space<vmem>>, %arg12: memref<64xi32, #tpu.memory_space<vmem>>, %arg13: memref<64xi32, #tpu.memory_space<vmem>>, %arg14: memref<64xi32, #tpu.memory_space<vmem>>, %arg15: memref<!tpu.dma_semaphore, #tpu.memory_space<semaphore_mem>>, %arg16: memref<!tpu.dma_semaphore, #tpu.memory_space<semaphore_mem>>, %arg17: memref<!tpu.dma_semaphore, #tpu.memory_space<semaphore_mem>>, %arg18: memref<!tpu.dma_semaphore, #tpu.memory_space<semaphore_mem>>, %arg19: memref<!tpu.dma_semaphore, #tpu.memory_space<semaphore_mem>>) attributes {dimension_semantics = [#tpu.dimension_semantics<core_parallel>, #tpu.dimension_semantics<subcore_parallel>], iteration_bounds = array<i64: 2, 16>, scalar_prefetch = 0 : i64, scratch_operands = 13 : i64, tpu.core_type = #tpu.core_type<sc_vector_subcore>, window_params = [{transform_indices = #map}, {transform_indices = #map}, {transform_indices = #map1}, {transform_indices = #map1}, {transform_indices = #map}]} {
    %mul3A = arith.constant 2 : i32
    %mul3A_0 = arith.muli %arg1, %mul3A : i32
    %add3A = arith.addi %mul3A_0, %arg0 : i32
    %mul3A_1 = arith.constant 3256 : i32
    %mul3A_2 = arith.muli %add3A, %mul3A_1 : i32
    %multiple_of3A = tpu.assume_multiple %mul3A_2, 8 : i32
    %dma_start3A = tpu.memref_slice %arg4[%multiple_of3A] : memref<104192xi32, #tpu.memory_space<hbm>> -> memref<3256xi32, #tpu.memory_space<hbm>>
    %dma_start3A_3 = tpu.memref_slice %arg4[%multiple_of3A] : memref<104192xi32, #tpu.memory_space<hbm>> -> memref<3256xi32, #tpu.memory_space<hbm>>
    tpu.enqueue_dma source(%dma_start3A_3 : memref<3256xi32, #tpu.memory_space<hbm>>) target(%arg9 : memref<3256xi32, #tpu.memory_space<vmem>>) target_semaphore(%arg19 : memref<!tpu.dma_semaphore, #tpu.memory_space<semaphore_mem>>)
    %dma_wait3A = tpu.memref_slice %arg4[%multiple_of3A] : memref<104192xi32, #tpu.memory_space<hbm>> -> memref<3256xi32, #tpu.memory_space<hbm>>
    %dma_wait3A_4 = tpu.memref_slice %arg4[%multiple_of3A] : memref<104192xi32, #tpu.memory_space<hbm>> -> memref<3256xi32, #tpu.memory_space<hbm>>
    tpu.wait_dma2 semaphore(%arg19 : memref<!tpu.dma_semaphore, #tpu.memory_space<semaphore_mem>>) src(%dma_wait3A_4 : memref<3256xi32, #tpu.memory_space<hbm>>) dst(%arg9 : memref<3256xi32, #tpu.memory_space<vmem>>)
    %dma_start3A_5 = tpu.memref_slice %arg5[%multiple_of3A] : memref<104192xi32, #tpu.memory_space<hbm>> -> memref<3256xi32, #tpu.memory_space<hbm>>
    %dma_start3A_6 = tpu.memref_slice %arg5[%multiple_of3A] : memref<104192xi32, #tpu.memory_space<hbm>> -> memref<3256xi32, #tpu.memory_space<hbm>>
    tpu.enqueue_dma source(%dma_start3A_6 : memref<3256xi32, #tpu.memory_space<hbm>>) target(%arg10 : memref<3256xi32, #tpu.memory_space<vmem>>) target_semaphore(%arg19 : memref<!tpu.dma_semaphore, #tpu.memory_space<semaphore_mem>>)
    %dma_wait3A_7 = tpu.memref_slice %arg5[%multiple_of3A] : memref<104192xi32, #tpu.memory_space<hbm>> -> memref<3256xi32, #tpu.memory_space<hbm>>
    %dma_wait3A_8 = tpu.memref_slice %arg5[%multiple_of3A] : memref<104192xi32, #tpu.memory_space<hbm>> -> memref<3256xi32, #tpu.memory_space<hbm>>
    tpu.wait_dma2 semaphore(%arg19 : memref<!tpu.dma_semaphore, #tpu.memory_space<semaphore_mem>>) src(%dma_wait3A_8 : memref<3256xi32, #tpu.memory_space<hbm>>) dst(%arg10 : memref<3256xi32, #tpu.memory_space<vmem>>)
    %get3A = arith.constant 3240 : index
    %get3A_9 = tpu.vector_load %arg9[%get3A] {strides = array<i32>} : memref<3256xi32, #tpu.memory_space<vmem>>, vector<16xi32>,
    %get3A_10 = vector.shape_cast %get3A_9 : vector<16xi32> to vector<16xi32>
    %slice3A = vector.extract_strided_slice %get3A_10 {offsets = [0], sizes = [1], strides = [1]} : vector<16xi32> to vector<1xi32>
    %squeeze3A = vector.extract %slice3A[0] : i32 from vector<1xi32>
    %add3A_11 = arith.constant 64 : i32
    %add3A_12 = arith.addi %squeeze3A, %add3A_11 : i32
    %sub3A = arith.constant 1 : i32
    %sub3A_13 = arith.subi %add3A_12, %sub3A : i32
    %jit3A = arith.constant 64 : i32
    %div3A = arith.divsi %sub3A_13, %jit3A : i32
    %sign3A = arith.constant 0 : i32
    %sign3A_14 = arith.cmpi sgt, %sub3A_13, %sign3A : i32
    %sign3A_15 = arith.extui %sign3A_14 : i1 to i32
    %sign3A_16 = arith.constant 0 : i32
    %sign3A_17 = arith.cmpi slt, %sub3A_13, %sign3A_16 : i32
    %sign3A_18 = arith.extui %sign3A_17 : i1 to i32
    %sign3A_19 = arith.subi %sign3A_15, %sign3A_18 : i32
    %sign3A_20 = arith.constant 0 : i32
    %sign3A_21 = arith.cmpi sgt, %jit3A, %sign3A_20 : i32
    %sign3A_22 = arith.extui %sign3A_21 : i1 to i32
    %sign3A_23 = arith.constant 0 : i32
    %sign3A_24 = arith.cmpi slt, %jit3A, %sign3A_23 : i32
    %sign3A_25 = arith.extui %sign3A_24 : i1 to i32
    %sign3A_26 = arith.subi %sign3A_22, %sign3A_25 : i32
    %ne3A = arith.cmpi ne, %sign3A_19, %sign3A_26 : i32
    %rem3A = arith.remsi %sub3A_13, %jit3A : i32
    %ne3A_27 = arith.constant 0 : i32
    %ne3A_28 = arith.cmpi ne, %rem3A, %ne3A_27 : i32
    %and3A = arith.andi %ne3A, %ne3A_28 : i1
    %sub3A_29 = arith.constant 1 : i32
    %sub3A_30 = arith.subi %div3A, %sub3A_29 : i32
    %select_n3A = arith.select %and3A, %sub3A_30, %div3A : i32
    %add3A_31 = arith.constant 1 : i32
    %add3A_32 = arith.addi %select_n3A, %add3A_31 : i32
    %jit3A_33 = arith.constant 2 : i32
    %div3A_34 = arith.divsi %add3A_32, %jit3A_33 : i32
    %sign3A_35 = arith.constant 0 : i32
    %sign3A_36 = arith.cmpi sgt, %add3A_32, %sign3A_35 : i32
    %sign3A_37 = arith.extui %sign3A_36 : i1 to i32
    %sign3A_38 = arith.constant 0 : i32
    %sign3A_39 = arith.cmpi slt, %add3A_32, %sign3A_38 : i32
    %sign3A_40 = arith.extui %sign3A_39 : i1 to i32
    %sign3A_41 = arith.subi %sign3A_37, %sign3A_40 : i32
    %sign3A_42 = arith.constant 0 : i32
    %sign3A_43 = arith.cmpi sgt, %jit3A_33, %sign3A_42 : i32
    %sign3A_44 = arith.extui %sign3A_43 : i1 to i32
    %sign3A_45 = arith.constant 0 : i32
    %sign3A_46 = arith.cmpi slt, %jit3A_33, %sign3A_45 : i32
    %sign3A_47 = arith.extui %sign3A_46 : i1 to i32
    %sign3A_48 = arith.subi %sign3A_44, %sign3A_47 : i32
    %ne3A_49 = arith.cmpi ne, %sign3A_41, %sign3A_48 : i32
    %rem3A_50 = arith.remsi %add3A_32, %jit3A_33 : i32
    %ne3A_51 = arith.constant 0 : i32
    %ne3A_52 = arith.cmpi ne, %rem3A_50, %ne3A_51 : i32
    %and3A_53 = arith.andi %ne3A_49, %ne3A_52 : i1
    %sub3A_54 = arith.constant 1 : i32
    %sub3A_55 = arith.subi %div3A_34, %sub3A_54 : i32
    %select_n3A_56 = arith.select %and3A_53, %sub3A_55, %div3A_34 : i32
    %while3A = arith.constant 0 : i32
    %while3A_57 = arith.constant 0 : i32
    %while3A_58 = arith.subi %select_n3A_56, %while3A_57 : i32
    %while3A_59 = arith.addi %while3A_57, %while3A_58 : i32
    %while3A_60 = arith.constant 1 : i32
    %while3A_61 = arith.divsi %while3A_58, %while3A_60 : i32
    %while3A_62 = arith.muli %while3A_61, %while3A_60 : i32
    %while3A_63 = arith.addi %while3A_57, %while3A_62 : i32
    %while3A_64 = arith.constant 1 : i32
    scf.for %while3A_73 = %while3A_57 to %while3A_63 step %while3A_64  : i32 {
      %mul3A_74 = arith.constant 2 : i32
      %mul3A_75 = arith.muli %while3A_73, %mul3A_74 : i32
      %add3A_76 = arith.constant 0 : i32
      %add3A_77 = arith.addi %mul3A_75, %add3A_76 : i32
      %lt3A = arith.cmpi slt, %add3A_77, %select_n3A : i32
      %convert_element_type3A_78 = arith.extui %lt3A : i1 to i32
      %cond3A_79 = arith.constant 0 : i32
      %cond3A_80 = arith.cmpi ne, %convert_element_type3A_78, %cond3A_79 : i32
      scf.if %cond3A_80 {
        %ge3A = arith.constant 2 : i32
        %ge3A_89 = arith.cmpi sge, %add3A_77, %ge3A : i32
        %convert_element_type3A_90 = arith.extui %ge3A_89 : i1 to i32
        %cond3A_91 = arith.constant 0 : i32
        %cond3A_92 = arith.cmpi ne, %convert_element_type3A_90, %cond3A_91 : i32
        scf.if %cond3A_92 {
          %dma_wait3A_173 = arith.constant 0 : i32
          %dma_wait3A_174 = arith.constant 0 : i32
          %dma_wait3A_175 = tpu.memref_slice %arg2[%dma_wait3A_173, %dma_wait3A_174] : memref<100000x256xf32, #tpu.memory_space<hbm>> -> memref<100000x256xf32, #tpu.memory_space<hbm>>
          tpu.wait_indirect_dma semaphore(%arg17 : memref<!tpu.dma_semaphore, #tpu.memory_space<semaphore_mem>>) src(%arg7 : memref<64x256xf32, #tpu.memory_space<vmem>>) dst(%dma_wait3A_175 : memref<100000x256xf32, #tpu.memory_space<hbm>>)
        } else {
        }
        %mul3A_93 = arith.constant 64 : i32
        %mul3A_94 = arith.muli %add3A_77, %mul3A_93 : i32
        %add3A_95 = arith.constant 0 : i32
        %add3A_96 = arith.addi %mul3A_94, %add3A_95 : i32
        %get3A_97 = arith.index_cast %add3A_96 : i32 to index
        %get3A_98 = tpu.vector_load %arg9[%get3A_97] {strides = array<i32>} : memref<3256xi32, #tpu.memory_space<vmem>>, vector<16xi32>,
        %get3A_99 = vector.shape_cast %get3A_98 : vector<16xi32> to vector<16xi32>
        %swap3A = arith.constant 0 : index
        %swap3A_100 = tpu.vector_load %arg11[%swap3A] {strides = array<i32>} : memref<64xi32, #tpu.memory_space<vmem>>, vector<16xi32>,
        %swap3A_101 = vector.shape_cast %swap3A_100 : vector<16xi32> to vector<16xi32>
        %swap3A_102 = vector.shape_cast %get3A_99 : vector<16xi32> to vector<16xi32>
        tpu.vector_store %arg11[%swap3A], %swap3A_102 {strides = array<i32>} : memref<64xi32, #tpu.memory_space<vmem>>, vector<16xi32>,
        %get3A_103 = arith.index_cast %add3A_96 : i32 to index
        %get3A_104 = tpu.vector_load %arg10[%get3A_103] {strides = array<i32>} : memref<3256xi32, #tpu.memory_space<vmem>>, vector<16xi32>,
        %get3A_105 = vector.shape_cast %get3A_104 : vector<16xi32> to vector<16xi32>
        %swap3A_106 = arith.constant 0 : index
        %swap3A_107 = tpu.vector_load %arg13[%swap3A_106] {strides = array<i32>} : memref<64xi32, #tpu.memory_space<vmem>>, vector<16xi32>,
        %swap3A_108 = vector.shape_cast %swap3A_107 : vector<16xi32> to vector<16xi32>
        %swap3A_109 = vector.shape_cast %get3A_105 : vector<16xi32> to vector<16xi32>
        tpu.vector_store %arg13[%swap3A_106], %swap3A_109 {strides = array<i32>} : memref<64xi32, #tpu.memory_space<vmem>>, vector<16xi32>,
        %mul3A_110 = arith.constant 64 : i32
        %mul3A_111 = arith.muli %add3A_77, %mul3A_110 : i32
        %add3A_112 = arith.constant 16 : i32
        %add3A_113 = arith.addi %mul3A_111, %add3A_112 : i32
        %get3A_114 = arith.index_cast %add3A_113 : i32 to index
        %get3A_115 = tpu.vector_load %arg9[%get3A_114] {strides = array<i32>} : memref<3256xi32, #tpu.memory_space<vmem>>, vector<16xi32>,
        %get3A_116 = vector.shape_cast %get3A_115 : vector<16xi32> to vector<16xi32>
        %swap3A_117 = arith.constant 16 : index
        %swap3A_118 = tpu.vector_load %arg11[%swap3A_117] {strides = array<i32>} : memref<64xi32, #tpu.memory_space<vmem>>, vector<16xi32>,
        %swap3A_119 = vector.shape_cast %swap3A_118 : vector<16xi32> to vector<16xi32>
        %swap3A_120 = vector.shape_cast %get3A_116 : vector<16xi32> to vector<16xi32>
        tpu.vector_store %arg11[%swap3A_117], %swap3A_120 {strides = array<i32>} : memref<64xi32, #tpu.memory_space<vmem>>, vector<16xi32>,
        %get3A_121 = arith.index_cast %add3A_113 : i32 to index
        %get3A_122 = tpu.vector_load %arg10[%get3A_121] {strides = array<i32>} : memref<3256xi32, #tpu.memory_space<vmem>>, vector<16xi32>,
        %get3A_123 = vector.shape_cast %get3A_122 : vector<16xi32> to vector<16xi32>
        %swap3A_124 = arith.constant 16 : index
        %swap3A_125 = tpu.vector_load %arg13[%swap3A_124] {strides = array<i32>} : memref<64xi32, #tpu.memory_space<vmem>>, vector<16xi32>,
        %swap3A_126 = vector.shape_cast %swap3A_125 : vector<16xi32> to vector<16xi32>
        %swap3A_127 = vector.shape_cast %get3A_123 : vector<16xi32> to vector<16xi32>
        tpu.vector_store %arg13[%swap3A_124], %swap3A_127 {strides = array<i32>} : memref<64xi32, #tpu.memory_space<vmem>>, vector<16xi32>,
        %mul3A_128 = arith.constant 64 : i32
        %mul3A_129 = arith.muli %add3A_77, %mul3A_128 : i32
        %add3A_130 = arith.constant 32 : i32
        %add3A_131 = arith.addi %mul3A_129, %add3A_130 : i32
        %get3A_132 = arith.index_cast %add3A_131 : i32 to index
        %get3A_133 = tpu.vector_load %arg9[%get3A_132] {strides = array<i32>} : memref<3256xi32, #tpu.memory_space<vmem>>, vector<16xi32>,
        %get3A_134 = vector.shape_cast %get3A_133 : vector<16xi32> to vector<16xi32>
        %swap3A_135 = arith.constant 32 : index
        %swap3A_136 = tpu.vector_load %arg11[%swap3A_135] {strides = array<i32>} : memref<64xi32, #tpu.memory_space<vmem>>, vector<16xi32>,
        %swap3A_137 = vector.shape_cast %swap3A_136 : vector<16xi32> to vector<16xi32>
        %swap3A_138 = vector.shape_cast %get3A_134 : vector<16xi32> to vector<16xi32>
        tpu.vector_store %arg11[%swap3A_135], %swap3A_138 {strides = array<i32>} : memref<64xi32, #tpu.memory_space<vmem>>, vector<16xi32>,
        %get3A_139 = arith.index_cast %add3A_131 : i32 to index
        %get3A_140 = tpu.vector_load %arg10[%get3A_139] {strides = array<i32>} : memref<3256xi32, #tpu.memory_space<vmem>>, vector<16xi32>,
        %get3A_141 = vector.shape_cast %get3A_140 : vector<16xi32> to vector<16xi32>
        %swap3A_142 = arith.constant 32 : index
        %swap3A_143 = tpu.vector_load %arg13[%swap3A_142] {strides = array<i32>} : memref<64xi32, #tpu.memory_space<vmem>>, vector<16xi32>,
        %swap3A_144 = vector.shape_cast %swap3A_143 : vector<16xi32> to vector<16xi32>
        %swap3A_145 = vector.shape_cast %get3A_141 : vector<16xi32> to vector<16xi32>
        tpu.vector_store %arg13[%swap3A_142], %swap3A_145 {strides = array<i32>} : memref<64xi32, #tpu.memory_space<vmem>>, vector<16xi32>,
        %mul3A_146 = arith.constant 64 : i32
        %mul3A_147 = arith.muli %add3A_77, %mul3A_146 : i32
        %add3A_148 = arith.constant 48 : i32
        %add3A_149 = arith.addi %mul3A_147, %add3A_148 : i32
        %get3A_150 = arith.index_cast %add3A_149 : i32 to index
        %get3A_151 = tpu.vector_load %arg9[%get3A_150] {strides = array<i32>} : memref<3256xi32, #tpu.memory_space<vmem>>, vector<16xi32>,
        %get3A_152 = vector.shape_cast %get3A_151 : vector<16xi32> to vector<16xi32>
        %swap3A_153 = arith.constant 48 : index
        %swap3A_154 = tpu.vector_load %arg11[%swap3A_153] {strides = array<i32>} : memref<64xi32, #tpu.memory_space<vmem>>, vector<16xi32>,
        %swap3A_155 = vector.shape_cast %swap3A_154 : vector<16xi32> to vector<16xi32>
        %swap3A_156 = vector.shape_cast %get3A_152 : vector<16xi32> to vector<16xi32>
        tpu.vector_store %arg11[%swap3A_153], %swap3A_156 {strides = array<i32>} : memref<64xi32, #tpu.memory_space<vmem>>, vector<16xi32>,
        %get3A_157 = arith.index_cast %add3A_149 : i32 to index
        %get3A_158 = tpu.vector_load %arg10[%get3A_157] {strides = array<i32>} : memref<3256xi32, #tpu.memory_space<vmem>>, vector<16xi32>,
        %get3A_159 = vector.shape_cast %get3A_158 : vector<16xi32> to vector<16xi32>
        %swap3A_160 = arith.constant 48 : index
        %swap3A_161 = tpu.vector_load %arg13[%swap3A_160] {strides = array<i32>} : memref<64xi32, #tpu.memory_space<vmem>>, vector<16xi32>,
        %swap3A_162 = vector.shape_cast %swap3A_161 : vector<16xi32> to vector<16xi32>
        %swap3A_163 = vector.shape_cast %get3A_159 : vector<16xi32> to vector<16xi32>
        tpu.vector_store %arg13[%swap3A_160], %swap3A_163 {strides = array<i32>} : memref<64xi32, #tpu.memory_space<vmem>>, vector<16xi32>,
        %dma_start3A_164 = arith.constant 0 : i32
        %dma_start3A_165 = arith.constant 0 : i32
        %dma_start3A_166 = tpu.memref_slice %arg3[%dma_start3A_164, %dma_start3A_165] : memref<16384x256xf32, #tpu.memory_space<hbm>> -> memref<16384x256xf32, #tpu.memory_space<hbm>>
        tpu.enqueue_indirect_dma source(%dma_start3A_166 : memref<16384x256xf32, #tpu.memory_space<hbm>>) target(%arg7 : memref<64x256xf32, #tpu.memory_space<vmem>>) offsets(%arg11 : memref<64xi32, #tpu.memory_space<vmem>>) semaphore(%arg15 : memref<!tpu.dma_semaphore, #tpu.memory_space<semaphore_mem>>)
        %dma_wait3A_167 = arith.constant 0 : i32
        %dma_wait3A_168 = arith.constant 0 : i32
        %dma_wait3A_169 = tpu.memref_slice %arg3[%dma_wait3A_167, %dma_wait3A_168] : memref<16384x256xf32, #tpu.memory_space<hbm>> -> memref<16384x256xf32, #tpu.memory_space<hbm>>
        tpu.wait_indirect_dma semaphore(%arg15 : memref<!tpu.dma_semaphore, #tpu.memory_space<semaphore_mem>>) src(%dma_wait3A_169 : memref<16384x256xf32, #tpu.memory_space<hbm>>) dst(%arg7 : memref<64x256xf32, #tpu.memory_space<vmem>>)
        %dma_start3A_170 = arith.constant 0 : i32
        %dma_start3A_171 = arith.constant 0 : i32
        %dma_start3A_172 = tpu.memref_slice %arg2[%dma_start3A_170, %dma_start3A_171] : memref<100000x256xf32, #tpu.memory_space<hbm>> -> memref<100000x256xf32, #tpu.memory_space<hbm>>
        tpu.enqueue_indirect_dma source(%arg7 : memref<64x256xf32, #tpu.memory_space<vmem>>) target(%dma_start3A_172 : memref<100000x256xf32, #tpu.memory_space<hbm>>) offsets(%arg13 : memref<64xi32, #tpu.memory_space<vmem>>) semaphore(%arg17 : memref<!tpu.dma_semaphore, #tpu.memory_space<semaphore_mem>>)
      } else {
      }
      %mul3A_81 = arith.constant 2 : i32
      %mul3A_82 = arith.muli %while3A_73, %mul3A_81 : i32
      %add3A_83 = arith.constant 1 : i32
      %add3A_84 = arith.addi %mul3A_82, %add3A_83 : i32
      %lt3A_85 = arith.cmpi slt, %add3A_84, %select_n3A : i32
      %convert_element_type3A_86 = arith.extui %lt3A_85 : i1 to i32
      %cond3A_87 = arith.constant 0 : i32
      %cond3A_88 = arith.cmpi ne, %convert_element_type3A_86, %cond3A_87 : i32
      scf.if %cond3A_88 {
        %ge3A = arith.constant 2 : i32
        %ge3A_89 = arith.cmpi sge, %add3A_84, %ge3A : i32
        %convert_element_type3A_90 = arith.extui %ge3A_89 : i1 to i32
        %cond3A_91 = arith.constant 0 : i32
        %cond3A_92 = arith.cmpi ne, %convert_element_type3A_90, %cond3A_91 : i32
        scf.if %cond3A_92 {
          %dma_wait3A_173 = arith.constant 0 : i32
          %dma_wait3A_174 = arith.constant 0 : i32
          %dma_wait3A_175 = tpu.memref_slice %arg2[%dma_wait3A_173, %dma_wait3A_174] : memref<100000x256xf32, #tpu.memory_space<hbm>> -> memref<100000x256xf32, #tpu.memory_space<hbm>>
          tpu.wait_indirect_dma semaphore(%arg18 : memref<!tpu.dma_semaphore, #tpu.memory_space<semaphore_mem>>) src(%arg8 : memref<64x256xf32, #tpu.memory_space<vmem>>) dst(%dma_wait3A_175 : memref<100000x256xf32, #tpu.memory_space<hbm>>)
        } else {
        }
        %mul3A_93 = arith.constant 64 : i32
        %mul3A_94 = arith.muli %add3A_84, %mul3A_93 : i32
        %add3A_95 = arith.constant 0 : i32
        %add3A_96 = arith.addi %mul3A_94, %add3A_95 : i32
        %get3A_97 = arith.index_cast %add3A_96 : i32 to index
        %get3A_98 = tpu.vector_load %arg9[%get3A_97] {strides = array<i32>} : memref<3256xi32, #tpu.memory_space<vmem>>, vector<16xi32>,
        %get3A_99 = vector.shape_cast %get3A_98 : vector<16xi32> to vector<16xi32>
        %swap3A = arith.constant 0 : index
        %swap3A_100 = tpu.vector_load %arg12[%swap3A] {strides = array<i32>} : memref<64xi32, #tpu.memory_space<vmem>>, vector<16xi32>,
        %swap3A_101 = vector.shape_cast %swap3A_100 : vector<16xi32> to vector<16xi32>
        %swap3A_102 = vector.shape_cast %get3A_99 : vector<16xi32> to vector<16xi32>
        tpu.vector_store %arg12[%swap3A], %swap3A_102 {strides = array<i32>} : memref<64xi32, #tpu.memory_space<vmem>>, vector<16xi32>,
        %get3A_103 = arith.index_cast %add3A_96 : i32 to index
        %get3A_104 = tpu.vector_load %arg10[%get3A_103] {strides = array<i32>} : memref<3256xi32, #tpu.memory_space<vmem>>, vector<16xi32>,
        %get3A_105 = vector.shape_cast %get3A_104 : vector<16xi32> to vector<16xi32>
        %swap3A_106 = arith.constant 0 : index
        %swap3A_107 = tpu.vector_load %arg14[%swap3A_106] {strides = array<i32>} : memref<64xi32, #tpu.memory_space<vmem>>, vector<16xi32>,
        %swap3A_108 = vector.shape_cast %swap3A_107 : vector<16xi32> to vector<16xi32>
        %swap3A_109 = vector.shape_cast %get3A_105 : vector<16xi32> to vector<16xi32>
        tpu.vector_store %arg14[%swap3A_106], %swap3A_109 {strides = array<i32>} : memref<64xi32, #tpu.memory_space<vmem>>, vector<16xi32>,
        %mul3A_110 = arith.constant 64 : i32
        %mul3A_111 = arith.muli %add3A_84, %mul3A_110 : i32
        %add3A_112 = arith.constant 16 : i32
        %add3A_113 = arith.addi %mul3A_111, %add3A_112 : i32
        %get3A_114 = arith.index_cast %add3A_113 : i32 to index
        %get3A_115 = tpu.vector_load %arg9[%get3A_114] {strides = array<i32>} : memref<3256xi32, #tpu.memory_space<vmem>>, vector<16xi32>,
        %get3A_116 = vector.shape_cast %get3A_115 : vector<16xi32> to vector<16xi32>
        %swap3A_117 = arith.constant 16 : index
        %swap3A_118 = tpu.vector_load %arg12[%swap3A_117] {strides = array<i32>} : memref<64xi32, #tpu.memory_space<vmem>>, vector<16xi32>,
        %swap3A_119 = vector.shape_cast %swap3A_118 : vector<16xi32> to vector<16xi32>
        %swap3A_120 = vector.shape_cast %get3A_116 : vector<16xi32> to vector<16xi32>
        tpu.vector_store %arg12[%swap3A_117], %swap3A_120 {strides = array<i32>} : memref<64xi32, #tpu.memory_space<vmem>>, vector<16xi32>,
        %get3A_121 = arith.index_cast %add3A_113 : i32 to index
        %get3A_122 = tpu.vector_load %arg10[%get3A_121] {strides = array<i32>} : memref<3256xi32, #tpu.memory_space<vmem>>, vector<16xi32>,
        %get3A_123 = vector.shape_cast %get3A_122 : vector<16xi32> to vector<16xi32>
        %swap3A_124 = arith.constant 16 : index
        %swap3A_125 = tpu.vector_load %arg14[%swap3A_124] {strides = array<i32>} : memref<64xi32, #tpu.memory_space<vmem>>, vector<16xi32>,
        %swap3A_126 = vector.shape_cast %swap3A_125 : vector<16xi32> to vector<16xi32>
        %swap3A_127 = vector.shape_cast %get3A_123 : vector<16xi32> to vector<16xi32>
        tpu.vector_store %arg14[%swap3A_124], %swap3A_127 {strides = array<i32>} : memref<64xi32, #tpu.memory_space<vmem>>, vector<16xi32>,
        %mul3A_128 = arith.constant 64 : i32
        %mul3A_129 = arith.muli %add3A_84, %mul3A_128 : i32
        %add3A_130 = arith.constant 32 : i32
        %add3A_131 = arith.addi %mul3A_129, %add3A_130 : i32
        %get3A_132 = arith.index_cast %add3A_131 : i32 to index
        %get3A_133 = tpu.vector_load %arg9[%get3A_132] {strides = array<i32>} : memref<3256xi32, #tpu.memory_space<vmem>>, vector<16xi32>,
        %get3A_134 = vector.shape_cast %get3A_133 : vector<16xi32> to vector<16xi32>
        %swap3A_135 = arith.constant 32 : index
        %swap3A_136 = tpu.vector_load %arg12[%swap3A_135] {strides = array<i32>} : memref<64xi32, #tpu.memory_space<vmem>>, vector<16xi32>,
        %swap3A_137 = vector.shape_cast %swap3A_136 : vector<16xi32> to vector<16xi32>
        %swap3A_138 = vector.shape_cast %get3A_134 : vector<16xi32> to vector<16xi32>
        tpu.vector_store %arg12[%swap3A_135], %swap3A_138 {strides = array<i32>} : memref<64xi32, #tpu.memory_space<vmem>>, vector<16xi32>,
        %get3A_139 = arith.index_cast %add3A_131 : i32 to index
        %get3A_140 = tpu.vector_load %arg10[%get3A_139] {strides = array<i32>} : memref<3256xi32, #tpu.memory_space<vmem>>, vector<16xi32>,
        %get3A_141 = vector.shape_cast %get3A_140 : vector<16xi32> to vector<16xi32>
        %swap3A_142 = arith.constant 32 : index
        %swap3A_143 = tpu.vector_load %arg14[%swap3A_142] {strides = array<i32>} : memref<64xi32, #tpu.memory_space<vmem>>, vector<16xi32>,
        %swap3A_144 = vector.shape_cast %swap3A_143 : vector<16xi32> to vector<16xi32>
        %swap3A_145 = vector.shape_cast %get3A_141 : vector<16xi32> to vector<16xi32>
        tpu.vector_store %arg14[%swap3A_142], %swap3A_145 {strides = array<i32>} : memref<64xi32, #tpu.memory_space<vmem>>, vector<16xi32>,
        %mul3A_146 = arith.constant 64 : i32
        %mul3A_147 = arith.muli %add3A_84, %mul3A_146 : i32
        %add3A_148 = arith.constant 48 : i32
        %add3A_149 = arith.addi %mul3A_147, %add3A_148 : i32
        %get3A_150 = arith.index_cast %add3A_149 : i32 to index
        %get3A_151 = tpu.vector_load %arg9[%get3A_150] {strides = array<i32>} : memref<3256xi32, #tpu.memory_space<vmem>>, vector<16xi32>,
        %get3A_152 = vector.shape_cast %get3A_151 : vector<16xi32> to vector<16xi32>
        %swap3A_153 = arith.constant 48 : index
        %swap3A_154 = tpu.vector_load %arg12[%swap3A_153] {strides = array<i32>} : memref<64xi32, #tpu.memory_space<vmem>>, vector<16xi32>,
        %swap3A_155 = vector.shape_cast %swap3A_154 : vector<16xi32> to vector<16xi32>
        %swap3A_156 = vector.shape_cast %get3A_152 : vector<16xi32> to vector<16xi32>
        tpu.vector_store %arg12[%swap3A_153], %swap3A_156 {strides = array<i32>} : memref<64xi32, #tpu.memory_space<vmem>>, vector<16xi32>,
        %get3A_157 = arith.index_cast %add3A_149 : i32 to index
        %get3A_158 = tpu.vector_load %arg10[%get3A_157] {strides = array<i32>} : memref<3256xi32, #tpu.memory_space<vmem>>, vector<16xi32>,
        %get3A_159 = vector.shape_cast %get3A_158 : vector<16xi32> to vector<16xi32>
        %swap3A_160 = arith.constant 48 : index
        %swap3A_161 = tpu.vector_load %arg14[%swap3A_160] {strides = array<i32>} : memref<64xi32, #tpu.memory_space<vmem>>, vector<16xi32>,
        %swap3A_162 = vector.shape_cast %swap3A_161 : vector<16xi32> to vector<16xi32>
        %swap3A_163 = vector.shape_cast %get3A_159 : vector<16xi32> to vector<16xi32>
        tpu.vector_store %arg14[%swap3A_160], %swap3A_163 {strides = array<i32>} : memref<64xi32, #tpu.memory_space<vmem>>, vector<16xi32>,
        %dma_start3A_164 = arith.constant 0 : i32
        %dma_start3A_165 = arith.constant 0 : i32
        %dma_start3A_166 = tpu.memref_slice %arg3[%dma_start3A_164, %dma_start3A_165] : memref<16384x256xf32, #tpu.memory_space<hbm>> -> memref<16384x256xf32, #tpu.memory_space<hbm>>
        tpu.enqueue_indirect_dma source(%dma_start3A_166 : memref<16384x256xf32, #tpu.memory_space<hbm>>) target(%arg8 : memref<64x256xf32, #tpu.memory_space<vmem>>) offsets(%arg12 : memref<64xi32, #tpu.memory_space<vmem>>) semaphore(%arg16 : memref<!tpu.dma_semaphore, #tpu.memory_space<semaphore_mem>>)
        %dma_wait3A_167 = arith.constant 0 : i32
        %dma_wait3A_168 = arith.constant 0 : i32
        %dma_wait3A_169 = tpu.memref_slice %arg3[%dma_wait3A_167, %dma_wait3A_168] : memref<16384x256xf32, #tpu.memory_space<hbm>> -> memref<16384x256xf32, #tpu.memory_space<hbm>>
        tpu.wait_indirect_dma semaphore(%arg16 : memref<!tpu.dma_semaphore, #tpu.memory_space<semaphore_mem>>) src(%dma_wait3A_169 : memref<16384x256xf32, #tpu.memory_space<hbm>>) dst(%arg8 : memref<64x256xf32, #tpu.memory_space<vmem>>)
        %dma_start3A_170 = arith.constant 0 : i32
        %dma_start3A_171 = arith.constant 0 : i32
        %dma_start3A_172 = tpu.memref_slice %arg2[%dma_start3A_170, %dma_start3A_171] : memref<100000x256xf32, #tpu.memory_space<hbm>> -> memref<100000x256xf32, #tpu.memory_space<hbm>>
        tpu.enqueue_indirect_dma source(%arg8 : memref<64x256xf32, #tpu.memory_space<vmem>>) target(%dma_start3A_172 : memref<100000x256xf32, #tpu.memory_space<hbm>>) offsets(%arg14 : memref<64xi32, #tpu.memory_space<vmem>>) semaphore(%arg18 : memref<!tpu.dma_semaphore, #tpu.memory_space<semaphore_mem>>)
      } else {
      }
    }
    %while3A_65 = arith.constant 1 : i32
    scf.for %while3A_73 = %while3A_63 to %while3A_59 step %while3A_65  : i32 {
      %mul3A_74 = arith.constant 2 : i32
      %mul3A_75 = arith.muli %while3A_73, %mul3A_74 : i32
      %add3A_76 = arith.constant 0 : i32
      %add3A_77 = arith.addi %mul3A_75, %add3A_76 : i32
      %lt3A = arith.cmpi slt, %add3A_77, %select_n3A : i32
      %convert_element_type3A_78 = arith.extui %lt3A : i1 to i32
      %cond3A_79 = arith.constant 0 : i32
      %cond3A_80 = arith.cmpi ne, %convert_element_type3A_78, %cond3A_79 : i32
      scf.if %cond3A_80 {
        %ge3A = arith.constant 2 : i32
        %ge3A_89 = arith.cmpi sge, %add3A_77, %ge3A : i32
        %convert_element_type3A_90 = arith.extui %ge3A_89 : i1 to i32
        %cond3A_91 = arith.constant 0 : i32
        %cond3A_92 = arith.cmpi ne, %convert_element_type3A_90, %cond3A_91 : i32
        scf.if %cond3A_92 {
          %dma_wait3A_173 = arith.constant 0 : i32
          %dma_wait3A_174 = arith.constant 0 : i32
          %dma_wait3A_175 = tpu.memref_slice %arg2[%dma_wait3A_173, %dma_wait3A_174] : memref<100000x256xf32, #tpu.memory_space<hbm>> -> memref<100000x256xf32, #tpu.memory_space<hbm>>
          tpu.wait_indirect_dma semaphore(%arg17 : memref<!tpu.dma_semaphore, #tpu.memory_space<semaphore_mem>>) src(%arg7 : memref<64x256xf32, #tpu.memory_space<vmem>>) dst(%dma_wait3A_175 : memref<100000x256xf32, #tpu.memory_space<hbm>>)
        } else {
        }
        %mul3A_93 = arith.constant 64 : i32
        %mul3A_94 = arith.muli %add3A_77, %mul3A_93 : i32
        %add3A_95 = arith.constant 0 : i32
        %add3A_96 = arith.addi %mul3A_94, %add3A_95 : i32
        %get3A_97 = arith.index_cast %add3A_96 : i32 to index
        %get3A_98 = tpu.vector_load %arg9[%get3A_97] {strides = array<i32>} : memref<3256xi32, #tpu.memory_space<vmem>>, vector<16xi32>,
        %get3A_99 = vector.shape_cast %get3A_98 : vector<16xi32> to vector<16xi32>
        %swap3A = arith.constant 0 : index
        %swap3A_100 = tpu.vector_load %arg11[%swap3A] {strides = array<i32>} : memref<64xi32, #tpu.memory_space<vmem>>, vector<16xi32>,
        %swap3A_101 = vector.shape_cast %swap3A_100 : vector<16xi32> to vector<16xi32>
        %swap3A_102 = vector.shape_cast %get3A_99 : vector<16xi32> to vector<16xi32>
        tpu.vector_store %arg11[%swap3A], %swap3A_102 {strides = array<i32>} : memref<64xi32, #tpu.memory_space<vmem>>, vector<16xi32>,
        %get3A_103 = arith.index_cast %add3A_96 : i32 to index
        %get3A_104 = tpu.vector_load %arg10[%get3A_103] {strides = array<i32>} : memref<3256xi32, #tpu.memory_space<vmem>>, vector<16xi32>,
        %get3A_105 = vector.shape_cast %get3A_104 : vector<16xi32> to vector<16xi32>
        %swap3A_106 = arith.constant 0 : index
        %swap3A_107 = tpu.vector_load %arg13[%swap3A_106] {strides = array<i32>} : memref<64xi32, #tpu.memory_space<vmem>>, vector<16xi32>,
        %swap3A_108 = vector.shape_cast %swap3A_107 : vector<16xi32> to vector<16xi32>
        %swap3A_109 = vector.shape_cast %get3A_105 : vector<16xi32> to vector<16xi32>
        tpu.vector_store %arg13[%swap3A_106], %swap3A_109 {strides = array<i32>} : memref<64xi32, #tpu.memory_space<vmem>>, vector<16xi32>,
        %mul3A_110 = arith.constant 64 : i32
        %mul3A_111 = arith.muli %add3A_77, %mul3A_110 : i32
        %add3A_112 = arith.constant 16 : i32
        %add3A_113 = arith.addi %mul3A_111, %add3A_112 : i32
        %get3A_114 = arith.index_cast %add3A_113 : i32 to index
        %get3A_115 = tpu.vector_load %arg9[%get3A_114] {strides = array<i32>} : memref<3256xi32, #tpu.memory_space<vmem>>, vector<16xi32>,
        %get3A_116 = vector.shape_cast %get3A_115 : vector<16xi32> to vector<16xi32>
        %swap3A_117 = arith.constant 16 : index
        %swap3A_118 = tpu.vector_load %arg11[%swap3A_117] {strides = array<i32>} : memref<64xi32, #tpu.memory_space<vmem>>, vector<16xi32>,
        %swap3A_119 = vector.shape_cast %swap3A_118 : vector<16xi32> to vector<16xi32>
        %swap3A_120 = vector.shape_cast %get3A_116 : vector<16xi32> to vector<16xi32>
        tpu.vector_store %arg11[%swap3A_117], %swap3A_120 {strides = array<i32>} : memref<64xi32, #tpu.memory_space<vmem>>, vector<16xi32>,
        %get3A_121 = arith.index_cast %add3A_113 : i32 to index
        %get3A_122 = tpu.vector_load %arg10[%get3A_121] {strides = array<i32>} : memref<3256xi32, #tpu.memory_space<vmem>>, vector<16xi32>,
        %get3A_123 = vector.shape_cast %get3A_122 : vector<16xi32> to vector<16xi32>
        %swap3A_124 = arith.constant 16 : index
        %swap3A_125 = tpu.vector_load %arg13[%swap3A_124] {strides = array<i32>} : memref<64xi32, #tpu.memory_space<vmem>>, vector<16xi32>,
        %swap3A_126 = vector.shape_cast %swap3A_125 : vector<16xi32> to vector<16xi32>
        %swap3A_127 = vector.shape_cast %get3A_123 : vector<16xi32> to vector<16xi32>
        tpu.vector_store %arg13[%swap3A_124], %swap3A_127 {strides = array<i32>} : memref<64xi32, #tpu.memory_space<vmem>>, vector<16xi32>,
        %mul3A_128 = arith.constant 64 : i32
        %mul3A_129 = arith.muli %add3A_77, %mul3A_128 : i32
        %add3A_130 = arith.constant 32 : i32
        %add3A_131 = arith.addi %mul3A_129, %add3A_130 : i32
        %get3A_132 = arith.index_cast %add3A_131 : i32 to index
        %get3A_133 = tpu.vector_load %arg9[%get3A_132] {strides = array<i32>} : memref<3256xi32, #tpu.memory_space<vmem>>, vector<16xi32>,
        %get3A_134 = vector.shape_cast %get3A_133 : vector<16xi32> to vector<16xi32>
        %swap3A_135 = arith.constant 32 : index
        %swap3A_136 = tpu.vector_load %arg11[%swap3A_135] {strides = array<i32>} : memref<64xi32, #tpu.memory_space<vmem>>, vector<16xi32>,
        %swap3A_137 = vector.shape_cast %swap3A_136 : vector<16xi32> to vector<16xi32>
        %swap3A_138 = vector.shape_cast %get3A_134 : vector<16xi32> to vector<16xi32>
        tpu.vector_store %arg11[%swap3A_135], %swap3A_138 {strides = array<i32>} : memref<64xi32, #tpu.memory_space<vmem>>, vector<16xi32>,
        %get3A_139 = arith.index_cast %add3A_131 : i32 to index
        %get3A_140 = tpu.vector_load %arg10[%get3A_139] {strides = array<i32>} : memref<3256xi32, #tpu.memory_space<vmem>>, vector<16xi32>,
        %get3A_141 = vector.shape_cast %get3A_140 : vector<16xi32> to vector<16xi32>
        %swap3A_142 = arith.constant 32 : index
        %swap3A_143 = tpu.vector_load %arg13[%swap3A_142] {strides = array<i32>} : memref<64xi32, #tpu.memory_space<vmem>>, vector<16xi32>,
        %swap3A_144 = vector.shape_cast %swap3A_143 : vector<16xi32> to vector<16xi32>
        %swap3A_145 = vector.shape_cast %get3A_141 : vector<16xi32> to vector<16xi32>
        tpu.vector_store %arg13[%swap3A_142], %swap3A_145 {strides = array<i32>} : memref<64xi32, #tpu.memory_space<vmem>>, vector<16xi32>,
        %mul3A_146 = arith.constant 64 : i32
        %mul3A_147 = arith.muli %add3A_77, %mul3A_146 : i32
        %add3A_148 = arith.constant 48 : i32
        %add3A_149 = arith.addi %mul3A_147, %add3A_148 : i32
        %get3A_150 = arith.index_cast %add3A_149 : i32 to index
        %get3A_151 = tpu.vector_load %arg9[%get3A_150] {strides = array<i32>} : memref<3256xi32, #tpu.memory_space<vmem>>, vector<16xi32>,
        %get3A_152 = vector.shape_cast %get3A_151 : vector<16xi32> to vector<16xi32>
        %swap3A_153 = arith.constant 48 : index
        %swap3A_154 = tpu.vector_load %arg11[%swap3A_153] {strides = array<i32>} : memref<64xi32, #tpu.memory_space<vmem>>, vector<16xi32>,
        %swap3A_155 = vector.shape_cast %swap3A_154 : vector<16xi32> to vector<16xi32>
        %swap3A_156 = vector.shape_cast %get3A_152 : vector<16xi32> to vector<16xi32>
        tpu.vector_store %arg11[%swap3A_153], %swap3A_156 {strides = array<i32>} : memref<64xi32, #tpu.memory_space<vmem>>, vector<16xi32>,
        %get3A_157 = arith.index_cast %add3A_149 : i32 to index
        %get3A_158 = tpu.vector_load %arg10[%get3A_157] {strides = array<i32>} : memref<3256xi32, #tpu.memory_space<vmem>>, vector<16xi32>,
        %get3A_159 = vector.shape_cast %get3A_158 : vector<16xi32> to vector<16xi32>
        %swap3A_160 = arith.constant 48 : index
        %swap3A_161 = tpu.vector_load %arg13[%swap3A_160] {strides = array<i32>} : memref<64xi32, #tpu.memory_space<vmem>>, vector<16xi32>,
        %swap3A_162 = vector.shape_cast %swap3A_161 : vector<16xi32> to vector<16xi32>
        %swap3A_163 = vector.shape_cast %get3A_159 : vector<16xi32> to vector<16xi32>
        tpu.vector_store %arg13[%swap3A_160], %swap3A_163 {strides = array<i32>} : memref<64xi32, #tpu.memory_space<vmem>>, vector<16xi32>,
        %dma_start3A_164 = arith.constant 0 : i32
        %dma_start3A_165 = arith.constant 0 : i32
        %dma_start3A_166 = tpu.memref_slice %arg3[%dma_start3A_164, %dma_start3A_165] : memref<16384x256xf32, #tpu.memory_space<hbm>> -> memref<16384x256xf32, #tpu.memory_space<hbm>>
        tpu.enqueue_indirect_dma source(%dma_start3A_166 : memref<16384x256xf32, #tpu.memory_space<hbm>>) target(%arg7 : memref<64x256xf32, #tpu.memory_space<vmem>>) offsets(%arg11 : memref<64xi32, #tpu.memory_space<vmem>>) semaphore(%arg15 : memref<!tpu.dma_semaphore, #tpu.memory_space<semaphore_mem>>)
        %dma_wait3A_167 = arith.constant 0 : i32
        %dma_wait3A_168 = arith.constant 0 : i32
        %dma_wait3A_169 = tpu.memref_slice %arg3[%dma_wait3A_167, %dma_wait3A_168] : memref<16384x256xf32, #tpu.memory_space<hbm>> -> memref<16384x256xf32, #tpu.memory_space<hbm>>
        tpu.wait_indirect_dma semaphore(%arg15 : memref<!tpu.dma_semaphore, #tpu.memory_space<semaphore_mem>>) src(%dma_wait3A_169 : memref<16384x256xf32, #tpu.memory_space<hbm>>) dst(%arg7 : memref<64x256xf32, #tpu.memory_space<vmem>>)
        %dma_start3A_170 = arith.constant 0 : i32
        %dma_start3A_171 = arith.constant 0 : i32
        %dma_start3A_172 = tpu.memref_slice %arg2[%dma_start3A_170, %dma_start3A_171] : memref<100000x256xf32, #tpu.memory_space<hbm>> -> memref<100000x256xf32, #tpu.memory_space<hbm>>
        tpu.enqueue_indirect_dma source(%arg7 : memref<64x256xf32, #tpu.memory_space<vmem>>) target(%dma_start3A_172 : memref<100000x256xf32, #tpu.memory_space<hbm>>) offsets(%arg13 : memref<64xi32, #tpu.memory_space<vmem>>) semaphore(%arg17 : memref<!tpu.dma_semaphore, #tpu.memory_space<semaphore_mem>>)
      } else {
      }
      %mul3A_81 = arith.constant 2 : i32
      %mul3A_82 = arith.muli %while3A_73, %mul3A_81 : i32
      %add3A_83 = arith.constant 1 : i32
      %add3A_84 = arith.addi %mul3A_82, %add3A_83 : i32
      %lt3A_85 = arith.cmpi slt, %add3A_84, %select_n3A : i32
      %convert_element_type3A_86 = arith.extui %lt3A_85 : i1 to i32
      %cond3A_87 = arith.constant 0 : i32
      %cond3A_88 = arith.cmpi ne, %convert_element_type3A_86, %cond3A_87 : i32
      scf.if %cond3A_88 {
        %ge3A = arith.constant 2 : i32
        %ge3A_89 = arith.cmpi sge, %add3A_84, %ge3A : i32
        %convert_element_type3A_90 = arith.extui %ge3A_89 : i1 to i32
        %cond3A_91 = arith.constant 0 : i32
        %cond3A_92 = arith.cmpi ne, %convert_element_type3A_90, %cond3A_91 : i32
        scf.if %cond3A_92 {
          %dma_wait3A_173 = arith.constant 0 : i32
          %dma_wait3A_174 = arith.constant 0 : i32
          %dma_wait3A_175 = tpu.memref_slice %arg2[%dma_wait3A_173, %dma_wait3A_174] : memref<100000x256xf32, #tpu.memory_space<hbm>> -> memref<100000x256xf32, #tpu.memory_space<hbm>>
          tpu.wait_indirect_dma semaphore(%arg18 : memref<!tpu.dma_semaphore, #tpu.memory_space<semaphore_mem>>) src(%arg8 : memref<64x256xf32, #tpu.memory_space<vmem>>) dst(%dma_wait3A_175 : memref<100000x256xf32, #tpu.memory_space<hbm>>)
        } else {
        }
        %mul3A_93 = arith.constant 64 : i32
        %mul3A_94 = arith.muli %add3A_84, %mul3A_93 : i32
        %add3A_95 = arith.constant 0 : i32
        %add3A_96 = arith.addi %mul3A_94, %add3A_95 : i32
        %get3A_97 = arith.index_cast %add3A_96 : i32 to index
        %get3A_98 = tpu.vector_load %arg9[%get3A_97] {strides = array<i32>} : memref<3256xi32, #tpu.memory_space<vmem>>, vector<16xi32>,
        %get3A_99 = vector.shape_cast %get3A_98 : vector<16xi32> to vector<16xi32>
        %swap3A = arith.constant 0 : index
        %swap3A_100 = tpu.vector_load %arg12[%swap3A] {strides = array<i32>} : memref<64xi32, #tpu.memory_space<vmem>>, vector<16xi32>,
        %swap3A_101 = vector.shape_cast %swap3A_100 : vector<16xi32> to vector<16xi32>
        %swap3A_102 = vector.shape_cast %get3A_99 : vector<16xi32> to vector<16xi32>
        tpu.vector_store %arg12[%swap3A], %swap3A_102 {strides = array<i32>} : memref<64xi32, #tpu.memory_space<vmem>>, vector<16xi32>,
        %get3A_103 = arith.index_cast %add3A_96 : i32 to index
        %get3A_104 = tpu.vector_load %arg10[%get3A_103] {strides = array<i32>} : memref<3256xi32, #tpu.memory_space<vmem>>, vector<16xi32>,
        %get3A_105 = vector.shape_cast %get3A_104 : vector<16xi32> to vector<16xi32>
        %swap3A_106 = arith.constant 0 : index
        %swap3A_107 = tpu.vector_load %arg14[%swap3A_106] {strides = array<i32>} : memref<64xi32, #tpu.memory_space<vmem>>, vector<16xi32>,
        %swap3A_108 = vector.shape_cast %swap3A_107 : vector<16xi32> to vector<16xi32>
        %swap3A_109 = vector.shape_cast %get3A_105 : vector<16xi32> to vector<16xi32>
        tpu.vector_store %arg14[%swap3A_106], %swap3A_109 {strides = array<i32>} : memref<64xi32, #tpu.memory_space<vmem>>, vector<16xi32>,
        %mul3A_110 = arith.constant 64 : i32
        %mul3A_111 = arith.muli %add3A_84, %mul3A_110 : i32
        %add3A_112 = arith.constant 16 : i32
        %add3A_113 = arith.addi %mul3A_111, %add3A_112 : i32
        %get3A_114 = arith.index_cast %add3A_113 : i32 to index
        %get3A_115 = tpu.vector_load %arg9[%get3A_114] {strides = array<i32>} : memref<3256xi32, #tpu.memory_space<vmem>>, vector<16xi32>,
        %get3A_116 = vector.shape_cast %get3A_115 : vector<16xi32> to vector<16xi32>
        %swap3A_117 = arith.constant 16 : index
        %swap3A_118 = tpu.vector_load %arg12[%swap3A_117] {strides = array<i32>} : memref<64xi32, #tpu.memory_space<vmem>>, vector<16xi32>,
        %swap3A_119 = vector.shape_cast %swap3A_118 : vector<16xi32> to vector<16xi32>
        %swap3A_120 = vector.shape_cast %get3A_116 : vector<16xi32> to vector<16xi32>
        tpu.vector_store %arg12[%swap3A_117], %swap3A_120 {strides = array<i32>} : memref<64xi32, #tpu.memory_space<vmem>>, vector<16xi32>,
        %get3A_121 = arith.index_cast %add3A_113 : i32 to index
        %get3A_122 = tpu.vector_load %arg10[%get3A_121] {strides = array<i32>} : memref<3256xi32, #tpu.memory_space<vmem>>, vector<16xi32>,
        %get3A_123 = vector.shape_cast %get3A_122 : vector<16xi32> to vector<16xi32>
        %swap3A_124 = arith.constant 16 : index
        %swap3A_125 = tpu.vector_load %arg14[%swap3A_124] {strides = array<i32>} : memref<64xi32, #tpu.memory_space<vmem>>, vector<16xi32>,
        %swap3A_126 = vector.shape_cast %swap3A_125 : vector<16xi32> to vector<16xi32>
        %swap3A_127 = vector.shape_cast %get3A_123 : vector<16xi32> to vector<16xi32>
        tpu.vector_store %arg14[%swap3A_124], %swap3A_127 {strides = array<i32>} : memref<64xi32, #tpu.memory_space<vmem>>, vector<16xi32>,
        %mul3A_128 = arith.constant 64 : i32
        %mul3A_129 = arith.muli %add3A_84, %mul3A_128 : i32
        %add3A_130 = arith.constant 32 : i32
        %add3A_131 = arith.addi %mul3A_129, %add3A_130 : i32
        %get3A_132 = arith.index_cast %add3A_131 : i32 to index
        %get3A_133 = tpu.vector_load %arg9[%get3A_132] {strides = array<i32>} : memref<3256xi32, #tpu.memory_space<vmem>>, vector<16xi32>,
        %get3A_134 = vector.shape_cast %get3A_133 : vector<16xi32> to vector<16xi32>
        %swap3A_135 = arith.constant 32 : index
        %swap3A_136 = tpu.vector_load %arg12[%swap3A_135] {strides = array<i32>} : memref<64xi32, #tpu.memory_space<vmem>>, vector<16xi32>,
        %swap3A_137 = vector.shape_cast %swap3A_136 : vector<16xi32> to vector<16xi32>
        %swap3A_138 = vector.shape_cast %get3A_134 : vector<16xi32> to vector<16xi32>
        tpu.vector_store %arg12[%swap3A_135], %swap3A_138 {strides = array<i32>} : memref<64xi32, #tpu.memory_space<vmem>>, vector<16xi32>,
        %get3A_139 = arith.index_cast %add3A_131 : i32 to index
        %get3A_140 = tpu.vector_load %arg10[%get3A_139] {strides = array<i32>} : memref<3256xi32, #tpu.memory_space<vmem>>, vector<16xi32>,
        %get3A_141 = vector.shape_cast %get3A_140 : vector<16xi32> to vector<16xi32>
        %swap3A_142 = arith.constant 32 : index
        %swap3A_143 = tpu.vector_load %arg14[%swap3A_142] {strides = array<i32>} : memref<64xi32, #tpu.memory_space<vmem>>, vector<16xi32>,
        %swap3A_144 = vector.shape_cast %swap3A_143 : vector<16xi32> to vector<16xi32>
        %swap3A_145 = vector.shape_cast %get3A_141 : vector<16xi32> to vector<16xi32>
        tpu.vector_store %arg14[%swap3A_142], %swap3A_145 {strides = array<i32>} : memref<64xi32, #tpu.memory_space<vmem>>, vector<16xi32>,
        %mul3A_146 = arith.constant 64 : i32
        %mul3A_147 = arith.muli %add3A_84, %mul3A_146 : i32
        %add3A_148 = arith.constant 48 : i32
        %add3A_149 = arith.addi %mul3A_147, %add3A_148 : i32
        %get3A_150 = arith.index_cast %add3A_149 : i32 to index
        %get3A_151 = tpu.vector_load %arg9[%get3A_150] {strides = array<i32>} : memref<3256xi32, #tpu.memory_space<vmem>>, vector<16xi32>,
        %get3A_152 = vector.shape_cast %get3A_151 : vector<16xi32> to vector<16xi32>
        %swap3A_153 = arith.constant 48 : index
        %swap3A_154 = tpu.vector_load %arg12[%swap3A_153] {strides = array<i32>} : memref<64xi32, #tpu.memory_space<vmem>>, vector<16xi32>,
        %swap3A_155 = vector.shape_cast %swap3A_154 : vector<16xi32> to vector<16xi32>
        %swap3A_156 = vector.shape_cast %get3A_152 : vector<16xi32> to vector<16xi32>
        tpu.vector_store %arg12[%swap3A_153], %swap3A_156 {strides = array<i32>} : memref<64xi32, #tpu.memory_space<vmem>>, vector<16xi32>,
        %get3A_157 = arith.index_cast %add3A_149 : i32 to index
        %get3A_158 = tpu.vector_load %arg10[%get3A_157] {strides = array<i32>} : memref<3256xi32, #tpu.memory_space<vmem>>, vector<16xi32>,
        %get3A_159 = vector.shape_cast %get3A_158 : vector<16xi32> to vector<16xi32>
        %swap3A_160 = arith.constant 48 : index
        %swap3A_161 = tpu.vector_load %arg14[%swap3A_160] {strides = array<i32>} : memref<64xi32, #tpu.memory_space<vmem>>, vector<16xi32>,
        %swap3A_162 = vector.shape_cast %swap3A_161 : vector<16xi32> to vector<16xi32>
        %swap3A_163 = vector.shape_cast %get3A_159 : vector<16xi32> to vector<16xi32>
        tpu.vector_store %arg14[%swap3A_160], %swap3A_163 {strides = array<i32>} : memref<64xi32, #tpu.memory_space<vmem>>, vector<16xi32>,
        %dma_start3A_164 = arith.constant 0 : i32
        %dma_start3A_165 = arith.constant 0 : i32
        %dma_start3A_166 = tpu.memref_slice %arg3[%dma_start3A_164, %dma_start3A_165] : memref<16384x256xf32, #tpu.memory_space<hbm>> -> memref<16384x256xf32, #tpu.memory_space<hbm>>
        tpu.enqueue_indirect_dma source(%dma_start3A_166 : memref<16384x256xf32, #tpu.memory_space<hbm>>) target(%arg8 : memref<64x256xf32, #tpu.memory_space<vmem>>) offsets(%arg12 : memref<64xi32, #tpu.memory_space<vmem>>) semaphore(%arg16 : memref<!tpu.dma_semaphore, #tpu.memory_space<semaphore_mem>>)
        %dma_wait3A_167 = arith.constant 0 : i32
        %dma_wait3A_168 = arith.constant 0 : i32
        %dma_wait3A_169 = tpu.memref_slice %arg3[%dma_wait3A_167, %dma_wait3A_168] : memref<16384x256xf32, #tpu.memory_space<hbm>> -> memref<16384x256xf32, #tpu.memory_space<hbm>>
        tpu.wait_indirect_dma semaphore(%arg16 : memref<!tpu.dma_semaphore, #tpu.memory_space<semaphore_mem>>) src(%dma_wait3A_169 : memref<16384x256xf32, #tpu.memory_space<hbm>>) dst(%arg8 : memref<64x256xf32, #tpu.memory_space<vmem>>)
        %dma_start3A_170 = arith.constant 0 : i32
        %dma_start3A_171 = arith.constant 0 : i32
        %dma_start3A_172 = tpu.memref_slice %arg2[%dma_start3A_170, %dma_start3A_171] : memref<100000x256xf32, #tpu.memory_space<hbm>> -> memref<100000x256xf32, #tpu.memory_space<hbm>>
        tpu.enqueue_indirect_dma source(%arg8 : memref<64x256xf32, #tpu.memory_space<vmem>>) target(%dma_start3A_172 : memref<100000x256xf32, #tpu.memory_space<hbm>>) offsets(%arg14 : memref<64xi32, #tpu.memory_space<vmem>>) semaphore(%arg18 : memref<!tpu.dma_semaphore, #tpu.memory_space<semaphore_mem>>)
      } else {
      }
    }
    %gt3A = arith.constant 0 : i32
    %gt3A_66 = arith.cmpi sgt, %select_n3A, %gt3A : i32
    %convert_element_type3A = arith.extui %gt3A_66 : i1 to i32
    %cond3A = arith.constant 0 : i32
    %cond3A_67 = arith.cmpi ne, %convert_element_type3A, %cond3A : i32
    scf.if %cond3A_67 {
      %dma_wait3A_73 = arith.constant 0 : i32
      %dma_wait3A_74 = arith.constant 0 : i32
      %dma_wait3A_75 = tpu.memref_slice %arg2[%dma_wait3A_73, %dma_wait3A_74] : memref<100000x256xf32, #tpu.memory_space<hbm>> -> memref<100000x256xf32, #tpu.memory_space<hbm>>
      tpu.wait_indirect_dma semaphore(%arg17 : memref<!tpu.dma_semaphore, #tpu.memory_space<semaphore_mem>>) src(%arg7 : memref<64x256xf32, #tpu.memory_space<vmem>>) dst(%dma_wait3A_75 : memref<100000x256xf32, #tpu.memory_space<hbm>>)
    } else {
    }
    %gt3A_68 = arith.constant 1 : i32
    %gt3A_69 = arith.cmpi sgt, %select_n3A, %gt3A_68 : i32
    %convert_element_type3A_70 = arith.extui %gt3A_69 : i1 to i32
    %cond3A_71 = arith.constant 0 : i32
    %cond3A_72 = arith.cmpi ne, %convert_element_type3A_70, %cond3A_71 : i32
    scf.if %cond3A_72 {
      %dma_wait3A_73 = arith.constant 0 : i32
      %dma_wait3A_74 = arith.constant 0 : i32
      %dma_wait3A_75 = tpu.memref_slice %arg2[%dma_wait3A_73, %dma_wait3A_74] : memref<100000x256xf32, #tpu.memory_space<hbm>> -> memref<100000x256xf32, #tpu.memory_space<hbm>>
      tpu.wait_indirect_dma semaphore(%arg18 : memref<!tpu.dma_semaphore, #tpu.memory_space<semaphore_mem>>) src(%arg8 : memref<64x256xf32, #tpu.memory_space<vmem>>) dst(%dma_wait3A_75 : memref<100000x256xf32, #tpu.memory_space<hbm>>)
    } else {
    }
    return
  }
}

</mosaic_0001>

<sc_bundles>
// kernel: _scatter_overwrite.4.cloned.1.call-start
scs
__scs_entry_jumppad:
0x0: {  	(pc) =	sbr.rel $0x88, $3  }
0x1: {  	(tag) =	ssettag $0x0;
	lr =	simm.s32 $0x1  }
0x2: {  	[smem:$0x3F9E] =	sst lr;
	_ =	strace $0xD0000000  }
0x3: {  	_ = 	snop  }
0x4: {  	_ = 	snop  }
0x5: {  	_ = 	snop  }
0x6: {  	_ = 	snop  }
0x7: {  	_ = 	snop  }
__scs_overlays_trampoline_lowered:
0x8: {  	[smem:$0x3FAD] =	sst s0  }
0x9: {  	[smem:$0x3FAE] =	sst s1  }
0xa: {  	[smem:$0x3FAF] =	sst s2  }
0xb: {  	[smem:$0x3FB0] =	sst s3  }
0xc: {  	[smem:$0x3FB1] =	sst s4  }
0xd: {  	[smem:$0x3FB2] =	sst s5  }
0xe: {  	[smem:$0x3FB3] =	sst s6  }
0xf: {  	[smem:$0x3FB4] =	sst s7  }
0x10: {  	[smem:$0x3FB5] =	sst s8  }
0x11: {  	[smem:$0x3FB6] =	sst s9;
	s0 =	simm.s32 @!p0 $0x0  }
0x12: {  	s1 =	sld [smem:$0x3F9C];
	s0 =	simm.s32 @p0 $0x1  }
0x13: {  	[smem:$0x3FB7] =	sst s0;
	s0 =	simm.s32 @!p1 $0x0  }
0x14: {  	s2 =	sld [smem:$0x3F9B];
	s0 =	simm.s32 @p1 $0x1  }
0x15: {  	[smem:$0x3FB8] =	sst s0;
	s0 =	simm.s32 @!p2 $0x0  }
0x16: {  	s3 =	sld [smem:$0x3FDB];
	s0 =	simm.s32 @p2 $0x1  }
0x17: {  	s4 =	simm.s32 $0x1BF5;
	[smem:$0x3FBA] =	sst s0  }
0x18: {  	s0 =	sld [smem:$0x3F9D];
	_ =	swait.ge [sflag:s4], $0x0  }
0x19: {  	s7 =	sld [smem:$0x3F9E]  }
0x1a: {  	s8 =	sadd.s32 $0xFFFFE003, lr  }
0x1b: {  	s9 =	sadd.s32 $0xFFFFFEF7, lr;
	s5 =	simm.s32 $0xFFFFFFFF;
	p2 =	slt.u32 s8, $0xFFFFF086  }
0x1c: {  	p1 =	slt.u32 s9, $0xF7A;
	s5 =	simm.s32 @!p2 $0x0  }
0x1d: {  	s5 =	simm.s32 @p1 $0x1;
	p0 =	seq.s32 s7, s2  }
0x1e: {  	s7 =	smul.u32 @!p0 $0xF7A, s2;
	p2 =	seq.s32 @!p0 s5, $0x0  }
0x1f: {  	s9 =	smul.u32 $0xF7A, s1;
	s8 =	simm.s32 @!p0 $0x1BF5;
	p2 =	por !p2, p0  }
0x20: {  	[sflag:s8] =	ssyncset.s32 @!p0 $0xFFFFF086;
	s6 =	sadd.s32 @!p0 s3, s7;
	s7 =	simm.s32 @!p0 $0x108  }
0x21: {  	s3 =	sadd.s32 s3, s9;
	s6 =	sadd.s32 @!p0 $0x88, s6;
	s7 =	simm.s32 @p2 $0x1082  }
0x22: {  	[simem:s7], [sflag:s8] =	dma.local @!p0 [hbm:s6], $0xF7A  }
0x23: {  	s9 =	sor.u32 $0xD0000000, s2;
	s6 =	simm.s32 $0x108;
	_ =	swait.ge @!p0 [sflag:s8], $0x0  }
0x24: {  	s3 =	sadd.s32 $0x88, s3;
	s6 =	simm.s32 @!p1 $0x1082;
	[sflag:s4] =	ssyncset.s32 $0xFFFFF086  }
0x25: {  	[simem:s6], [sflag:s4] =	dma.local [hbm:s3], $0xF7A  }
0x26: {  	[smem:$0x3F9E] =	sst s1;
	(tag) =	ssettag s2;
	_ =	strace s9  }
0x27: {  	s1 =	sld [smem:$0x3FAE]  }
0x28: {  	s2 =	sld [smem:$0x3FAF]  }
0x29: {  	s4 =	sld [smem:$0x3FB1]  }
0x2a: {  	p0 =	seq.s32 s5, $0x0;
	s5 =	sld [smem:$0x3FB2]  }
0x2b: {  	s6 =	sld [smem:$0x3FB3]  }
0x2c: {  	s7 =	sld [smem:$0x3FB4]  }
0x2d: {  	s3 =	simm.s32 $0x108;
	s8 =	sld [smem:$0x3FB5]  }
0x2e: {  	s3 =	simm.s32 @!p0 $0x1082;
	s9 =	sld [smem:$0x3FB6]  }
0x2f: {  	lr =	sadd.s32 s0, s3;
	s0 =	sld [smem:$0x3FAD]  }
0x30: {  	s3 =	sld [smem:$0x3FB0]  }
0x31: {  	[smem:$0x3FB9] =	sst s10  }
0x32: {  	s10 =	sld [smem:$0x3FB7];
	_ =	sdelay $0x3  }
0x33: {  	p0 =	seq.s32 s10, $0x1;
	s10 =	sld [smem:$0x3FB9];
	_ =	sdelay $0x3  }
0x34: {  	[smem:$0x3FB9] =	sst s10  }
0x35: {  	s10 =	sld [smem:$0x3FB8];
	_ =	sdelay $0x3  }
0x36: {  	p1 =	seq.s32 s10, $0x1;
	s10 =	sld [smem:$0x3FB9];
	_ =	sdelay $0x3  }
0x37: {  	[smem:$0x3FB9] =	sst s10  }
0x38: {  	s10 =	sld [smem:$0x3FBA]  }
0x39: {  	_ = 	snop;
	(pc) =	sbr.ind lr, $3  }
0x3a: {  	_ = 	snop  }
0x3b: {  	_ = 	snop  }
0x3c: {  	p2 =	seq.s32 s10, $0x1;
	s10 =	sld [smem:$0x3FB9]  }
0x3d: {  	_ =	shalt  }
0x3e: {  	_ =	shalt  }
0x3f: {  	_ =	shalt  }
0x40: {  	_ =	shalt  }
0x41: {  	_ =	shalt  }
0x42: {  	_ =	shalt  }
0x43: {  	_ =	shalt  }
0x44: {  	_ =	shalt  }
0x45: {  	_ =	shalt  }
0x46: {  	_ =	shalt  }
0x47: {  	_ =	shalt  }
0x48: {  	_ =	shalt  }
0x49: {  	_ =	shalt  }
0x4a: {  	_ =	shalt  }
0x4b: {  	_ =	shalt  }
0x4c: {  	_ =	shalt  }
0x4d: {  	_ =	shalt  }
0x4e: {  	_ =	shalt  }
0x4f: {  	_ =	shalt  }
0x50: {  	_ =	shalt  }
0x51: {  	_ =	shalt  }
0x52: {  	_ =	shalt  }
0x53: {  	_ =	shalt  }
0x54: {  	_ =	shalt  }
0x55: {  	_ =	shalt  }
0x56: {  	_ =	shalt  }
0x57: {  	_ =	shalt  }
0x58: {  	_ =	shalt  }
0x59: {  	_ =	shalt  }
0x5a: {  	_ =	shalt  }
0x5b: {  	_ =	shalt  }
0x5c: {  	_ =	shalt  }
0x5d: {  	_ =	shalt  }
0x5e: {  	_ =	shalt  }
0x5f: {  	_ =	shalt  }
0x60: {  	_ =	shalt  }
0x61: {  	_ =	shalt  }
0x62: {  	_ =	shalt  }
0x63: {  	_ =	shalt  }
0x64: {  	_ =	shalt  }
0x65: {  	_ =	shalt  }
0x66: {  	_ =	shalt  }
0x67: {  	_ =	shalt  }
0x68: {  	_ =	shalt  }
0x69: {  	_ =	shalt  }
0x6a: {  	_ =	shalt  }
0x6b: {  	_ =	shalt  }
0x6c: {  	_ =	shalt  }
0x6d: {  	_ =	shalt  }
0x6e: {  	_ =	shalt  }
0x6f: {  	_ =	shalt  }
0x70: {  	_ =	shalt  }
0x71: {  	_ =	shalt  }
0x72: {  	_ =	shalt  }
0x73: {  	_ =	shalt  }
0x74: {  	_ =	shalt  }
0x75: {  	_ =	shalt  }
0x76: {  	_ =	shalt  }
0x77: {  	_ =	shalt  }
0x78: {  	_ =	shalt  }
0x79: {  	_ =	shalt  }
0x7a: {  	_ =	shalt  }
0x7b: {  	_ =	shalt  }
0x7c: {  	_ =	shalt  }
0x7d: {  	_ =	shalt  }
0x7e: {  	_ =	shalt  }
0x7f: {  	_ =	shalt  }
0x80: {  	_ =	shalt  }
0x81: {  	_ =	shalt  }
0x82: {  	_ =	shalt  }
0x83: {  	_ =	shalt  }
0x84: {  	_ =	shalt  }
0x85: {  	_ =	shalt  }
0x86: {  	_ =	shalt  }
0x87: {  	_ =	shalt  }
.Lfunc_end0:
.L_simem_size_0:
called_computation_lowered:
.L_overlay_start_0:
0x88: {  	s2 =	sld [smem:$0x3FD9]  }
0x89: {  	s3 =	sld [smem:$0x3FFE];
	_ =	sdelay $0x1  }
0x8a: {  	s1 =	srdreg.scid  }
0x8b: {  	s0 =	sand.u32 $0x1, s1  }
0x8c: {  	s17 =	sshll.u32 s0, $0xA;
	s2 =	sadd.s32 s3, s2  }
0x8d: {  	s2 =	sadd.s32 s2, s17  }
0x8e: {  	[smem:$0x3FC5] =	sst s2  }
0x8f: {  	_ = 	snop  }
0x90: {  	s2 =	sld [smem:$0x3FC8];
	(tm) =	ssettm $0x1  }
0x91: {  	s18 =	sld [smem:$0x3FFB];
	_ =	sdelay $0x3  }
0x92: {  	_ =	strace s18  }
0x93: {  	s3 =	sld [smem:$0x3FFC];
	_ =	sdelay $0x3  }
0x94: {  	_ =	strace s3  }
0x95: {  	s3 =	sld [smem:$0x3FFD];
	_ =	sdelay $0x3  }
0x96: {  	_ =	strace s3  }
0x97: {  	_ =	strace $0x8FFFFFFF  }
0x98: {  	s19 =	sld [smem:$0x3FDB];
	_ =	sdelay $0x1  }
0x99: {  	s4 =	simm.s32 $_scs_section_size  }
0x9a: {  	s5 =	simm.s32 $_size__tile_overlayer_lowered;
	s6 =	simm.s32 $_tile_overlayer_lowered  }
0x9b: {  	s22 =	simm.s32 $0x1BFF;
	s21 =	sshll.u32 s6, $0x1;
	s3 =	sadd.s32 s4, s19  }
0x9c: {  	s7 =	simm.s32 $0x0;
	s20 =	sshll.u32 s5, $0x1;
	s5 =	sadd.s32 s21, s3  }
0x9d: {  	[timem:s7], [sflag:s22] =	dma.local [hbm:s5], s20  }
0x9e: {  	_ =	swait.ge [sflag:s22], s20  }
0x9f: {  	s4 =	ssub.s32 $0x0, s20;
	[sflag:s22] =	ssyncset.done $0x0  }
0xa0: {  	[sflag:s22] =	ssyncadd.s32 s4;
	_ =	sdelay $0x1  }
0xa1: {  	s23 =	simm.s32 $0x1B8B  }
0xa2: {  	_ =	swait.ge [sflag:s23], $0x1  }
0xa3: {  	[sflag:s23] =	ssyncset.done $0x0  }
0xa4: {  	s25 =	simm.s32 $0x1B8E;
	s24 =	sld [smem:$0x3FFE];
	[sflag:s23] =	ssyncadd.s32 $0xFFFFFFFF  }
0xa5: {  	s26 =	simm.s32 $execute0_lowered;
	[smem:$0x3FD2] =	sst s25  }
0xa6: {  	s5 =	sshll.u32 s26, $0x1;
	_ =	strace $0x80000046;
	[dreg:$0x1] =	wrdreg $0xFFFFFFFF  }
0xa7: {  	s28 =	simm.s32 $_size_execute0_lowered;
	s3 =	sadd.s32 s3, s5;
	[dreg:$0x0] =	wrdreg $0x0  }
0xa8: {  	s5 =	sshll.u32 s28, $0x1;
	[dreg:$0x2] =	wrdreg s3  }
0xa9: {  	[dreg:$0x3] =	wrdreg s5  }
0xaa: {  	[dreg:$0x4] =	wrdreg $0xC0  }
0xab: {  	_ =	task [dreg:s7], $0x5FFFF  }
0xac: {  	[dreg:$0x1] =	wrdreg $0xFFFFFFFF  }
0xad: {  	[dreg:$0x0] =	wrdreg $0x60  }
0xae: {  	[dreg:$0x2] =	wrdreg s2  }
0xaf: {  	[dreg:$0x3] =	wrdreg s24  }
0xb0: {  	[dreg:$0x4] =	wrdreg $0x9  }
0xb1: {  	_ =	task.clear_ibuf [dreg:s7], $0x5FFFF;
	_ =	strace $0x90000046  }
0xb2: {  	s29 =	simm.s32 $0x9;
	_ =	strace $0x80000048  }
0xb3: {  	_ =	swait.ge [sflag:s29], $0x1  }
0xb4: {  	[sflag:s29] =	ssyncadd.s32 $0xFFFFFFFF  }
0xb5: {  	_ =	strace $0x90000048  }
0xb6: {  	_ =	sfence  }
0xb7: {  	s30 =	sld [smem:$0x0];
	_ =	sdelay $0x2  }
0xb8: {  	s31 =	sshll.u32 s1, $0xD;
	s1 =	sshrl.u32 s1, $0x2  }
0xb9: {  	s3 =	sand.u32 $0x4000, s31;
	s1 =	sadd.s32 s1, s30  }
0xba: {  	s0 =	sor.u32 s3, s0;
	s1 =	sshll.u32 s1, $0x11  }
0xbb: {  	s0 =	sor.u32 s1, s0  }
0xbc: {  	s0 =	sadd.s32 $0x8F2B, s0  }
0xbd: {  	[sflag:s0] =	ssyncadd.remote.s32 $0x1  }
0xbe: {  	_ =	sfence.sel $0xFFFF  }
0xbf: {  	[dreg:$0x0] =	wrdreg $0xFFFFFFFF;
	(pc) =	sbr.abs _section_cstart, $3  }
0xc0: {  	[dreg:$0x1] =	wrdreg $0xFFFFFFFF  }
0xc1: {  	_ =	task.clear_ibuf [dreg:s7], $0x2FFFF;
	_ =	strace $0x9FFFFFFF  }
0xc2: {  	(tm) =	ssettm $0x7FFFFFFF  }
0xc3: {  	_ =	shalt  }
tec
execute0_lowered:
.L_overlay_start_1:
0x0: {  	(tag) =	ssettag $0x1  }
0x1: {  	v0 =	vimm.s32 $0xEFCDAB89;
	v1 =	vimm.s32 $0x67452301  }
0x2: {  	s0 =	srdreg.scid;
	s7 =	stileid.u32;
	v0 =	vunpack.c.l.s4.s8 v0;
	v1 =	vunpack.c.l.s4.s8 v1  }
0x3: {  	v3 =	vimm.s32 $0x54761032;
	v4 =	vimm.s32 $0xBA98FEDC;
	v5 =	vimm.s32 $0x32107654;
	s0 =	sand.u32 $0x1, s0;
	s1 =	sshll.u32 s7, $0x1  }
0x4: {  	v6 =	vimm.s32 $0xFEDCBA98;
	s1 =	sor.u32 s0, s1;
	v2 =	vunpack.c.0.s8.s32 v0;
	v1 =	vunpack.c.0.s8.s32 v1  }
0x5: {  	s3 =	rddreg [dreg:$0x1];
	s9 =	simm.s32 $0x0;
	v7 =	vimm.s32 $0x76543210;
	v3 =	vunpack.c.l.s4.s8 v3;
	v4 =	vunpack.c.l.s4.s8 v4;
	s2 =	smul.u32 $0xC38, s1  }
0x6: {  	[smem:$0x7FF] =	sst s9;
	v5 =	vunpack.c.l.s4.s8 v5;
	s1 =	smul.u32 $0x197, s1;
	v1 =	vcombine.low v1, v2;
	v2 =	vimm.s32 $0xDCFE98BA  }
0x7: {  	v6 =	vunpack.c.l.s4.s8 v6;
	s7 =	smul.u32 $0x1870, s7;
	v7 =	vunpack.c.l.s4.s8 v7;
	_ =	strace $0x80000047;
	s29 =	ssub.s32 $0x2, s0;
	v2 =	vunpack.c.l.s4.s8 v2  }
0x8: {  	s0 =	smul.u32 $0xC38, s0;
	s5 =	sshrl.u32 s29, $0x1;
	v3 =	vunpack.c.0.s8.s32 v3;
	v9 =	vunpack.c.0.s8.s32 v4;
	v5 =	vunpack.c.0.s8.s32 v5;
	s1 =	sadd.s32 s1, s3  }
0x9: {  	v6 =	vunpack.c.0.s8.s32 v6;
	v7 =	vunpack.c.0.s8.s32 v7;
	s4 =	smin.u32 s2, $0x17A68;
	s3 =	ssub.s32 s29, s5;
	s30 =	sadd.s32 $0xC00, s1;
	v8 =	vunpack.c.0.s8.s32 v2  }
0xa: {  	v4 =	vlaneseq.u32;
	v0 =	vmov s2;
	v5 =	vcombine.low v5, v9;
	s6 =	sadd.s32 $0xC38, s4;
	s1 =	sadd.s32 $0x4000, s1;
	[dreg:$0x3] =	wrdreg s30  }
0xb: {  	s8 =	sadd.s32 s0, s7;
	s31 =	smax.u32 s3, $0x1;
	[dreg:$0x4] =	wrdreg s1;
	v2 =	vmov s6;
	v3 =	vcombine.low v3, v8;
	v8 =	vand.u32 $0xF, v6  }
0xc: {  	s4 =	ssub.s32 s6, s2;
	[dreg:$0x5] =	wrdreg s31;
	s2 =	simm.s32 $0x0;
	v6 =	vimm.s32 $0x0;
	v7 =	vcombine.low v8, v7;
	v8 =	vimm.s32 $0xFFFFFFFF  }
.LBB2_1:
0xd: {  	[dreg:$0x6] =	wrdreg s2  }
0xe: {  	s0 =	rddreg [dreg:$0x0];
	s31 =	simm.s32 $0x1  }
0xf: {  	[tilespmem:s9], [sflag:$0x1] =	stream.linear.gather [hbm4b:s0+s9], $0x4000, $0x38;
	[tilespmem:$0xA680] =	vst v63  }
0x10: {  	_ =	swait.ge [sflag:s31], $0x4000  }
0x11: {  	[sflag:s31] =	ssyncset.done $0x0  }
0x12: {  	[sflag:s31] =	ssyncadd.s32 $0xFFFFC000  }
0x13: {  	v9 =	vld [tilespmem:s9+$0x0];
	_ =	sdelay $0x4  }
0x14: {  	vm0 =	vge.s32 v9, v0;
	vm1 =	vlt.s32 v9, v2  }
0x15: {  	vm0 =	vmand vm0, vm1  }
0x16: {  	v10 =	vsel vm0, $0x1, v6  }
0x17: {  	v11 =	vperm.xlane v10, v1;
	_ =	sdelay $0x1  }
0x18: {  	v10 =	vor.u32 v10, v11  }
0x19: {  	v11 =	vperm.xlane v10, v3;
	_ =	sdelay $0x1  }
0x1a: {  	v10 =	vor.u32 v11, v10  }
0x1b: {  	v9 =	vsub.s32 v9, v0;
	v11 =	vperm.xlane v10, v5  }
0x1c: {  	v9 =	vshll.u32 v9, $0xE  }
0x1d: {  	v9 =	vadd.s32 s9, v9;
	v10 =	vor.u32 v11, v10  }
0x1e: {  	v9 =	vadd.s32 v4, v9;
	v11 =	vperm.xlane v10, v7  }
0x1f: {  	v9 =	vnsel vm0, $0x40000000, v9  }
0x20: {  	s1 =	simm.s32 $0x10;
	s2 =	simm.s32 $0x0;
	s0 =	simm.s32 $0x4000;
	[tilespmem:s9+$0x0] =	vst v9;
	v9 =	vor.u32 v11, v10  }
.LBB2_2:
0x21: {  	p0 =	sne.s32 s1, $0x3FF0;
	[tilespmem:s0+$0x0] =	vst v9;
	s2 =	sadd.s32 $0x10, s2;
	s0 =	sadd.s32 $0x10, s0  }
0x22: {  	s3 =	smov.u32 s1;
	s1 =	sadd.s32 $0x10, s1;
	v9 =	vld [tilespmem:s2+$0x0];
	_ =	sdelay $0x4  }
0x23: {  	vm0 =	vge.s32 v9, v0;
	vm1 =	vlt.s32 v9, v2;
	v9 =	vsub.s32 v9, v0  }
0x24: {  	vm0 =	vmand vm0, vm1;
	v9 =	vshll.u32 v9, $0xE  }
0x25: {  	v9 =	vadd.s32 s3, v9;
	v10 =	vsel vm0, $0x1, v6  }
0x26: {  	v9 =	vadd.s32 v4, v9;
	v11 =	vperm.xlane v10, v1  }
0x27: {  	v9 =	vnsel vm0, $0x40000000, v9  }
0x28: {  	[tilespmem:s2+$0x0] =	vst v9;
	v9 =	vor.u32 v10, v11  }
0x29: {  	v10 =	vperm.xlane v9, v3;
	_ =	sdelay $0x1  }
0x2a: {  	v9 =	vor.u32 v10, v9  }
0x2b: {  	v10 =	vperm.xlane v9, v5  }
.Ltmp0:
0x2c: {  	(pc) =	sbr.rel @p0 .LBB2_2-.Ltmp0, $3  }
0x2d: {  	v9 =	vor.u32 v10, v9  }
0x2e: {  	v10 =	vperm.xlane v9, v7;
	_ =	sdelay $0x1  }
0x2f: {  	s14 =	simm.s32 $0x0;
	v9 =	vor.u32 v10, v9  }
0x30: {  	[tilespmem:s0+$0x0] =	vst v9;
	s0 =	simm.s32 $0x40;
	s1 =	simm.s32 $0x0  }
.LBB2_4:
0x31: {  	p0 =	sne.s32 s0, $0x30C0;
	[tilespmem:s1+$0x8000] =	vst v8;
	s1 =	smov.u32 s0;
	s0 =	sadd.s32 $0x40, s0  }
.Ltmp1:
0x32: {  	(pc) =	sbr.rel @p0 .LBB2_4-.Ltmp1, $2  }
0x33: {  	_ =	sdelay $0x2  }
0x34: {  	s1 =	sshra.s32 s1, $0x2  }
.Ltmp2:
0x35: {  	(pc) =	sbr.rel .LBB2_6-.Ltmp2, $2  }
0x36: {  	_ =	sdelay $0x2  }
0x37: {  	[tilespmem:s1+$0x8000] =	vst v8  }
.LBB2_8:
0x38: {  	s14 =	sadd.s32 $0x40, s14  }
0x39: {  	p0 =	sne.s32 s14, $0x10000  }
.Ltmp3:
0x3a: {  	_ = 	snop;
	(pc) =	sbr.rel @!p0 .LBB2_9-.Ltmp3, $1  }
0x3b: {  	_ =	sdelay $0x3  }
.LBB2_6:
0x3c: {  	s0 =	sshra.s32 s14, $0x2  }
0x3d: {  	v9 =	vld [tilespmem:s0+$0x4000];
	_ =	sdelay $0x4  }
0x3e: {  	(v2sf) =	vpush v9, $0x0;
	_ =	sdelay $0xe  }
0x3f: {  	s1 =	spop (v2sf)  }
0x40: {  	p0 =	slt.s32 s1, $0x1  }
.Ltmp4:
0x41: {  	_ = 	snop;
	(pc) =	sbr.rel @p0 .LBB2_8-.Ltmp4, $1  }
0x42: {  	_ =	sdelay $0x3  }
0x43: {  	v9 =	vld [tilespmem:s0+$0x0];
	_ =	sdelay $0x4  }
0x44: {  	(v2sf) =	vpush v9, $0x0;
	_ =	sdelay $0x6  }
0x45: {  	(v2sf) =	vpush v9, $0x1;
	_ =	sdelay $0x6  }
0x46: {  	(v2sf) =	vpush v9, $0x2  }
0x47: {  	s0 =	spop (v2sf)  }
0x48: {  	p1 =	sgt.s32 s0, $0x3FFFFFFF  }
0x49: {  	s1 =	sshra.s32 @!p1 s0, $0xE  }
0x4a: {  	s1 =	sand.u32 @!p1 $0xFFFFFFF0, s1  }
0x4b: {  	v10 =	vld @!p1 [tilespmem:s1+$0x8000]  }
0x4c: {  	s2 =	sshrl.u32 @!p1 s0, $0xE  }
0x4d: {  	(v2sf) =	vpush v9, $0x3;
	s2 =	sand.u32 @!p1 $0xF, s2  }
0x4e: {  	v12 =	vlaneseq.u32 @!p1;
	v11 =	vmov @!p1 s2;
	s2 =	spop (v2sf)  }
0x4f: {  	s0 =	sand.u32 @!p1 $0x3FFF, s0;
	vm0 =	veq.s32 @!p1 v11, v12;
	p0 =	sgt.s32 s2, $0x3FFFFFFF  }
0x50: {  	v10 =	vsel @!p1 vm0, s0, v10;
	s0 =	sshra.s32 @!p0 s2, $0xE  }
0x51: {  	[tilespmem:s1+$0x8000] =	vst @!p1 v10;
	s0 =	sand.u32 @!p0 $0xFFFFFFF0, s0  }
0x52: {  	v10 =	vld @!p0 [tilespmem:s0+$0x8000]  }
0x53: {  	s1 =	sshrl.u32 @!p0 s2, $0xE  }
0x54: {  	(v2sf) =	vpush v9, $0x4;
	s1 =	sand.u32 @!p0 $0xF, s1  }
0x55: {  	v12 =	vlaneseq.u32 @!p0;
	v11 =	vmov @!p0 s1;
	s1 =	spop (v2sf)  }
0x56: {  	s2 =	sand.u32 @!p0 $0x3FFF, s2;
	vm0 =	veq.s32 @!p0 v11, v12;
	p1 =	sgt.s32 s1, $0x3FFFFFFF  }
0x57: {  	v10 =	vsel @!p0 vm0, s2, v10;
	s2 =	sshra.s32 @!p1 s1, $0xE  }
0x58: {  	[tilespmem:s0+$0x8000] =	vst @!p0 v10;
	s0 =	sand.u32 @!p1 $0xFFFFFFF0, s2  }
0x59: {  	v10 =	vld @!p1 [tilespmem:s0+$0x8000]  }
0x5a: {  	s2 =	sshrl.u32 @!p1 s1, $0xE  }
0x5b: {  	(v2sf) =	vpush v9, $0x5;
	s2 =	sand.u32 @!p1 $0xF, s2  }
0x5c: {  	v12 =	vlaneseq.u32 @!p1;
	v11 =	vmov @!p1 s2;
	s2 =	spop (v2sf)  }
0x5d: {  	s1 =	sand.u32 @!p1 $0x3FFF, s1;
	vm0 =	veq.s32 @!p1 v11, v12;
	p0 =	sgt.s32 s2, $0x3FFFFFFF  }
0x5e: {  	v10 =	vsel @!p1 vm0, s1, v10;
	s1 =	sshra.s32 @!p0 s2, $0xE  }
0x5f: {  	[tilespmem:s0+$0x8000] =	vst @!p1 v10;
	s0 =	sand.u32 @!p0 $0xFFFFFFF0, s1  }
0x60: {  	v10 =	vld @!p0 [tilespmem:s0+$0x8000]  }
0x61: {  	s1 =	sshrl.u32 @!p0 s2, $0xE  }
0x62: {  	(v2sf) =	vpush v9, $0x6;
	s1 =	sand.u32 @!p0 $0xF, s1  }
0x63: {  	v12 =	vlaneseq.u32 @!p0;
	v11 =	vmov @!p0 s1;
	s1 =	spop (v2sf)  }
0x64: {  	s2 =	sand.u32 @!p0 $0x3FFF, s2;
	vm0 =	veq.s32 @!p0 v11, v12;
	p1 =	sgt.s32 s1, $0x3FFFFFFF  }
0x65: {  	v10 =	vsel @!p0 vm0, s2, v10;
	s2 =	sshra.s32 @!p1 s1, $0xE  }
0x66: {  	[tilespmem:s0+$0x8000] =	vst @!p0 v10;
	s0 =	sand.u32 @!p1 $0xFFFFFFF0, s2  }
0x67: {  	v10 =	vld @!p1 [tilespmem:s0+$0x8000]  }
0x68: {  	s2 =	sshrl.u32 @!p1 s1, $0xE  }
0x69: {  	(v2sf) =	vpush v9, $0x7;
	s2 =	sand.u32 @!p1 $0xF, s2  }
0x6a: {  	v12 =	vlaneseq.u32 @!p1;
	v11 =	vmov @!p1 s2;
	s2 =	spop (v2sf)  }
0x6b: {  	s1 =	sand.u32 @!p1 $0x3FFF, s1;
	vm0 =	veq.s32 @!p1 v11, v12;
	p0 =	sgt.s32 s2, $0x3FFFFFFF  }
0x6c: {  	v10 =	vsel @!p1 vm0, s1, v10;
	s1 =	sshra.s32 @!p0 s2, $0xE  }
0x6d: {  	[tilespmem:s0+$0x8000] =	vst @!p1 v10;
	s0 =	sand.u32 @!p0 $0xFFFFFFF0, s1  }
0x6e: {  	v10 =	vld @!p0 [tilespmem:s0+$0x8000]  }
0x6f: {  	s1 =	sshrl.u32 @!p0 s2, $0xE  }
0x70: {  	(v2sf) =	vpush v9, $0x8;
	s1 =	sand.u32 @!p0 $0xF, s1  }
0x71: {  	v12 =	vlaneseq.u32 @!p0;
	v11 =	vmov @!p0 s1;
	s1 =	spop (v2sf)  }
0x72: {  	s2 =	sand.u32 @!p0 $0x3FFF, s2;
	vm0 =	veq.s32 @!p0 v11, v12;
	p1 =	sgt.s32 s1, $0x3FFFFFFF  }
0x73: {  	v10 =	vsel @!p0 vm0, s2, v10;
	s2 =	sshra.s32 @!p1 s1, $0xE  }
0x74: {  	[tilespmem:s0+$0x8000] =	vst @!p0 v10;
	s0 =	sand.u32 @!p1 $0xFFFFFFF0, s2  }
0x75: {  	v10 =	vld @!p1 [tilespmem:s0+$0x8000]  }
0x76: {  	s2 =	sshrl.u32 @!p1 s1, $0xE  }
0x77: {  	(v2sf) =	vpush v9, $0x9;
	s2 =	sand.u32 @!p1 $0xF, s2  }
0x78: {  	v12 =	vlaneseq.u32 @!p1;
	v11 =	vmov @!p1 s2;
	s2 =	spop (v2sf)  }
0x79: {  	s1 =	sand.u32 @!p1 $0x3FFF, s1;
	vm0 =	veq.s32 @!p1 v11, v12;
	p0 =	sgt.s32 s2, $0x3FFFFFFF  }
0x7a: {  	v10 =	vsel @!p1 vm0, s1, v10;
	s1 =	sshra.s32 @!p0 s2, $0xE  }
0x7b: {  	[tilespmem:s0+$0x8000] =	vst @!p1 v10;
	s0 =	sand.u32 @!p0 $0xFFFFFFF0, s1  }
0x7c: {  	v10 =	vld @!p0 [tilespmem:s0+$0x8000]  }
0x7d: {  	s1 =	sshrl.u32 @!p0 s2, $0xE  }
0x7e: {  	(v2sf) =	vpush v9, $0xA;
	s1 =	sand.u32 @!p0 $0xF, s1  }
0x7f: {  	v12 =	vlaneseq.u32 @!p0;
	v11 =	vmov @!p0 s1;
	s1 =	spop (v2sf)  }
0x80: {  	s2 =	sand.u32 @!p0 $0x3FFF, s2;
	vm0 =	veq.s32 @!p0 v11, v12;
	p1 =	sgt.s32 s1, $0x3FFFFFFF  }
0x81: {  	v10 =	vsel @!p0 vm0, s2, v10;
	s2 =	sshra.s32 @!p1 s1, $0xE  }
0x82: {  	[tilespmem:s0+$0x8000] =	vst @!p0 v10;
	s0 =	sand.u32 @!p1 $0xFFFFFFF0, s2  }
0x83: {  	v10 =	vld @!p1 [tilespmem:s0+$0x8000]  }
0x84: {  	s2 =	sshrl.u32 @!p1 s1, $0xE  }
0x85: {  	(v2sf) =	vpush v9, $0xB;
	s2 =	sand.u32 @!p1 $0xF, s2  }
0x86: {  	v12 =	vlaneseq.u32 @!p1;
	v11 =	vmov @!p1 s2;
	s2 =	spop (v2sf)  }
0x87: {  	s1 =	sand.u32 @!p1 $0x3FFF, s1;
	vm0 =	veq.s32 @!p1 v11, v12;
	p0 =	sgt.s32 s2, $0x3FFFFFFF  }
0x88: {  	v10 =	vsel @!p1 vm0, s1, v10;
	s1 =	sshra.s32 @!p0 s2, $0xE  }
0x89: {  	[tilespmem:s0+$0x8000] =	vst @!p1 v10;
	s0 =	sand.u32 @!p0 $0xFFFFFFF0, s1  }
0x8a: {  	v10 =	vld @!p0 [tilespmem:s0+$0x8000]  }
0x8b: {  	s1 =	sshrl.u32 @!p0 s2, $0xE  }
0x8c: {  	(v2sf) =	vpush v9, $0xC;
	s1 =	sand.u32 @!p0 $0xF, s1  }
0x8d: {  	v12 =	vlaneseq.u32 @!p0;
	v11 =	vmov @!p0 s1;
	s1 =	spop (v2sf)  }
0x8e: {  	s2 =	sand.u32 @!p0 $0x3FFF, s2;
	vm0 =	veq.s32 @!p0 v11, v12;
	p1 =	sgt.s32 s1, $0x3FFFFFFF  }
0x8f: {  	v10 =	vsel @!p0 vm0, s2, v10;
	s2 =	sshra.s32 @!p1 s1, $0xE  }
0x90: {  	[tilespmem:s0+$0x8000] =	vst @!p0 v10;
	s0 =	sand.u32 @!p1 $0xFFFFFFF0, s2  }
0x91: {  	v10 =	vld @!p1 [tilespmem:s0+$0x8000]  }
0x92: {  	s2 =	sshrl.u32 @!p1 s1, $0xE  }
0x93: {  	(v2sf) =	vpush v9, $0xD;
	s2 =	sand.u32 @!p1 $0xF, s2  }
0x94: {  	v12 =	vlaneseq.u32 @!p1;
	v11 =	vmov @!p1 s2;
	s2 =	spop (v2sf)  }
0x95: {  	s1 =	sand.u32 @!p1 $0x3FFF, s1;
	vm0 =	veq.s32 @!p1 v11, v12;
	p0 =	sgt.s32 s2, $0x3FFFFFFF  }
0x96: {  	v10 =	vsel @!p1 vm0, s1, v10;
	s1 =	sshra.s32 @!p0 s2, $0xE  }
0x97: {  	[tilespmem:s0+$0x8000] =	vst @!p1 v10;
	s0 =	sand.u32 @!p0 $0xFFFFFFF0, s1  }
0x98: {  	v10 =	vld @!p0 [tilespmem:s0+$0x8000]  }
0x99: {  	s1 =	sshrl.u32 @!p0 s2, $0xE  }
0x9a: {  	(v2sf) =	vpush v9, $0xE;
	s1 =	sand.u32 @!p0 $0xF, s1  }
0x9b: {  	v12 =	vlaneseq.u32 @!p0;
	v11 =	vmov @!p0 s1;
	s1 =	spop (v2sf)  }
0x9c: {  	s2 =	sand.u32 @!p0 $0x3FFF, s2;
	vm0 =	veq.s32 @!p0 v11, v12;
	p1 =	sgt.s32 s1, $0x3FFFFFFF  }
0x9d: {  	v10 =	vsel @!p0 vm0, s2, v10;
	s2 =	sshra.s32 @!p1 s1, $0xE  }
0x9e: {  	[tilespmem:s0+$0x8000] =	vst @!p0 v10;
	s0 =	sand.u32 @!p1 $0xFFFFFFF0, s2  }
0x9f: {  	v10 =	vld @!p1 [tilespmem:s0+$0x8000]  }
0xa0: {  	s2 =	sshrl.u32 @!p1 s1, $0xE  }
0xa1: {  	(v2sf) =	vpush v9, $0xF;
	s2 =	sand.u32 @!p1 $0xF, s2  }
0xa2: {  	v11 =	vlaneseq.u32 @!p1;
	v9 =	vmov @!p1 s2;
	s2 =	spop (v2sf)  }
0xa3: {  	s1 =	sand.u32 @!p1 $0x3FFF, s1;
	vm0 =	veq.s32 @!p1 v9, v11;
	p0 =	sgt.s32 s2, $0x3FFFFFFF  }
0xa4: {  	v9 =	vsel @!p1 vm0, s1, v10;
	s1 =	sshra.s32 @!p0 s2, $0xE  }
0xa5: {  	[tilespmem:s0+$0x8000] =	vst @!p1 v9;
	s0 =	sand.u32 @!p0 $0xFFFFFFF0, s1  }
0xa6: {  	v9 =	vld @!p0 [tilespmem:s0+$0x8000]  }
0xa7: {  	s1 =	sshrl.u32 @!p0 s2, $0xE  }
0xa8: {  	s1 =	sand.u32 @!p0 $0xF, s1  }
0xa9: {  	v11 =	vlaneseq.u32 @!p0;
	v10 =	vmov @!p0 s1;
	s1 =	spop (v2sf)  }
0xaa: {  	s2 =	sand.u32 @!p0 $0x3FFF, s2;
	vm0 =	veq.s32 @!p0 v10, v11;
	p1 =	sgt.s32 s1, $0x3FFFFFFF  }
0xab: {  	v9 =	vsel @!p0 vm0, s2, v9;
	s2 =	sshra.s32 @!p1 s1, $0xE  }
0xac: {  	[tilespmem:s0+$0x8000] =	vst @!p0 v9;
	s0 =	sand.u32 @!p1 $0xFFFFFFF0, s2  }
0xad: {  	v9 =	vld @!p1 [tilespmem:s0+$0x8000]  }
0xae: {  	s2 =	sshrl.u32 @!p1 s1, $0xE  }
0xaf: {  	s2 =	sand.u32 @!p1 $0xF, s2  }
0xb0: {  	v11 =	vlaneseq.u32 @!p1;
	v10 =	vmov @!p1 s2;
	s2 =	spop (v2sf)  }
0xb1: {  	s1 =	sand.u32 @!p1 $0x3FFF, s1;
	vm0 =	veq.s32 @!p1 v10, v11;
	p0 =	sgt.s32 s2, $0x3FFFFFFF  }
0xb2: {  	v9 =	vsel @!p1 vm0, s1, v9;
	s1 =	sshra.s32 @!p0 s2, $0xE  }
0xb3: {  	[tilespmem:s0+$0x8000] =	vst @!p1 v9;
	s0 =	sand.u32 @!p0 $0xFFFFFFF0, s1  }
0xb4: {  	v9 =	vld @!p0 [tilespmem:s0+$0x8000]  }
0xb5: {  	s1 =	sshrl.u32 @!p0 s2, $0xE  }
.Ltmp5:
0xb6: {  	s1 =	sand.u32 @!p0 $0xF, s1;
	(pc) =	sbr.rel .LBB2_8-.Ltmp5, $4  }
0xb7: {  	v11 =	vlaneseq.u32 @!p0;
	v10 =	vmov @!p0 s1  }
0xb8: {  	s1 =	sand.u32 @!p0 $0x3FFF, s2;
	vm0 =	veq.s32 @!p0 v10, v11  }
0xb9: {  	v9 =	vsel @!p0 vm0, s1, v9  }
0xba: {  	[tilespmem:s0+$0x8000] =	vst @!p0 v9  }
.LBB2_9:
0xbb: {  	s17 =	simm.s32 $0x0;
	s23 =	simm.s32 $0x8000  }
0xbc: {  	s15 =	simm.s32 $0x0;
	s16 =	simm.s32 $0x0;
	s14 =	simm.s32 $0x0  }
.LBB2_10:
0xbd: {  	v9 =	vld [tilespmem:s23+$0x0];
	_ =	sdelay $0x4  }
0xbe: {  	(v2sf) =	vpush v9, $0x0;
	_ =	sdelay $0x9  }
0xbf: {  	(v2sf) =	vpush v9, $0x1;
	_ =	sdelay $0x4  }
0xc0: {  	s0 =	spop (v2sf)  }
0xc1: {  	p1 =	slt.s32 s17, s4;
	p0 =	sgt.s32 s0, $0xFFFFFFFF  }
0xc2: {  	p0 =	por !p1, !p0  }
0xc3: {  	(v2sf) =	vpush v9, $0x2;
	p2 =	por !p0, !p0  }
0xc4: {  	[dreg:$0x7] =	wrdreg s0;
	s0 =	simm.s32 @!p2 $0x0  }
0xc5: {  	s0 =	simm.s32 @p2 $0x1  }
0xc6: {  	[smem:$0x7F3] =	sst s0;
	s0 =	sand.u32 @p2 $0xFFFFFFF0, s14  }
0xc7: {  	v10 =	vld @p2 [tilespmem:s0+$0x8C80]  }
0xc8: {  	v11 =	vld @p2 [tilespmem:s0+$0x9980]  }
0xc9: {  	s1 =	sand.u32 @p2 $0xF, s14  }
0xca: {  	s30 =	sadd.s32 $0x1, s17;
	s2 =	spop (v2sf);
	v13 =	vlaneseq.u32 @p2;
	v14 =	vbroadcast @p2 v9, $0x0;
	v12 =	vmov @p2 s1  }
0xcb: {  	p6 =	slt.s32 s30, s4;
	(v2sf) =	vpush v9, $0x3;
	[dreg:$0x8] =	wrdreg s2;
	p5 =	sgt.s32 s2, $0xFFFFFFFF;
	vm0 =	veq.s32 @p2 v12, v13  }
0xcc: {  	p0 =	por !p6, !p5;
	s2 =	sadd.s32 @p2 s17, s8;
	s1 =	sadd.s32 @p2 $0x1, s14;
	v10 =	vsel @p2 vm0, v14, v10  }
0xcd: {  	p3 =	por !p0, !p0;
	s14 =	smov.u32 @p2 s1;
	[tilespmem:s0+$0x8C80] =	vst @p2 v10;
	v10 =	vsel @p2 vm0, s2, v11  }
0xce: {  	[tilespmem:s0+$0x9980] =	vst @p2 v10;
	s0 =	sand.u32 @p3 $0xFFFFFFF0, s14  }
0xcf: {  	s1 =	simm.s32 @!p3 $0x0;
	v10 =	vld @p3 [tilespmem:s0+$0x8C80]  }
0xd0: {  	s1 =	simm.s32 @p3 $0x1;
	v11 =	vld @p3 [tilespmem:s0+$0x9980]  }
0xd1: {  	s31 =	sadd.s32 $0x2, s17;
	[smem:$0x7F4] =	sst s1;
	s1 =	sand.u32 @p3 $0xF, s14  }
0xd2: {  	p4 =	slt.s32 s31, s4;
	v13 =	vlaneseq.u32 @p3;
	v12 =	vmov @p3 s1;
	v14 =	vbroadcast @p3 v9, $0x1;
	s3 =	spop (v2sf)  }
0xd3: {  	[dreg:$0x9] =	wrdreg s2;
	vm0 =	veq.s32 @p3 v12, v13;
	s2 =	sadd.s32 @p3 s17, s8;
	(v2sf) =	vpush v9, $0x4;
	p2 =	sgt.s32 s3, $0xFFFFFFFF  }
0xd4: {  	s1 =	sadd.s32 @p3 $0x1, s14;
	s24 =	sadd.s32 @p3 $0x1, s2;
	p0 =	por !p4, !p2;
	v10 =	vsel @p3 vm0, v14, v10  }
0xd5: {  	s14 =	smov.u32 @p3 s1;
	p2 =	por !p0, !p0;
	[tilespmem:s0+$0x8C80] =	vst @p3 v10;
	v10 =	vsel @p3 vm0, s24, v11  }
0xd6: {  	[tilespmem:s0+$0x9980] =	vst @p3 v10;
	s0 =	sand.u32 @p2 $0xFFFFFFF0, s14  }
0xd7: {  	s1 =	simm.s32 @!p2 $0x0;
	v10 =	vld @p2 [tilespmem:s0+$0x8C80]  }
0xd8: {  	s1 =	simm.s32 @p2 $0x1;
	v11 =	vld @p2 [tilespmem:s0+$0x9980]  }
0xd9: {  	[smem:$0x7F5] =	sst s1;
	s1 =	sand.u32 @p2 $0xF, s14  }
0xda: {  	s6 =	sadd.s32 $0x3, s17;
	s5 =	spop (v2sf);
	v13 =	vlaneseq.u32 @p2;
	v14 =	vbroadcast @p2 v9, $0x2;
	v12 =	vmov @p2 s1  }
0xdb: {  	p6 =	slt.s32 s6, s4;
	(v2sf) =	vpush v9, $0x5;
	p5 =	sgt.s32 s5, $0xFFFFFFFF;
	s2 =	sadd.s32 @p2 s17, s8;
	vm0 =	veq.s32 @p2 v12, v13  }
0xdc: {  	p0 =	por !p6, !p5;
	s26 =	sadd.s32 @p2 $0x2, s2;
	s1 =	sadd.s32 @p2 $0x1, s14;
	v10 =	vsel @p2 vm0, v14, v10  }
0xdd: {  	p3 =	por !p0, !p0;
	s14 =	smov.u32 @p2 s1;
	[tilespmem:s0+$0x8C80] =	vst @p2 v10;
	v10 =	vsel @p2 vm0, s26, v11  }
0xde: {  	[tilespmem:s0+$0x9980] =	vst @p2 v10;
	s0 =	sand.u32 @p3 $0xFFFFFFF0, s14  }
0xdf: {  	s1 =	simm.s32 @!p3 $0x0;
	v10 =	vld @p3 [tilespmem:s0+$0x8C80]  }
0xe0: {  	s1 =	simm.s32 @p3 $0x1;
	v11 =	vld @p3 [tilespmem:s0+$0x9980]  }
0xe1: {  	[smem:$0x7F7] =	sst s1;
	s1 =	sand.u32 @p3 $0xF, s14  }
0xe2: {  	s9 =	sadd.s32 $0x4, s17;
	v13 =	vlaneseq.u32 @p3;
	v12 =	vmov @p3 s1;
	v14 =	vbroadcast @p3 v9, $0x3;
	s7 =	spop (v2sf)  }
0xe3: {  	p4 =	slt.s32 s9, s4;
	s2 =	sadd.s32 @p3 s17, s8;
	vm0 =	veq.s32 @p3 v12, v13;
	(v2sf) =	vpush v9, $0x6;
	p2 =	sgt.s32 s7, $0xFFFFFFFF  }
0xe4: {  	s28 =	sadd.s32 @p3 $0x3, s2;
	s1 =	sadd.s32 @p3 $0x1, s14;
	p0 =	por !p4, !p2;
	v10 =	vsel @p3 vm0, v14, v10  }
0xe5: {  	s14 =	smov.u32 @p3 s1;
	p2 =	por !p0, !p0;
	[tilespmem:s0+$0x8C80] =	vst @p3 v10;
	v10 =	vsel @p3 vm0, s28, v11  }
0xe6: {  	[tilespmem:s0+$0x9980] =	vst @p3 v10;
	s0 =	sand.u32 @p2 $0xFFFFFFF0, s14  }
0xe7: {  	s1 =	simm.s32 @!p2 $0x0;
	v10 =	vld @p2 [tilespmem:s0+$0x8C80]  }
0xe8: {  	s1 =	simm.s32 @p2 $0x1;
	v11 =	vld @p2 [tilespmem:s0+$0x9980]  }
0xe9: {  	[smem:$0x7F8] =	sst s1;
	s1 =	sand.u32 @p2 $0xF, s14  }
0xea: {  	s10 =	sadd.s32 $0x5, s17;
	s29 =	spop (v2sf);
	v13 =	vlaneseq.u32 @p2;
	v14 =	vbroadcast @p2 v9, $0x4;
	v12 =	vmov @p2 s1  }
0xeb: {  	p6 =	slt.s32 s10, s4;
	(v2sf) =	vpush v9, $0x7;
	p5 =	sgt.s32 s29, $0xFFFFFFFF;
	s2 =	sadd.s32 @p2 s17, s8;
	vm0 =	veq.s32 @p2 v12, v13  }
0xec: {  	p0 =	por !p6, !p5;
	s30 =	sadd.s32 @p2 $0x4, s2;
	s1 =	sadd.s32 @p2 $0x1, s14;
	v10 =	vsel @p2 vm0, v14, v10  }
0xed: {  	s14 =	smov.u32 @p2 s1;
	p3 =	por !p0, !p0;
	[tilespmem:s0+$0x8C80] =	vst @p2 v10;
	v10 =	vsel @p2 vm0, s30, v11  }
0xee: {  	[tilespmem:s0+$0x9980] =	vst @p2 v10;
	s0 =	sand.u32 @p3 $0xFFFFFFF0, s14  }
0xef: {  	s1 =	simm.s32 @!p3 $0x0;
	v10 =	vld @p3 [tilespmem:s0+$0x8C80]  }
0xf0: {  	s1 =	simm.s32 @p3 $0x1;
	v11 =	vld @p3 [tilespmem:s0+$0x9980]  }
0xf1: {  	[smem:$0x7F9] =	sst s1;
	s1 =	sand.u32 @p3 $0xF, s14  }
0xf2: {  	s11 =	sadd.s32 $0x6, s17;
	v13 =	vlaneseq.u32 @p3;
	v12 =	vmov @p3 s1;
	v14 =	vbroadcast @p3 v9, $0x5;
	s31 =	spop (v2sf)  }
0xf3: {  	p4 =	slt.s32 s11, s4;
	s2 =	sadd.s32 @p3 s17, s8;
	vm0 =	veq.s32 @p3 v12, v13;
	(v2sf) =	vpush v9, $0x8;
	p2 =	sgt.s32 s31, $0xFFFFFFFF  }
0xf4: {  	s19 =	sadd.s32 @p3 $0x5, s2;
	s1 =	sadd.s32 @p3 $0x1, s14;
	p0 =	por !p4, !p2;
	v10 =	vsel @p3 vm0, v14, v10  }
0xf5: {  	s14 =	smov.u32 @p3 s1;
	p2 =	por !p0, !p0;
	[tilespmem:s0+$0x8C80] =	vst @p3 v10;
	v10 =	vsel @p3 vm0, s19, v11  }
0xf6: {  	[tilespmem:s0+$0x9980] =	vst @p3 v10;
	s0 =	sand.u32 @p2 $0xFFFFFFF0, s14  }
0xf7: {  	s1 =	simm.s32 @!p2 $0x0;
	v10 =	vld @p2 [tilespmem:s0+$0x8C80]  }
0xf8: {  	s1 =	simm.s32 @p2 $0x1;
	v11 =	vld @p2 [tilespmem:s0+$0x9980]  }
0xf9: {  	v13 =	vlaneseq.u32 @p2;
	[smem:$0x7FA] =	sst s1;
	s1 =	sand.u32 @p2 $0xF, s14  }
0xfa: {  	s12 =	sadd.s32 $0x7, s17;
	[dreg:$0xa] =	wrdreg s3;
	v12 =	vmov @p2 s1;
	v14 =	vbroadcast @p2 v9, $0x6;
	s1 =	spop (v2sf);
	(v2sf) =	vpush v9, $0x9  }
0xfb: {  	p6 =	slt.s32 s12, s4;
	s3 =	sadd.s32 @p2 s17, s8;
	vm0 =	veq.s32 @p2 v12, v13;
	p5 =	sgt.s32 s1, $0xFFFFFFFF  }
0xfc: {  	s2 =	sadd.s32 @p2 $0x1, s14;
	s10 =	sadd.s32 @p2 $0x6, s3;
	p0 =	por !p6, !p5;
	v10 =	vsel @p2 vm0, v14, v10  }
0xfd: {  	s14 =	smov.u32 @p2 s2;
	p3 =	por !p0, !p0;
	[tilespmem:s0+$0x8C80] =	vst @p2 v10;
	v10 =	vsel @p2 vm0, s10, v11  }
0xfe: {  	[tilespmem:s0+$0x9980] =	vst @p2 v10;
	s0 =	sand.u32 @p3 $0xFFFFFFF0, s14  }
0xff: {  	s2 =	simm.s32 @!p3 $0x0;
	v10 =	vld @p3 [tilespmem:s0+$0x8C80]  }
0x100: {  	s2 =	simm.s32 @p3 $0x1;
	v11 =	vld @p3 [tilespmem:s0+$0x9980]  }
0x101: {  	[smem:$0x7FB] =	sst s2;
	s2 =	sand.u32 @p3 $0xF, s14  }
0x102: {  	s13 =	sadd.s32 $0x8, s17;
	[dreg:$0xb] =	wrdreg s5;
	v13 =	vlaneseq.u32 @p3;
	v12 =	vmov @p3 s2;
	v14 =	vbroadcast @p3 v9, $0x7;
	s2 =	spop (v2sf)  }
0x103: {  	s5 =	sadd.s32 @p3 s17, s8;
	(v2sf) =	vpush v9, $0xA;
	vm0 =	veq.s32 @p3 v12, v13;
	p1 =	sgt.s32 s2, $0xFFFFFFFF;
	p2 =	slt.s32 s13, s4  }
0x104: {  	s3 =	sadd.s32 @p3 $0x1, s14;
	s5 =	sadd.s32 @p3 $0x7, s5;
	p0 =	por !p2, !p1;
	v10 =	vsel @p3 vm0, v14, v10  }
0x105: {  	s14 =	smov.u32 @p3 s3;
	p2 =	por !p0, !p0;
	[tilespmem:s0+$0x8C80] =	vst @p3 v10;
	v10 =	vsel @p3 vm0, s5, v11  }
0x106: {  	[tilespmem:s0+$0x9980] =	vst @p3 v10;
	s0 =	sand.u32 @p2 $0xFFFFFFF0, s14  }
0x107: {  	v10 =	vld @p2 [tilespmem:s0+$0x8C80]  }
0x108: {  	v11 =	vld @p2 [tilespmem:s0+$0x9980]  }
0x109: {  	s3 =	sand.u32 @p2 $0xF, s14;
	s12 =	spop (v2sf);
	(v2sf) =	vpush v9, $0xB  }
0x10a: {  	s18 =	sadd.s32 $0x9, s17;
	v13 =	vlaneseq.u32 @p2;
	v12 =	vmov @p2 s3;
	v14 =	vbroadcast @p2 v9, $0x8  }
0x10b: {  	p4 =	slt.s32 s18, s4;
	s6 =	sadd.s32 @p2 s17, s8;
	vm0 =	veq.s32 @p2 v12, v13;
	p3 =	sgt.s32 s12, $0xFFFFFFFF  }
0x10c: {  	s6 =	sadd.s32 @p2 $0x8, s6;
	s3 =	sadd.s32 @p2 $0x1, s14;
	p0 =	por !p4, !p3;
	v10 =	vsel @p2 vm0, v14, v10  }
0x10d: {  	s14 =	smov.u32 @p2 s3;
	s3 =	simm.s32 @!p2 $0x0;
	p3 =	por !p0, !p0;
	[tilespmem:s0+$0x8C80] =	vst @p2 v10;
	v10 =	vsel @p2 vm0, s6, v11  }
0x10e: {  	s3 =	simm.s32 @p2 $0x1;
	[tilespmem:s0+$0x9980] =	vst @p2 v10;
	s0 =	sand.u32 @p3 $0xFFFFFFF0, s14  }
0x10f: {  	[smem:$0x7FC] =	sst s3;
	s3 =	simm.s32 @!p3 $0x0;
	v10 =	vld @p3 [tilespmem:s0+$0x8C80]  }
0x110: {  	s3 =	simm.s32 @p3 $0x1;
	v11 =	vld @p3 [tilespmem:s0+$0x9980]  }
0x111: {  	[smem:$0x7FD] =	sst s3;
	s3 =	sand.u32 @p3 $0xF, s14  }
0x112: {  	s20 =	sadd.s32 $0xA, s17;
	[dreg:$0xc] =	wrdreg s7;
	v13 =	vlaneseq.u32 @p3;
	s7 =	spop (v2sf);
	v12 =	vmov @p3 s3;
	v14 =	vbroadcast @p3 v9, $0x9  }
0x113: {  	p6 =	slt.s32 s20, s4;
	s9 =	sadd.s32 @p3 s17, s8;
	(v2sf) =	vpush v9, $0xC;
	p5 =	sgt.s32 s7, $0xFFFFFFFF;
	vm0 =	veq.s32 @p3 v12, v13  }
0x114: {  	s9 =	sadd.s32 @p3 $0x9, s9;
	s3 =	sadd.s32 @p3 $0x1, s14;
	p0 =	por !p6, !p5;
	v10 =	vsel @p3 vm0, v14, v10  }
0x115: {  	s14 =	smov.u32 @p3 s3;
	p5 =	por !p0, !p0;
	[tilespmem:s0+$0x8C80] =	vst @p3 v10;
	v10 =	vsel @p3 vm0, s9, v11  }
0x116: {  	[tilespmem:s0+$0x9980] =	vst @p3 v10;
	s0 =	sand.u32 @p5 $0xFFFFFFF0, s14  }
0x117: {  	s3 =	sand.u32 @p5 $0xF, s14;
	v10 =	vld @p5 [tilespmem:s0+$0x8C80]  }
0x118: {  	v12 =	vmov @p5 s3;
	s3 =	spop (v2sf);
	(v2sf) =	vpush v9, $0xD;
	v11 =	vld @p5 [tilespmem:s0+$0x9980];
	_ =	sdelay $0x1  }
0x119: {  	s11 =	sadd.s32 $0xB, s17;
	v13 =	vlaneseq.u32 @p5;
	v14 =	vbroadcast @p5 v9, $0xA  }
0x11a: {  	p2 =	slt.s32 s11, s4;
	s13 =	sadd.s32 @p5 s17, s8;
	p1 =	sgt.s32 s3, $0xFFFFFFFF;
	vm0 =	veq.s32 @p5 v12, v13  }
0x11b: {  	s11 =	sadd.s32 @p5 $0xA, s13;
	s13 =	sadd.s32 @p5 $0x1, s14;
	p0 =	por !p2, !p1;
	v10 =	vsel @p5 vm0, v14, v10  }
0x11c: {  	p4 =	por !p0, !p0;
	s14 =	smov.u32 @p5 s13;
	[tilespmem:s0+$0x8C80] =	vst @p5 v10;
	v10 =	vsel @p5 vm0, s11, v11  }
0x11d: {  	s18 =	sand.u32 @p4 $0xFFFFFFF0, s14;
	[tilespmem:s0+$0x9980] =	vst @p5 v10  }
0x11e: {  	v10 =	vld @p4 [tilespmem:s18+$0x8C80]  }
0x11f: {  	v11 =	vld @p4 [tilespmem:s18+$0x9980]  }
0x120: {  	s0 =	sand.u32 @p4 $0xF, s14  }
0x121: {  	s21 =	sadd.s32 $0xC, s17;
	v13 =	vlaneseq.u32 @p4;
	s13 =	spop (v2sf);
	v14 =	vbroadcast @p4 v9, $0xB;
	v12 =	vmov @p4 s0  }
0x122: {  	p3 =	slt.s32 s21, s4;
	(v2sf) =	vpush v9, $0xE;
	p6 =	sgt.s32 s13, $0xFFFFFFFF;
	s0 =	sadd.s32 @p4 s17, s8;
	vm0 =	veq.s32 @p4 v12, v13  }
0x123: {  	s20 =	sadd.s32 @p4 $0x1, s14;
	p0 =	por !p3, !p6;
	s0 =	sadd.s32 @p4 $0xB, s0;
	v10 =	vsel @p4 vm0, v14, v10  }
0x124: {  	p3 =	por !p0, !p0;
	s14 =	smov.u32 @p4 s20;
	[tilespmem:s18+$0x8C80] =	vst @p4 v10;
	v10 =	vsel @p4 vm0, s0, v11  }
0x125: {  	s22 =	sadd.s32 $0xD, s17;
	[tilespmem:s18+$0x9980] =	vst @p4 v10;
	s18 =	sand.u32 @p3 $0xF, s14  }
0x126: {  	s25 =	sld [smem:$0x7F3];
	s21 =	sand.u32 @p3 $0xFFFFFFF0, s14;
	v12 =	vmov @p3 s18;
	s18 =	spop (v2sf)  }
0x127: {  	p2 =	slt.s32 s22, s4;
	v10 =	vld @p3 [tilespmem:s21+$0x8C80];
	p6 =	sgt.s32 s18, $0xFFFFFFFF  }
0x128: {  	s22 =	sadd.s32 @p3 $0x1, s14;
	v11 =	vld @p3 [tilespmem:s21+$0x9980];
	p0 =	por !p2, !p6  }
0x129: {  	p2 =	por !p0, !p0;
	p0 =	seq.s32 s25, $0x1;
	s25 =	sld [smem:$0x7F4]  }
0x12a: {  	s20 =	sadd.s32 @p3 s17, s8;
	v13 =	vlaneseq.u32 @p3;
	v14 =	vbroadcast @p3 v9, $0xC;
	s14 =	smov.u32 @p3 s22;
	s22 =	rddreg [dreg:$0x7]  }
0x12b: {  	s20 =	sadd.s32 @p3 $0xC, s20;
	vm0 =	veq.s32 @p3 v12, v13;
	s16 =	smov.u32 @p0 s22;
	s22 =	rddreg [dreg:$0x9]  }
0x12c: {  	v10 =	vsel @p3 vm0, v14, v10;
	s15 =	smov.u32 @p0 s22;
	p0 =	seq.s32 s25, $0x1;
	s25 =	sld [smem:$0x7F5]  }
0x12d: {  	s22 =	rddreg [dreg:$0x8];
	[tilespmem:s21+$0x8C80] =	vst @p3 v10;
	v10 =	vsel @p3 vm0, s20, v11  }
0x12e: {  	[tilespmem:s21+$0x9980] =	vst @p3 v10;
	s21 =	sand.u32 @p2 $0xFFFFFFF0, s14;
	s16 =	smov.u32 @p0 s22;
	s15 =	smov.u32 @p0 s24  }
0x12f: {  	s22 =	rddreg [dreg:$0xa];
	p0 =	seq.s32 s25, $0x1;
	s25 =	sadd.s32 $0xE, s17  }
0x130: {  	v10 =	vld @p2 [tilespmem:s21+$0x8C80];
	p6 =	slt.s32 s25, s4;
	s25 =	rddreg [dreg:$0xb]  }
0x131: {  	(v2sf) =	vpush v9, $0xF;
	v11 =	vld @p2 [tilespmem:s21+$0x9980];
	s16 =	smov.u32 @p0 s22;
	s22 =	spop (v2sf);
	[smem:$0x7F6] =	sst s0  }
0x132: {  	s0 =	sld [smem:$0x7F7];
	_ =	sdelay $0x2  }
0x133: {  	s15 =	smov.u32 @p0 s26;
	p0 =	seq.s32 s0, $0x1;
	s0 =	sld [smem:$0x7F6]  }
0x134: {  	s15 =	smov.u32 @p0 s28;
	s28 =	sld [smem:$0x7F8]  }
0x135: {  	s24 =	sand.u32 @p2 $0xF, s14;
	s26 =	sadd.s32 @p2 s17, s8;
	p1 =	sgt.s32 s22, $0xFFFFFFFF  }
0x136: {  	v13 =	vlaneseq.u32 @p2;
	v14 =	vbroadcast @p2 v9, $0xD;
	v12 =	vmov @p2 s24;
	s24 =	sadd.s32 @p2 $0xD, s26;
	s26 =	sadd.s32 @p2 $0x1, s14;
	p1 =	por !p6, !p1  }
0x137: {  	vm0 =	veq.s32 @p2 v12, v13;
	s16 =	smov.u32 @p0 s25;
	s25 =	rddreg [dreg:$0xc];
	p0 =	seq.s32 s28, $0x1  }
0x138: {  	s14 =	smov.u32 @p2 s26;
	v10 =	vsel @p2 vm0, v14, v10;
	s15 =	smov.u32 @p0 s30;
	s30 =	sld [smem:$0x7F9]  }
0x139: {  	p1 =	por !p1, !p1;
	[tilespmem:s21+$0x8C80] =	vst @p2 v10;
	v10 =	vsel @p2 vm0, s24, v11;
	s16 =	smov.u32 @p0 s25;
	s25 =	sld [smem:$0x7FA]  }
0x13a: {  	[tilespmem:s21+$0x9980] =	vst @p2 v10;
	s21 =	sand.u32 @p1 $0xFFFFFFF0, s14;
	s26 =	sld [smem:$0x7FB]  }
0x13b: {  	s28 =	sadd.s32 $0xF, s17;
	p0 =	seq.s32 s30, $0x1;
	s30 =	sld [smem:$0x7FC]  }
0x13c: {  	s16 =	smov.u32 @p0 s29;
	s15 =	smov.u32 @p0 s19;
	p0 =	seq.s32 s25, $0x1  }
0x13d: {  	s16 =	smov.u32 @p0 s31;
	s15 =	smov.u32 @p0 s10;
	p0 =	seq.s32 s26, $0x1  }
0x13e: {  	s29 =	sld [smem:$0x7FC];
	s16 =	smov.u32 @p0 s1;
	s1 =	sand.u32 @p1 $0xF, s14  }
0x13f: {  	v10 =	vld @p1 [tilespmem:s21+$0x8C80];
	s10 =	sadd.s32 @p1 s17, s8;
	s31 =	sld [smem:$0x7FD];
	v12 =	vmov @p1 s1;
	s1 =	spop (v2sf)  }
0x140: {  	v11 =	vld @p1 [tilespmem:s21+$0x9980];
	s15 =	smov.u32 @p0 s5;
	p0 =	slt.s32 s28, s4;
	p6 =	sgt.s32 s1, $0xFFFFFFFF  }
0x141: {  	s5 =	sadd.s32 @p1 $0xE, s10;
	p6 =	por !p0, !p6;
	p0 =	seq.s32 s29, $0x1  }
0x142: {  	v13 =	vlaneseq.u32 @p1;
	v14 =	vbroadcast @p1 v9, $0xE;
	s16 =	smov.u32 @p0 s2;
	p0 =	por !p6, !p6;
	p6 =	seq.s32 s30, $0x1  }
0x143: {  	s10 =	sadd.s32 @p1 $0x1, s14;
	vm0 =	veq.s32 @p1 v12, v13;
	s15 =	smov.u32 @p6 s6;
	p6 =	seq.s32 s31, $0x1  }
0x144: {  	s14 =	smov.u32 @p1 s10;
	v10 =	vsel @p1 vm0, v14, v10;
	s16 =	smov.u32 @p6 s12;
	s15 =	smov.u32 @p6 s9  }
0x145: {  	[tilespmem:s21+$0x8C80] =	vst @p1 v10;
	v10 =	vsel @p1 vm0, s5, v11;
	s2 =	sand.u32 @p0 $0xFFFFFFF0, s14;
	s16 =	smov.u32 @p5 s7;
	s15 =	smov.u32 @p5 s11  }
0x146: {  	[tilespmem:s21+$0x9980] =	vst @p1 v10;
	s16 =	smov.u32 @p4 s3;
	s15 =	smov.u32 @p4 s0;
	s0 =	sand.u32 @p0 $0xF, s14  }
0x147: {  	v10 =	vld @p0 [tilespmem:s2+$0x8C80];
	s16 =	smov.u32 @p3 s13;
	s15 =	smov.u32 @p3 s20;
	v12 =	vmov @p0 s0;
	s0 =	sadd.s32 @p0 s17, s8  }
0x148: {  	v11 =	vld @p0 [tilespmem:s2+$0x9980];
	s17 =	sadd.s32 $0x10, s17;
	s16 =	smov.u32 @p2 s18;
	s15 =	smov.u32 @p2 s24  }
0x149: {  	s16 =	smov.u32 @p1 s22;
	s15 =	smov.u32 @p1 s5;
	p1 =	sne.s32 s17, $0xC40  }
.Ltmp6:
0x14a: {  	v13 =	vlaneseq.u32 @p0;
	v9 =	vbroadcast @p0 v9, $0xF;
	(pc) =	sbr.rel @p1 .LBB2_10-.Ltmp6, $4  }
0x14b: {  	vm0 =	veq.s32 @p0 v12, v13  }
0x14c: {  	s0 =	sadd.s32 @p0 $0xF, s0;
	v9 =	vsel @p0 vm0, v9, v10  }
0x14d: {  	s16 =	smov.u32 @p0 s1;
	[tilespmem:s2+$0x8C80] =	vst @p0 v9;
	v9 =	vsel @p0 vm0, s0, v11;
	s1 =	sadd.s32 @p0 $0x1, s14  }
0x14e: {  	s23 =	sadd.s32 $0x10, s23;
	s15 =	smov.u32 @p0 s0;
	[tilespmem:s2+$0x9980] =	vst @p0 v9;
	s14 =	smov.u32 @p0 s1  }
0x14f: {  	p0 =	slt.s32 s14, $0x1  }
0x150: {  	s0 =	sand.u32 @!p0 $0x7FFFFFF0, s14  }
0x151: {  	v9 =	vld @!p0 [tilespmem:s0+$0x8C80]  }
0x152: {  	v10 =	vld @!p0 [tilespmem:s0+$0x9980]  }
0x153: {  	s1 =	sand.u32 @!p0 $0xF, s14  }
0x154: {  	v12 =	vlaneseq.u32 @!p0;
	v11 =	vmov @!p0 s1  }
0x155: {  	vm0 =	vgt.u32 @!p0 v11, v12  }
0x156: {  	v9 =	vnsel @!p0 vm0, s16, v9  }
0x157: {  	[tilespmem:s0+$0x8C80] =	vst @!p0 v9;
	v9 =	vnsel @!p0 vm0, s15, v10  }
0x158: {  	v10 =	vmov @!p0 s16;
	[tilespmem:s0+$0x9980] =	vst @!p0 v9  }
0x159: {  	[tilespmem:s0+$0x8C90] =	vst @!p0 v10  }
0x15a: {  	[tilespmem:s0+$0x8CA0] =	vst @!p0 v10  }
0x15b: {  	[tilespmem:s0+$0x8CB0] =	vst @!p0 v10  }
0x15c: {  	v9 =	vmov @!p0 s15;
	[tilespmem:s0+$0x8CC0] =	vst @!p0 v10  }
0x15d: {  	[tilespmem:s0+$0x9990] =	vst @!p0 v9  }
0x15e: {  	[tilespmem:s0+$0x99A0] =	vst @!p0 v9  }
0x15f: {  	[tilespmem:s0+$0x99B0] =	vst @!p0 v9  }
0x160: {  	s9 =	simm.s32 $0x0;
	[tilespmem:s0+$0x99C0] =	vst @!p0 v9;
	v9 =	vmov s14  }
0x161: {  	s25 =	rddreg [dreg:$0x3];
	s26 =	simm.s32 $0x8C80;
	s28 =	simm.s32 $0x2;
	[tilespmem:$0x9928] =	vst v9  }
0x162: {  	[hbm4b:s25+s9] =	stream.linear.scatter [tilespmem:s26], [sflag:$0x2], $0xCB8, $0x38;
	[tilespmem:$0xA680] =	vst v63  }
0x163: {  	_ =	swait.ge [sflag:s28], $0xCB8  }
0x164: {  	[sflag:s28] =	ssyncset.done $0x0  }
0x165: {  	s2 =	simm.s32 $0x9980;
	s29 =	rddreg [dreg:$0x4];
	[sflag:s28] =	ssyncadd.s32 $0xFFFFF348  }
0x166: {  	[hbm4b:s29+s9] =	stream.linear.scatter [tilespmem:s2], [sflag:$0x2], $0xCB8, $0x38;
	[tilespmem:$0xA680] =	vst v63  }
0x167: {  	_ =	swait.ge [sflag:s28], $0xCB8  }
0x168: {  	s30 =	rddreg [dreg:$0x6]  }
0x169: {  	s31 =	rddreg [dreg:$0x5];
	s2 =	sadd.s32 $0x1, s30  }
0x16a: {  	p0 =	sne.s32 s2, s31  }
.Ltmp7:
0x16b: {  	_ = 	snop;
	(pc) =	sbr.rel @p0 .LBB2_1-.Ltmp7, $3  }
0x16c: {  	_ =	sdelay $0x1  }
0x16d: {  	[sflag:s28] =	ssyncset.done $0x0  }
0x16e: {  	[sflag:s28] =	ssyncadd.s32 $0xFFFFF348  }
0x16f: {  	_ =	sfence.sel $0x180000  }
0x170: {  	[bflag:$0x0] =	sbarrier.arrive $0xFFFF  }
0x171: {  	_ =	strace $0x90000047  }
0x172: {  	s0 =	stileid.u32;
	[bflag:$0x2] =	sbarrier.arrive $0xFFFF  }
0x173: {  	p0 =	sne.s32 s0, $0x0;
	s0 =	rddreg [dreg:$0x2]  }
0x174: {  	s0 =	sadd.s32 @!p0 $0x100000, s0  }
0x175: {  	[sflag:s0] =	ssyncadd.tile.s32 @!p0 $0x1;
	_ =	shalt  }
.Lfunc_end2:
_tile_overlayer_lowered:
.L_overlay_start_2:
0x176: {  	(tag) =	ssettag $0x2  }
0x177: {  	s0 =	rddreg [dreg:$0x0];
	s2 =	stileid.u32  }
0x178: {  	s1 =	rddreg [dreg:$0x1];
	p0 =	sne.s32 s2, $0x0  }
0x179: {  	s3 =	rddreg [dreg:$0x2];
	[bflag:$0x3] =	sbarrier.arrive $0xFFFF;
	s2 =	simm.s32 @!p0 $0x1C03  }
0x17a: {  	[timem:s3], [sflag:s2] =	dma.local @!p0 [hbm:s0], s1  }
0x17b: {  	s0 =	simm.s32 @!p0 $0x3  }
0x17c: {  	_ =	swait.ge @!p0 [sflag:s0], s1  }
0x17d: {  	s1 =	ssub.s32 @!p0 $0x0, s1;
	[sflag:s0] =	ssyncset.done @!p0 $0x0  }
0x17e: {  	[sflag:s0] =	ssyncadd.s32 @!p0 s1  }
0x17f: {  	[bflag:$0x3] =	sbarrier.arrive $0xFFFF  }
0x180: {  	_ =	shalt  }

// kernel: _scatter_overwrite.7.cloned.1.call-start
scs
__scs_entry_jumppad:
0x0: {  	(pc) =	sbr.rel $0x88, $3  }
0x1: {  	(tag) =	ssettag $0x0;
	lr =	simm.s32 $0x1  }
0x2: {  	[smem:$0x3F9E] =	sst lr;
	_ =	strace $0xD0000000  }
0x3: {  	_ = 	snop  }
0x4: {  	_ = 	snop  }
0x5: {  	_ = 	snop  }
0x6: {  	_ = 	snop  }
0x7: {  	_ = 	snop  }
__scs_overlays_trampoline_lowered:
0x8: {  	[smem:$0x3FAD] =	sst s0  }
0x9: {  	[smem:$0x3FAE] =	sst s1  }
0xa: {  	[smem:$0x3FAF] =	sst s2  }
0xb: {  	[smem:$0x3FB0] =	sst s3  }
0xc: {  	[smem:$0x3FB1] =	sst s4  }
0xd: {  	[smem:$0x3FB2] =	sst s5  }
0xe: {  	[smem:$0x3FB3] =	sst s6  }
0xf: {  	[smem:$0x3FB4] =	sst s7  }
0x10: {  	[smem:$0x3FB5] =	sst s8  }
0x11: {  	[smem:$0x3FB6] =	sst s9;
	s0 =	simm.s32 @!p0 $0x0  }
0x12: {  	s1 =	sld [smem:$0x3F9C];
	s0 =	simm.s32 @p0 $0x1  }
0x13: {  	[smem:$0x3FB7] =	sst s0;
	s0 =	simm.s32 @!p1 $0x0  }
0x14: {  	s2 =	sld [smem:$0x3F9B];
	s0 =	simm.s32 @p1 $0x1  }
0x15: {  	[smem:$0x3FB8] =	sst s0;
	s0 =	simm.s32 @!p2 $0x0  }
0x16: {  	s3 =	sld [smem:$0x3FDB];
	s0 =	simm.s32 @p2 $0x1  }
0x17: {  	s4 =	simm.s32 $0x1BF5;
	[smem:$0x3FBA] =	sst s0  }
0x18: {  	s0 =	sld [smem:$0x3F9D];
	_ =	swait.ge [sflag:s4], $0x0  }
0x19: {  	s7 =	sld [smem:$0x3F9E]  }
0x1a: {  	s8 =	sadd.s32 $0xFFFFE003, lr  }
0x1b: {  	s9 =	sadd.s32 $0xFFFFFEF7, lr;
	s5 =	simm.s32 $0xFFFFFFFF;
	p2 =	slt.u32 s8, $0xFFFFF086  }
0x1c: {  	p1 =	slt.u32 s9, $0xF7A;
	s5 =	simm.s32 @!p2 $0x0  }
0x1d: {  	s5 =	simm.s32 @p1 $0x1;
	p0 =	seq.s32 s7, s2  }
0x1e: {  	s7 =	smul.u32 @!p0 $0xF7A, s2;
	p2 =	seq.s32 @!p0 s5, $0x0  }
0x1f: {  	s9 =	smul.u32 $0xF7A, s1;
	s8 =	simm.s32 @!p0 $0x1BF5;
	p2 =	por !p2, p0  }
0x20: {  	[sflag:s8] =	ssyncset.s32 @!p0 $0xFFFFF086;
	s6 =	sadd.s32 @!p0 s3, s7;
	s7 =	simm.s32 @!p0 $0x108  }
0x21: {  	s3 =	sadd.s32 s3, s9;
	s6 =	sadd.s32 @!p0 $0x88, s6;
	s7 =	simm.s32 @p2 $0x1082  }
0x22: {  	[simem:s7], [sflag:s8] =	dma.local @!p0 [hbm:s6], $0xF7A  }
0x23: {  	s9 =	sor.u32 $0xD0000000, s2;
	s6 =	simm.s32 $0x108;
	_ =	swait.ge @!p0 [sflag:s8], $0x0  }
0x24: {  	s3 =	sadd.s32 $0x88, s3;
	s6 =	simm.s32 @!p1 $0x1082;
	[sflag:s4] =	ssyncset.s32 $0xFFFFF086  }
0x25: {  	[simem:s6], [sflag:s4] =	dma.local [hbm:s3], $0xF7A  }
0x26: {  	[smem:$0x3F9E] =	sst s1;
	(tag) =	ssettag s2;
	_ =	strace s9  }
0x27: {  	s1 =	sld [smem:$0x3FAE]  }
0x28: {  	s2 =	sld [smem:$0x3FAF]  }
0x29: {  	s4 =	sld [smem:$0x3FB1]  }
0x2a: {  	p0 =	seq.s32 s5, $0x0;
	s5 =	sld [smem:$0x3FB2]  }
0x2b: {  	s6 =	sld [smem:$0x3FB3]  }
0x2c: {  	s7 =	sld [smem:$0x3FB4]  }
0x2d: {  	s3 =	simm.s32 $0x108;
	s8 =	sld [smem:$0x3FB5]  }
0x2e: {  	s3 =	simm.s32 @!p0 $0x1082;
	s9 =	sld [smem:$0x3FB6]  }
0x2f: {  	lr =	sadd.s32 s0, s3;
	s0 =	sld [smem:$0x3FAD]  }
0x30: {  	s3 =	sld [smem:$0x3FB0]  }
0x31: {  	[smem:$0x3FB9] =	sst s10  }
0x32: {  	s10 =	sld [smem:$0x3FB7];
	_ =	sdelay $0x3  }
0x33: {  	p0 =	seq.s32 s10, $0x1;
	s10 =	sld [smem:$0x3FB9];
	_ =	sdelay $0x3  }
0x34: {  	[smem:$0x3FB9] =	sst s10  }
0x35: {  	s10 =	sld [smem:$0x3FB8];
	_ =	sdelay $0x3  }
0x36: {  	p1 =	seq.s32 s10, $0x1;
	s10 =	sld [smem:$0x3FB9];
	_ =	sdelay $0x3  }
0x37: {  	[smem:$0x3FB9] =	sst s10  }
0x38: {  	s10 =	sld [smem:$0x3FBA]  }
0x39: {  	_ = 	snop;
	(pc) =	sbr.ind lr, $3  }
0x3a: {  	_ = 	snop  }
0x3b: {  	_ = 	snop  }
0x3c: {  	p2 =	seq.s32 s10, $0x1;
	s10 =	sld [smem:$0x3FB9]  }
0x3d: {  	_ =	shalt  }
0x3e: {  	_ =	shalt  }
0x3f: {  	_ =	shalt  }
0x40: {  	_ =	shalt  }
0x41: {  	_ =	shalt  }
0x42: {  	_ =	shalt  }
0x43: {  	_ =	shalt  }
0x44: {  	_ =	shalt  }
0x45: {  	_ =	shalt  }
0x46: {  	_ =	shalt  }
0x47: {  	_ =	shalt  }
0x48: {  	_ =	shalt  }
0x49: {  	_ =	shalt  }
0x4a: {  	_ =	shalt  }
0x4b: {  	_ =	shalt  }
0x4c: {  	_ =	shalt  }
0x4d: {  	_ =	shalt  }
0x4e: {  	_ =	shalt  }
0x4f: {  	_ =	shalt  }
0x50: {  	_ =	shalt  }
0x51: {  	_ =	shalt  }
0x52: {  	_ =	shalt  }
0x53: {  	_ =	shalt  }
0x54: {  	_ =	shalt  }
0x55: {  	_ =	shalt  }
0x56: {  	_ =	shalt  }
0x57: {  	_ =	shalt  }
0x58: {  	_ =	shalt  }
0x59: {  	_ =	shalt  }
0x5a: {  	_ =	shalt  }
0x5b: {  	_ =	shalt  }
0x5c: {  	_ =	shalt  }
0x5d: {  	_ =	shalt  }
0x5e: {  	_ =	shalt  }
0x5f: {  	_ =	shalt  }
0x60: {  	_ =	shalt  }
0x61: {  	_ =	shalt  }
0x62: {  	_ =	shalt  }
0x63: {  	_ =	shalt  }
0x64: {  	_ =	shalt  }
0x65: {  	_ =	shalt  }
0x66: {  	_ =	shalt  }
0x67: {  	_ =	shalt  }
0x68: {  	_ =	shalt  }
0x69: {  	_ =	shalt  }
0x6a: {  	_ =	shalt  }
0x6b: {  	_ =	shalt  }
0x6c: {  	_ =	shalt  }
0x6d: {  	_ =	shalt  }
0x6e: {  	_ =	shalt  }
0x6f: {  	_ =	shalt  }
0x70: {  	_ =	shalt  }
0x71: {  	_ =	shalt  }
0x72: {  	_ =	shalt  }
0x73: {  	_ =	shalt  }
0x74: {  	_ =	shalt  }
0x75: {  	_ =	shalt  }
0x76: {  	_ =	shalt  }
0x77: {  	_ =	shalt  }
0x78: {  	_ =	shalt  }
0x79: {  	_ =	shalt  }
0x7a: {  	_ =	shalt  }
0x7b: {  	_ =	shalt  }
0x7c: {  	_ =	shalt  }
0x7d: {  	_ =	shalt  }
0x7e: {  	_ =	shalt  }
0x7f: {  	_ =	shalt  }
0x80: {  	_ =	shalt  }
0x81: {  	_ =	shalt  }
0x82: {  	_ =	shalt  }
0x83: {  	_ =	shalt  }
0x84: {  	_ =	shalt  }
0x85: {  	_ =	shalt  }
0x86: {  	_ =	shalt  }
0x87: {  	_ =	shalt  }
.Lfunc_end0:
.L_simem_size_0:
called_computation.1_lowered:
.L_overlay_start_0:
0x88: {  	s2 =	sld [smem:$0x3FD9]  }
0x89: {  	s3 =	sld [smem:$0x3FFE];
	_ =	sdelay $0x1  }
0x8a: {  	s1 =	srdreg.scid  }
0x8b: {  	s0 =	sand.u32 $0x1, s1  }
0x8c: {  	s17 =	sshll.u32 s0, $0xA;
	s2 =	sadd.s32 s3, s2  }
0x8d: {  	s2 =	sadd.s32 s2, s17  }
0x8e: {  	[smem:$0x3FC5] =	sst s2  }
0x8f: {  	_ = 	snop  }
0x90: {  	s2 =	sld [smem:$0x3FD0];
	(tm) =	ssettm $0x1  }
0x91: {  	s18 =	sld [smem:$0x3FFB];
	_ =	sdelay $0x3  }
0x92: {  	_ =	strace s18  }
0x93: {  	s3 =	sld [smem:$0x3FFC];
	_ =	sdelay $0x3  }
0x94: {  	_ =	strace s3  }
0x95: {  	s3 =	sld [smem:$0x3FFD];
	_ =	sdelay $0x3  }
0x96: {  	_ =	strace s3  }
0x97: {  	_ =	strace $0x8FFFFFFF  }
0x98: {  	s19 =	sld [smem:$0x3FDB];
	_ =	sdelay $0x1  }
0x99: {  	s4 =	simm.s32 $_scs_section_size  }
0x9a: {  	s5 =	simm.s32 $_size__tile_overlayer_lowered;
	s6 =	simm.s32 $_tile_overlayer_lowered  }
0x9b: {  	s22 =	simm.s32 $0x1BFF;
	s21 =	sshll.u32 s6, $0x1;
	s3 =	sadd.s32 s4, s19  }
0x9c: {  	s7 =	simm.s32 $0x0;
	s20 =	sshll.u32 s5, $0x1;
	s5 =	sadd.s32 s21, s3  }
0x9d: {  	[timem:s7], [sflag:s22] =	dma.local [hbm:s5], s20  }
0x9e: {  	_ =	swait.ge [sflag:s22], s20  }
0x9f: {  	s4 =	ssub.s32 $0x0, s20;
	[sflag:s22] =	ssyncset.done $0x0  }
0xa0: {  	[sflag:s22] =	ssyncadd.s32 s4;
	_ =	sdelay $0x1  }
0xa1: {  	s23 =	simm.s32 $0x1B8B  }
0xa2: {  	_ =	swait.ge [sflag:s23], $0x1  }
0xa3: {  	[sflag:s23] =	ssyncset.done $0x0  }
0xa4: {  	s25 =	simm.s32 $0x1B8E;
	s24 =	sld [smem:$0x3FFE];
	[sflag:s23] =	ssyncadd.s32 $0xFFFFFFFF  }
0xa5: {  	s26 =	simm.s32 $execute0_lowered;
	[smem:$0x3FD2] =	sst s25  }
0xa6: {  	s5 =	sshll.u32 s26, $0x1;
	_ =	strace $0x80000049;
	[dreg:$0x1] =	wrdreg $0xFFFFFFFF  }
0xa7: {  	s28 =	simm.s32 $_size_execute0_lowered;
	s3 =	sadd.s32 s3, s5;
	[dreg:$0x0] =	wrdreg $0x0  }
0xa8: {  	s5 =	sshll.u32 s28, $0x1;
	[dreg:$0x2] =	wrdreg s3  }
0xa9: {  	[dreg:$0x3] =	wrdreg s5  }
0xaa: {  	[dreg:$0x4] =	wrdreg $0xC0  }
0xab: {  	_ =	task [dreg:s7], $0x5FFFF  }
0xac: {  	[dreg:$0x1] =	wrdreg $0xFFFFFFFF  }
0xad: {  	[dreg:$0x0] =	wrdreg $0x60  }
0xae: {  	[dreg:$0x2] =	wrdreg s24  }
0xaf: {  	[dreg:$0x3] =	wrdreg s2  }
0xb0: {  	[dreg:$0x4] =	wrdreg $0x9  }
0xb1: {  	_ =	task.clear_ibuf [dreg:s7], $0x5FFFF;
	_ =	strace $0x90000049  }
0xb2: {  	s29 =	simm.s32 $0x9;
	_ =	strace $0x8000004B  }
0xb3: {  	_ =	swait.ge [sflag:s29], $0x1  }
0xb4: {  	[sflag:s29] =	ssyncadd.s32 $0xFFFFFFFF  }
0xb5: {  	_ =	strace $0x9000004B  }
0xb6: {  	_ =	sfence  }
0xb7: {  	s30 =	sld [smem:$0x0];
	_ =	sdelay $0x2  }
0xb8: {  	s31 =	sshll.u32 s1, $0xD;
	s1 =	sshrl.u32 s1, $0x2  }
0xb9: {  	s3 =	sand.u32 $0x4000, s31;
	s1 =	sadd.s32 s1, s30  }
0xba: {  	s0 =	sor.u32 s3, s0;
	s1 =	sshll.u32 s1, $0x11  }
0xbb: {  	s0 =	sor.u32 s1, s0  }
0xbc: {  	s0 =	sadd.s32 $0x8F2B, s0  }
0xbd: {  	[sflag:s0] =	ssyncadd.remote.s32 $0x1  }
0xbe: {  	_ =	sfence.sel $0xFFFF  }
0xbf: {  	[dreg:$0x0] =	wrdreg $0xFFFFFFFF;
	(pc) =	sbr.abs _section_cstart, $3  }
0xc0: {  	[dreg:$0x1] =	wrdreg $0xFFFFFFFF  }
0xc1: {  	_ =	task.clear_ibuf [dreg:s7], $0x2FFFF;
	_ =	strace $0x9FFFFFFF  }
0xc2: {  	(tm) =	ssettm $0x7FFFFFFF  }
0xc3: {  	_ =	shalt  }
tec
execute0_lowered:
.L_overlay_start_1:
0x0: {  	(tag) =	ssettag $0x1  }
0x1: {  	s0 =	rddreg [dreg:$0x0];
	s1 =	srdreg.scid  }
0x2: {  	s3 =	stileid.u32;
	s2 =	rddreg [dreg:$0x1]  }
0x3: {  	s9 =	simm.s32 $0x5;
	s11 =	simm.s32 $0x1;
	s12 =	simm.s32 $0x800  }
0x4: {  	s13 =	simm.s32 $0x1000;
	s14 =	simm.s32 $0x1800;
	s15 =	simm.s32 $0x2000  }
0x5: {  	s16 =	simm.s32 $0x2800;
	s17 =	simm.s32 $0x3000;
	s18 =	simm.s32 $0x3800  }
0x6: {  	s19 =	simm.s32 $0x4000;
	s20 =	simm.s32 $0x4800;
	s21 =	simm.s32 $0x5000  }
0x7: {  	s22 =	simm.s32 $0x5800;
	s1 =	sand.u32 $0x1, s1;
	s4 =	sshll.u32 s3, $0x1  }
0x8: {  	s23 =	simm.s32 $0x6000;
	s24 =	simm.s32 $0x6800;
	s4 =	sor.u32 s1, s4  }
0x9: {  	s25 =	simm.s32 $0x7000;
	s26 =	simm.s32 $0x7800;
	s5 =	smul.u32 $0x197, s4  }
.Ltmp0:
0xa: {  	s28 =	simm.s32 $0x2;
	s3 =	simm.s32 $0x0;
	(pc) =	sbr.rel .LBB2_1-.Ltmp0, $4  }
0xb: {  	s29 =	simm.s32 $0x0;
	[smem:$0x7FF] =	sst s3;
	s1 =	ssub.s32 $0x2, s1  }
0xc: {  	v2 =	vlaneseq.u32;
	s6 =	sshrl.u32 s1, $0x1;
	s4 =	sadd.s32 $0x7400, s0;
	s0 =	sadd.s32 s5, s0  }
0xd: {  	vm0 =	vmmov $0xffff;
	v1 =	vshrl.u32 v2, $0x3;
	_ =	strace $0x8000004A;
	s1 =	ssub.s32 s1, s6;
	s5 =	sadd.s32 $0xC00, s0  }
0xe: {  	v0 =	vand.u32 $0x7, v2;
	v2 =	vor.u32 $0x8, v2;
	v1 =	vmul.u32 $0x8, v1;
	s7 =	smax.u32 s1, $0x1;
	s6 =	sadd.s32 $0x4000, s0;
	[dreg:$0x3] =	wrdreg s5  }
.LBB2_8:
0xf: {  	p0 =	slt.s32 s30, $0x1  }
0x10: {  	s0 =	simm.s32 @!p0 $0x3  }
0x11: {  	_ =	swait.ge @!p0 [sflag:s0], $0x4000  }
0x12: {  	s29 =	sadd.s32 $0x1, s29;
	p1 =	seq.s32 @!p0 s30, $0x1;
	[sflag:s0] =	ssyncset.done @!p0 $0x0  }
0x13: {  	p1 =	por p1, p0;
	[sflag:s0] =	ssyncadd.s32 @!p0 $0xFFFFC000;
	p0 =	sne.s32 s29, s7  }
.Ltmp1:
0x14: {  	_ = 	snop;
	(pc) =	sbr.rel @!p0 .LBB2_9-.Ltmp1, $4  }
0x15: {  	s0 =	simm.s32 @!p1 $0x4  }
0x16: {  	_ =	swait.ge @!p1 [sflag:s0], $0x4000  }
0x17: {  	[sflag:s0] =	ssyncset.done @!p1 $0x0  }
0x18: {  	[sflag:s0] =	ssyncadd.s32 @!p1 $0xFFFFC000  }
.LBB2_1:
0x19: {  	s0 =	rddreg [dreg:$0x3];
	s1 =	simm.s32 $0x8000  }
0x1a: {  	[tilespmem:s1], [sflag:$0x5] =	stream.linear.gather [hbm4b:s0+s3], $0xCB8, $0x38;
	[tilespmem:$0x9C00] =	vst v63  }
0x1b: {  	_ =	swait.ge [sflag:s9], $0xCB8  }
0x1c: {  	[sflag:s9] =	ssyncset.done $0x0  }
0x1d: {  	s5 =	simm.s32 $0x8D00;
	[sflag:s9] =	ssyncadd.s32 $0xFFFFF348  }
0x1e: {  	[tilespmem:s5], [sflag:$0x5] =	stream.linear.gather [hbm4b:s6+s3], $0xCB8, $0x38;
	[tilespmem:$0x9C00] =	vst v63  }
0x1f: {  	_ =	swait.ge [sflag:s9], $0xCB8  }
0x20: {  	[sflag:s9] =	ssyncset.done $0x0  }
0x21: {  	[sflag:s9] =	ssyncadd.s32 $0xFFFFF348  }
0x22: {  	v3 =	vld [tilespmem:$0x8CA8];
	_ =	sdelay $0x4  }
0x23: {  	(v2sf) =	vpush v3, $0x0;
	_ =	sdelay $0xe  }
0x24: {  	s8 =	spop (v2sf)  }
0x25: {  	s0 =	sadd.s32 $0x3F, s8  }
0x26: {  	s10 =	sand.u32 $0x3F, s0  }
0x27: {  	s8 =	sshra.s32 s0, $0x1F;
	p0 =	slt.s32 s0, $0x1;
	p1 =	sne.s32 s10, $0x0  }
0x28: {  	s5 =	sshrl.u32 s8, $0x1A;
	p0 =	por !p0, !p1  }
0x29: {  	s1 =	simm.s32 $0x1;
	s0 =	sadd.s32 s5, s0;
	p0 =	por !p0, !p0  }
0x2a: {  	s0 =	sshra.s32 s0, $0x6;
	s1 =	simm.s32 @!p0 $0x0  }
0x2b: {  	s30 =	ssub.s32 s0, s1  }
0x2c: {  	s0 =	sadd.s32 $0x1, s30  }
0x2d: {  	s8 =	sand.u32 $0x1, s0  }
0x2e: {  	p5 =	slt.s32 s30, $0x0;
	p6 =	seq.s32 s8, $0x1  }
0x2f: {  	s10 =	sshrl.u32 s0, $0x1F;
	p0 =	por !p5, !p6  }
0x30: {  	s1 =	simm.s32 $0x1;
	s0 =	sadd.s32 s10, s0;
	p0 =	por !p0, !p0  }
0x31: {  	s0 =	sshra.s32 s0, $0x1;
	s1 =	simm.s32 @!p0 $0x0  }
0x32: {  	s31 =	ssub.s32 s0, s1  }
0x33: {  	p0 =	slt.s32 s31, $0x1  }
.Ltmp2:
0x34: {  	_ = 	snop;
	(pc) =	sbr.rel @p0 .LBB2_8-.Ltmp2, $1  }
0x35: {  	_ =	sdelay $0x3  }
.Ltmp3:
0x36: {  	(pc) =	sbr.rel .LBB2_3-.Ltmp3, $3  }
0x37: {  	_ =	sdelay $0x1  }
0x38: {  	s1 =	simm.s32 $0x40  }
0x39: {  	s0 =	simm.s32 $0x8D20;
	s8 =	simm.s32 $0x8020;
	s10 =	simm.s32 $0x0  }
.LBB2_7:
0x3a: {  	s31 =	sadd.s32 $0xFFFFFFFF, s31  }
0x3b: {  	p0 =	sne.s32 s31, $0x0  }
.Ltmp4:
0x3c: {  	_ = 	snop;
	(pc) =	sbr.rel @!p0 .LBB2_8-.Ltmp4, $3  }
0x3d: {  	_ =	sdelay $0x1  }
0x3e: {  	s10 =	sadd.s32 $0x2, s10  }
0x3f: {  	s1 =	sadd.s32 $0x80, s1;
	s0 =	sadd.s32 $0x80, s0;
	s8 =	sadd.s32 $0x80, s8  }
.LBB2_3:
0x40: {  	p1 =	sge.s32 s10, s30  }
.Ltmp5:
0x41: {  	_ = 	snop;
	(pc) =	sbr.rel @p1 .LBB2_5-.Ltmp5, $2  }
0x42: {  	_ =	sdelay $0x2  }
0x43: {  	p0 =	seq.s32 s10, $0x0  }
0x44: {  	s5 =	simm.s32 @!p0 $0x3  }
0x45: {  	_ =	swait.ge @!p0 [sflag:s5], $0x4000  }
0x46: {  	[sflag:s5] =	ssyncset.done @!p0 $0x0  }
0x47: {  	[sflag:s5] =	ssyncadd.s32 @!p0 $0xFFFFC000  }
0x48: {  	v3 =	vld [tilespmem:s8+$0xFFFFFFE0];
	_ =	sdelay $0x4  }
0x49: {  	[tilespmem:$0x9A00] =	vst v3  }
0x4a: {  	v3 =	vld [tilespmem:s0+$0xFFFFFFE0];
	_ =	sdelay $0x4  }
0x4b: {  	[tilespmem:$0x9B00] =	vst v3  }
0x4c: {  	v3 =	vld [tilespmem:s8+$0xFFFFFFF0];
	_ =	sdelay $0x4  }
0x4d: {  	[tilespmem:$0x9A10] =	vst v3  }
0x4e: {  	v3 =	vld [tilespmem:s0+$0xFFFFFFF0];
	_ =	sdelay $0x4  }
0x4f: {  	[tilespmem:$0x9B10] =	vst v3  }
0x50: {  	v3 =	vld [tilespmem:s8+$0x0];
	_ =	sdelay $0x4  }
0x51: {  	[tilespmem:$0x9A20] =	vst v3  }
0x52: {  	v3 =	vld [tilespmem:s0+$0x0];
	_ =	sdelay $0x2  }
0x53: {  	v4 =	vld [tilespmem:$0x9A00];
	_ =	sdelay $0x1  }
0x54: {  	[tilespmem:$0x9B20] =	vst v3  }
0x55: {  	v3 =	vld [tilespmem:s8+$0x10];
	_ =	sdelay $0x1  }
0x56: {  	v5 =	vshll.u32 v4, $0x1  }
0x57: {  	v4 =	vand.u32 $0x7, v4;
	v5 =	vand.u32 $0xFFFFFFF0, v5  }
0x58: {  	v4 =	vor.u32 v4, v5  }
0x59: {  	[tilespmem:$0x9A30] =	vst v3;
	v3 =	vperm.xlane v4, v0  }
0x5a: {  	v56 =	vld [tilespmem:s0+$0x10]  }
0x5b: {  	v4 =	vperm.xlane v4, v2;
	v3 =	vadd.s32 v1, v3;
	_ =	sdelay $0x1  }
0x5c: {  	v4 =	vadd.s32 v1, v4;
	_ =	sdelay $0x1  }
0x5d: {  	[tilespmem:$0x9B30] =	vst v56  }
0x5e: {  	[tilespmem:s3], [sflag:$0x1] =	stream.indirect_vreg.gather [hbm4b:s2+s3], $0x80, v3, vm0, $0xb8;
	[tilespmem:$0x9C00] =	vst v63  }
0x5f: {  	_ = 	snop  }
0x60: {  	[tilespmem:s12], [sflag:$0x1] =	stream.indirect_vreg.gather [hbm4b:s2+s3], $0x80, v4, vm0, $0xb8;
	[tilespmem:$0x9C00] =	vst v63  }
0x61: {  	v3 =	vld [tilespmem:$0x9A10];
	_ =	sdelay $0x4  }
0x62: {  	v57 =	vshll.u32 v3, $0x1  }
0x63: {  	v3 =	vand.u32 $0x7, v3;
	v4 =	vand.u32 $0xFFFFFFF0, v57  }
0x64: {  	v3 =	vor.u32 v3, v4  }
0x65: {  	v4 =	vperm.xlane v3, v0;
	_ =	sdelay $0x1  }
0x66: {  	v3 =	vperm.xlane v3, v2;
	v4 =	vadd.s32 v1, v4;
	_ =	sdelay $0x1  }
0x67: {  	v3 =	vadd.s32 v1, v3;
	_ =	sdelay $0x2  }
0x68: {  	[tilespmem:s13], [sflag:$0x1] =	stream.indirect_vreg.gather [hbm4b:s2+s3], $0x80, v4, vm0, $0xb8;
	[tilespmem:$0x9C00] =	vst v63  }
0x69: {  	_ = 	snop  }
0x6a: {  	[tilespmem:s14], [sflag:$0x1] =	stream.indirect_vreg.gather [hbm4b:s2+s3], $0x80, v3, vm0, $0xb8;
	[tilespmem:$0x9C00] =	vst v63  }
0x6b: {  	v3 =	vld [tilespmem:$0x9A20];
	_ =	sdelay $0x4  }
0x6c: {  	v58 =	vshll.u32 v3, $0x1  }
0x6d: {  	v3 =	vand.u32 $0x7, v3;
	v4 =	vand.u32 $0xFFFFFFF0, v58  }
0x6e: {  	v3 =	vor.u32 v3, v4  }
0x6f: {  	v4 =	vperm.xlane v3, v0;
	_ =	sdelay $0x1  }
0x70: {  	v3 =	vperm.xlane v3, v2;
	v4 =	vadd.s32 v1, v4;
	_ =	sdelay $0x1  }
0x71: {  	v3 =	vadd.s32 v1, v3;
	_ =	sdelay $0x2  }
0x72: {  	[tilespmem:s15], [sflag:$0x1] =	stream.indirect_vreg.gather [hbm4b:s2+s3], $0x80, v4, vm0, $0xb8;
	[tilespmem:$0x9C00] =	vst v63  }
0x73: {  	_ = 	snop  }
0x74: {  	[tilespmem:s16], [sflag:$0x1] =	stream.indirect_vreg.gather [hbm4b:s2+s3], $0x80, v3, vm0, $0xb8;
	[tilespmem:$0x9C00] =	vst v63  }
0x75: {  	v3 =	vld [tilespmem:$0x9A30];
	_ =	sdelay $0x4  }
0x76: {  	v59 =	vshll.u32 v3, $0x1  }
0x77: {  	v3 =	vand.u32 $0x7, v3;
	v4 =	vand.u32 $0xFFFFFFF0, v59  }
0x78: {  	v3 =	vor.u32 v3, v4  }
0x79: {  	v4 =	vperm.xlane v3, v0;
	_ =	sdelay $0x1  }
0x7a: {  	v3 =	vperm.xlane v3, v2;
	v4 =	vadd.s32 v1, v4;
	_ =	sdelay $0x1  }
0x7b: {  	v3 =	vadd.s32 v1, v3;
	_ =	sdelay $0x2  }
0x7c: {  	[tilespmem:s17], [sflag:$0x1] =	stream.indirect_vreg.gather [hbm4b:s2+s3], $0x80, v4, vm0, $0xb8;
	[tilespmem:$0x9C00] =	vst v63  }
0x7d: {  	_ = 	snop  }
0x7e: {  	[tilespmem:s18], [sflag:$0x1] =	stream.indirect_vreg.gather [hbm4b:s2+s3], $0x80, v3, vm0, $0xb8;
	[tilespmem:$0x9C00] =	vst v63  }
0x7f: {  	_ =	swait.ge [sflag:s11], $0x4000  }
0x80: {  	[sflag:s11] =	ssyncset.done $0x0  }
0x81: {  	[sflag:s11] =	ssyncadd.s32 $0xFFFFC000  }
0x82: {  	v3 =	vld [tilespmem:$0x9B00];
	_ =	sdelay $0x4  }
0x83: {  	v60 =	vshll.u32 v3, $0x1  }
0x84: {  	v3 =	vand.u32 $0x7, v3;
	v4 =	vand.u32 $0xFFFFFFF0, v60  }
0x85: {  	v3 =	vor.u32 v3, v4  }
0x86: {  	v4 =	vperm.xlane v3, v0;
	_ =	sdelay $0x1  }
0x87: {  	v3 =	vperm.xlane v3, v2;
	v4 =	vadd.s32 v1, v4;
	_ =	sdelay $0x1  }
0x88: {  	v3 =	vadd.s32 v1, v3;
	_ =	sdelay $0x2  }
0x89: {  	[hbm4b:s4+s3] =	stream.indirect_vreg.scatter [tilespmem:s3], [sflag:$0x3], $0x80, v4, vm0, $0xb8;
	[tilespmem:$0x9C00] =	vst v63  }
0x8a: {  	_ = 	snop  }
0x8b: {  	[hbm4b:s4+s3] =	stream.indirect_vreg.scatter [tilespmem:s12], [sflag:$0x3], $0x80, v3, vm0, $0xb8;
	[tilespmem:$0x9C00] =	vst v63  }
0x8c: {  	v3 =	vld [tilespmem:$0x9B10];
	_ =	sdelay $0x4  }
0x8d: {  	v61 =	vshll.u32 v3, $0x1  }
0x8e: {  	v3 =	vand.u32 $0x7, v3;
	v4 =	vand.u32 $0xFFFFFFF0, v61  }
0x8f: {  	v3 =	vor.u32 v3, v4  }
0x90: {  	v4 =	vperm.xlane v3, v0;
	_ =	sdelay $0x1  }
0x91: {  	v3 =	vperm.xlane v3, v2;
	v4 =	vadd.s32 v1, v4;
	_ =	sdelay $0x1  }
0x92: {  	v3 =	vadd.s32 v1, v3;
	_ =	sdelay $0x2  }
0x93: {  	[hbm4b:s4+s3] =	stream.indirect_vreg.scatter [tilespmem:s13], [sflag:$0x3], $0x80, v4, vm0, $0xb8;
	[tilespmem:$0x9C00] =	vst v63  }
0x94: {  	_ = 	snop  }
0x95: {  	[hbm4b:s4+s3] =	stream.indirect_vreg.scatter [tilespmem:s14], [sflag:$0x3], $0x80, v3, vm0, $0xb8;
	[tilespmem:$0x9C00] =	vst v63  }
0x96: {  	v3 =	vld [tilespmem:$0x9B20];
	_ =	sdelay $0x4  }
0x97: {  	v62 =	vshll.u32 v3, $0x1  }
0x98: {  	v3 =	vand.u32 $0x7, v3;
	v4 =	vand.u32 $0xFFFFFFF0, v62  }
0x99: {  	v3 =	vor.u32 v3, v4  }
0x9a: {  	v4 =	vperm.xlane v3, v0;
	_ =	sdelay $0x1  }
0x9b: {  	v3 =	vperm.xlane v3, v2;
	v4 =	vadd.s32 v1, v4;
	_ =	sdelay $0x1  }
0x9c: {  	v3 =	vadd.s32 v1, v3;
	_ =	sdelay $0x2  }
0x9d: {  	[hbm4b:s4+s3] =	stream.indirect_vreg.scatter [tilespmem:s15], [sflag:$0x3], $0x80, v4, vm0, $0xb8;
	[tilespmem:$0x9C00] =	vst v63  }
0x9e: {  	_ = 	snop  }
0x9f: {  	[hbm4b:s4+s3] =	stream.indirect_vreg.scatter [tilespmem:s16], [sflag:$0x3], $0x80, v3, vm0, $0xb8;
	[tilespmem:$0x9C00] =	vst v63  }
0xa0: {  	v3 =	vld [tilespmem:$0x9B30];
	_ =	sdelay $0x4  }
0xa1: {  	v63 =	vshll.u32 v3, $0x1  }
0xa2: {  	v3 =	vand.u32 $0x7, v3;
	v4 =	vand.u32 $0xFFFFFFF0, v63  }
0xa3: {  	v3 =	vor.u32 v3, v4  }
0xa4: {  	v4 =	vperm.xlane v3, v0;
	_ =	sdelay $0x1  }
0xa5: {  	v3 =	vperm.xlane v3, v2;
	v4 =	vadd.s32 v1, v4;
	_ =	sdelay $0x1  }
0xa6: {  	v3 =	vadd.s32 v1, v3;
	_ =	sdelay $0x2  }
0xa7: {  	[hbm4b:s4+s3] =	stream.indirect_vreg.scatter [tilespmem:s17], [sflag:$0x3], $0x80, v4, vm0, $0xb8;
	[tilespmem:$0x9C00] =	vst v63  }
0xa8: {  	_ = 	snop  }
0xa9: {  	[hbm4b:s4+s3] =	stream.indirect_vreg.scatter [tilespmem:s18], [sflag:$0x3], $0x80, v3, vm0, $0xb8;
	[tilespmem:$0x9C00] =	vst v63  }
.LBB2_5:
0xaa: {  	s5 =	sadd.s32 $0x1, s10  }
0xab: {  	p1 =	sge.s32 s5, s30  }
.Ltmp6:
0xac: {  	_ = 	snop;
	(pc) =	sbr.rel @p1 .LBB2_7-.Ltmp6, $1  }
0xad: {  	_ =	sdelay $0x3  }
0xae: {  	s5 =	simm.s32 @!p0 $0x4  }
0xaf: {  	_ =	swait.ge @!p0 [sflag:s5], $0x4000  }
0xb0: {  	[sflag:s5] =	ssyncset.done @!p0 $0x0  }
0xb1: {  	[sflag:s5] =	ssyncadd.s32 @!p0 $0xFFFFC000  }
0xb2: {  	v3 =	vld [tilespmem:s8+$0x20];
	_ =	sdelay $0x4  }
0xb3: {  	[tilespmem:$0x9A80] =	vst v3  }
0xb4: {  	v3 =	vld [tilespmem:s0+$0x20];
	_ =	sdelay $0x4  }
0xb5: {  	s5 =	sor.u32 $0x50, s1;
	[tilespmem:$0x9B80] =	vst v3  }
0xb6: {  	v3 =	vld [tilespmem:s5+$0x8000];
	_ =	sdelay $0x4  }
0xb7: {  	[tilespmem:$0x9A90] =	vst v3  }
0xb8: {  	v3 =	vld [tilespmem:s5+$0x8D00];
	_ =	sdelay $0x4  }
0xb9: {  	s5 =	sor.u32 $0x60, s1;
	[tilespmem:$0x9B90] =	vst v3  }
0xba: {  	v3 =	vld [tilespmem:s5+$0x8000];
	_ =	sdelay $0x4  }
0xbb: {  	[tilespmem:$0x9AA0] =	vst v3  }
0xbc: {  	v3 =	vld [tilespmem:s5+$0x8D00];
	_ =	sdelay $0x2  }
0xbd: {  	v4 =	vld [tilespmem:$0x9A80];
	_ =	sdelay $0x1  }
0xbe: {  	s5 =	sor.u32 $0x70, s1;
	[tilespmem:$0x9BA0] =	vst v3  }
0xbf: {  	v3 =	vld [tilespmem:s5+$0x8000];
	_ =	sdelay $0x1  }
0xc0: {  	v5 =	vshll.u32 v4, $0x1  }
0xc1: {  	v4 =	vand.u32 $0x7, v4;
	v5 =	vand.u32 $0xFFFFFFF0, v5  }
0xc2: {  	v4 =	vor.u32 v4, v5  }
0xc3: {  	[tilespmem:$0x9AB0] =	vst v3;
	v3 =	vperm.xlane v4, v0  }
0xc4: {  	v56 =	vld [tilespmem:s5+$0x8D00]  }
0xc5: {  	v4 =	vperm.xlane v4, v2;
	v3 =	vadd.s32 v1, v3;
	_ =	sdelay $0x1  }
0xc6: {  	v4 =	vadd.s32 v1, v4;
	_ =	sdelay $0x1  }
0xc7: {  	[tilespmem:$0x9BB0] =	vst v56  }
0xc8: {  	[tilespmem:s19], [sflag:$0x2] =	stream.indirect_vreg.gather [hbm4b:s2+s3], $0x80, v3, vm0, $0xb8;
	[tilespmem:$0x9C00] =	vst v63  }
0xc9: {  	_ = 	snop  }
0xca: {  	[tilespmem:s20], [sflag:$0x2] =	stream.indirect_vreg.gather [hbm4b:s2+s3], $0x80, v4, vm0, $0xb8;
	[tilespmem:$0x9C00] =	vst v63  }
0xcb: {  	v3 =	vld [tilespmem:$0x9A90];
	_ =	sdelay $0x4  }
0xcc: {  	v57 =	vshll.u32 v3, $0x1  }
0xcd: {  	v3 =	vand.u32 $0x7, v3;
	v4 =	vand.u32 $0xFFFFFFF0, v57  }
0xce: {  	v3 =	vor.u32 v3, v4  }
0xcf: {  	v4 =	vperm.xlane v3, v0;
	_ =	sdelay $0x1  }
0xd0: {  	v3 =	vperm.xlane v3, v2;
	v4 =	vadd.s32 v1, v4;
	_ =	sdelay $0x1  }
0xd1: {  	v3 =	vadd.s32 v1, v3;
	_ =	sdelay $0x2  }
0xd2: {  	[tilespmem:s21], [sflag:$0x2] =	stream.indirect_vreg.gather [hbm4b:s2+s3], $0x80, v4, vm0, $0xb8;
	[tilespmem:$0x9C00] =	vst v63  }
0xd3: {  	_ = 	snop  }
0xd4: {  	[tilespmem:s22], [sflag:$0x2] =	stream.indirect_vreg.gather [hbm4b:s2+s3], $0x80, v3, vm0, $0xb8;
	[tilespmem:$0x9C00] =	vst v63  }
0xd5: {  	v3 =	vld [tilespmem:$0x9AA0];
	_ =	sdelay $0x4  }
0xd6: {  	v58 =	vshll.u32 v3, $0x1  }
0xd7: {  	v3 =	vand.u32 $0x7, v3;
	v4 =	vand.u32 $0xFFFFFFF0, v58  }
0xd8: {  	v3 =	vor.u32 v3, v4  }
0xd9: {  	v4 =	vperm.xlane v3, v0;
	_ =	sdelay $0x1  }
0xda: {  	v3 =	vperm.xlane v3, v2;
	v4 =	vadd.s32 v1, v4;
	_ =	sdelay $0x1  }
0xdb: {  	v3 =	vadd.s32 v1, v3;
	_ =	sdelay $0x2  }
0xdc: {  	[tilespmem:s23], [sflag:$0x2] =	stream.indirect_vreg.gather [hbm4b:s2+s3], $0x80, v4, vm0, $0xb8;
	[tilespmem:$0x9C00] =	vst v63  }
0xdd: {  	_ = 	snop  }
0xde: {  	[tilespmem:s24], [sflag:$0x2] =	stream.indirect_vreg.gather [hbm4b:s2+s3], $0x80, v3, vm0, $0xb8;
	[tilespmem:$0x9C00] =	vst v63  }
0xdf: {  	v3 =	vld [tilespmem:$0x9AB0];
	_ =	sdelay $0x4  }
0xe0: {  	v59 =	vshll.u32 v3, $0x1  }
0xe1: {  	v3 =	vand.u32 $0x7, v3;
	v4 =	vand.u32 $0xFFFFFFF0, v59  }
0xe2: {  	v3 =	vor.u32 v3, v4  }
0xe3: {  	v4 =	vperm.xlane v3, v0;
	_ =	sdelay $0x1  }
0xe4: {  	v3 =	vperm.xlane v3, v2;
	v4 =	vadd.s32 v1, v4;
	_ =	sdelay $0x1  }
0xe5: {  	v3 =	vadd.s32 v1, v3;
	_ =	sdelay $0x2  }
0xe6: {  	[tilespmem:s25], [sflag:$0x2] =	stream.indirect_vreg.gather [hbm4b:s2+s3], $0x80, v4, vm0, $0xb8;
	[tilespmem:$0x9C00] =	vst v63  }
0xe7: {  	_ = 	snop  }
0xe8: {  	[tilespmem:s26], [sflag:$0x2] =	stream.indirect_vreg.gather [hbm4b:s2+s3], $0x80, v3, vm0, $0xb8;
	[tilespmem:$0x9C00] =	vst v63  }
0xe9: {  	_ =	swait.ge [sflag:s28], $0x4000  }
0xea: {  	[sflag:s28] =	ssyncset.done $0x0  }
0xeb: {  	[sflag:s28] =	ssyncadd.s32 $0xFFFFC000  }
0xec: {  	v3 =	vld [tilespmem:$0x9B80];
	_ =	sdelay $0x4  }
0xed: {  	v60 =	vshll.u32 v3, $0x1  }
0xee: {  	v3 =	vand.u32 $0x7, v3;
	v4 =	vand.u32 $0xFFFFFFF0, v60  }
0xef: {  	v3 =	vor.u32 v3, v4  }
0xf0: {  	v4 =	vperm.xlane v3, v0;
	_ =	sdelay $0x1  }
0xf1: {  	v3 =	vperm.xlane v3, v2;
	v4 =	vadd.s32 v1, v4;
	_ =	sdelay $0x1  }
0xf2: {  	v3 =	vadd.s32 v1, v3;
	_ =	sdelay $0x2  }
0xf3: {  	[hbm4b:s4+s3] =	stream.indirect_vreg.scatter [tilespmem:s19], [sflag:$0x4], $0x80, v4, vm0, $0xb8;
	[tilespmem:$0x9C00] =	vst v63  }
0xf4: {  	_ = 	snop  }
0xf5: {  	[hbm4b:s4+s3] =	stream.indirect_vreg.scatter [tilespmem:s20], [sflag:$0x4], $0x80, v3, vm0, $0xb8;
	[tilespmem:$0x9C00] =	vst v63  }
0xf6: {  	v3 =	vld [tilespmem:$0x9B90];
	_ =	sdelay $0x4  }
0xf7: {  	v61 =	vshll.u32 v3, $0x1  }
0xf8: {  	v3 =	vand.u32 $0x7, v3;
	v4 =	vand.u32 $0xFFFFFFF0, v61  }
0xf9: {  	v3 =	vor.u32 v3, v4  }
0xfa: {  	v4 =	vperm.xlane v3, v0;
	_ =	sdelay $0x1  }
0xfb: {  	v3 =	vperm.xlane v3, v2;
	v4 =	vadd.s32 v1, v4;
	_ =	sdelay $0x1  }
0xfc: {  	v3 =	vadd.s32 v1, v3;
	_ =	sdelay $0x2  }
0xfd: {  	[hbm4b:s4+s3] =	stream.indirect_vreg.scatter [tilespmem:s21], [sflag:$0x4], $0x80, v4, vm0, $0xb8;
	[tilespmem:$0x9C00] =	vst v63  }
0xfe: {  	_ = 	snop  }
0xff: {  	[hbm4b:s4+s3] =	stream.indirect_vreg.scatter [tilespmem:s22], [sflag:$0x4], $0x80, v3, vm0, $0xb8;
	[tilespmem:$0x9C00] =	vst v63  }
0x100: {  	v3 =	vld [tilespmem:$0x9BA0];
	_ =	sdelay $0x4  }
0x101: {  	v62 =	vshll.u32 v3, $0x1  }
0x102: {  	v3 =	vand.u32 $0x7, v3;
	v4 =	vand.u32 $0xFFFFFFF0, v62  }
0x103: {  	v3 =	vor.u32 v3, v4  }
0x104: {  	v4 =	vperm.xlane v3, v0;
	_ =	sdelay $0x1  }
0x105: {  	v3 =	vperm.xlane v3, v2;
	v4 =	vadd.s32 v1, v4;
	_ =	sdelay $0x1  }
0x106: {  	v3 =	vadd.s32 v1, v3;
	_ =	sdelay $0x2  }
0x107: {  	[hbm4b:s4+s3] =	stream.indirect_vreg.scatter [tilespmem:s23], [sflag:$0x4], $0x80, v4, vm0, $0xb8;
	[tilespmem:$0x9C00] =	vst v63  }
0x108: {  	_ = 	snop  }
0x109: {  	[hbm4b:s4+s3] =	stream.indirect_vreg.scatter [tilespmem:s24], [sflag:$0x4], $0x80, v3, vm0, $0xb8;
	[tilespmem:$0x9C00] =	vst v63  }
0x10a: {  	v3 =	vld [tilespmem:$0x9BB0];
	_ =	sdelay $0x4  }
0x10b: {  	v63 =	vshll.u32 v3, $0x1  }
0x10c: {  	v3 =	vand.u32 $0x7, v3;
	v4 =	vand.u32 $0xFFFFFFF0, v63  }
0x10d: {  	v3 =	vor.u32 v3, v4  }
0x10e: {  	v4 =	vperm.xlane v3, v0;
	_ =	sdelay $0x1  }
0x10f: {  	v3 =	vperm.xlane v3, v2;
	v4 =	vadd.s32 v1, v4;
	_ =	sdelay $0x1  }
0x110: {  	v3 =	vadd.s32 v1, v3  }
.Ltmp7:
0x111: {  	_ = 	snop;
	(pc) =	sbr.rel .LBB2_7-.Ltmp7, $4  }
0x112: {  	_ = 	snop  }
0x113: {  	[hbm4b:s4+s3] =	stream.indirect_vreg.scatter [tilespmem:s25], [sflag:$0x4], $0x80, v4, vm0, $0xb8;
	[tilespmem:$0x9C00] =	vst v63  }
0x114: {  	_ = 	snop  }
0x115: {  	[hbm4b:s4+s3] =	stream.indirect_vreg.scatter [tilespmem:s26], [sflag:$0x4], $0x80, v3, vm0, $0xb8;
	[tilespmem:$0x9C00] =	vst v63  }
.LBB2_9:
0x116: {  	_ =	sfence.sel $0x180000  }
0x117: {  	[bflag:$0x0] =	sbarrier.arrive $0xFFFF  }
0x118: {  	_ =	strace $0x9000004A  }
0x119: {  	s0 =	stileid.u32;
	[bflag:$0x2] =	sbarrier.arrive $0xFFFF  }
0x11a: {  	p0 =	sne.s32 s0, $0x0;
	s0 =	rddreg [dreg:$0x2]  }
0x11b: {  	s0 =	sadd.s32 @!p0 $0x100000, s0  }
0x11c: {  	[sflag:s0] =	ssyncadd.tile.s32 @!p0 $0x1;
	_ =	shalt  }
.Lfunc_end2:
_tile_overlayer_lowered:
.L_overlay_start_2:
0x11d: {  	(tag) =	ssettag $0x2  }
0x11e: {  	s0 =	rddreg [dreg:$0x0];
	s2 =	stileid.u32  }
0x11f: {  	s1 =	rddreg [dreg:$0x1];
	p0 =	sne.s32 s2, $0x0  }
0x120: {  	s3 =	rddreg [dreg:$0x2];
	[bflag:$0x3] =	sbarrier.arrive $0xFFFF;
	s2 =	simm.s32 @!p0 $0x1C06  }
0x121: {  	[timem:s3], [sflag:s2] =	dma.local @!p0 [hbm:s0], s1  }
0x122: {  	s0 =	simm.s32 @!p0 $0x6  }
0x123: {  	_ =	swait.ge @!p0 [sflag:s0], s1  }
0x124: {  	s1 =	ssub.s32 @!p0 $0x0, s1;
	[sflag:s0] =	ssyncset.done @!p0 $0x0  }
0x125: {  	[sflag:s0] =	ssyncadd.s32 @!p0 s1  }
0x126: {  	[bflag:$0x3] =	sbarrier.arrive $0xFFFF  }
0x127: {  	_ =	shalt  }

</sc_bundles>
